<compile_context>
chip_gen: v7x
topology: tpu7x:2x2x1
jax: 0.10.2.dev20260603
libtpu: 0.0.44.dev20260713+nightly
codegen_flags: <defaults>
</compile_context>

<pallas_src>
import functools
import itertools

import numpy as np
import jax
import jax.numpy as jnp
from jax import lax
from jax.experimental import pallas as pl
from jax.experimental.pallas import tpu as pltpu
from jax.experimental.pallas import tpu_sc as plsc

NUM_FIELDS = 26
VOCAB = 100000
EMBED_DIM = 16
ATT_VECTOR = 8
BATCH = 4096
NUM_PAIRS = NUM_FIELDS * (NUM_FIELDS - 1) // 2
P_PAD = 328
BT = 64
NUM_PLANES = NUM_FIELDS * EMBED_DIM

_row, _col = zip(*itertools.combinations(range(NUM_FIELDS), 2))
_R = np.zeros((P_PAD, NUM_FIELDS), np.float32)
_C = np.zeros((P_PAD, NUM_FIELDS), np.float32)
_R[np.arange(NUM_PAIRS), _row] = 1.0
_C[np.arange(NUM_PAIRS), _col] = 1.0


def _sc_gather(t3, sidx):
    info = plsc.get_sparse_core_info()
    nw = info.num_cores * info.num_subcores
    ppw = NUM_PLANES // nw
    nb = sidx.shape[1]
    mesh = plsc.VectorSubcoreMesh(core_axis_name="c", subcore_axis_name="s")

    @functools.partial(
        pl.kernel,
        out_type=jax.ShapeDtypeStruct((NUM_PLANES, nb), jnp.float32),
        mesh=mesh,
        scratch_types=[
            pltpu.VMEM((2, nb), jnp.int32),
            pltpu.VMEM((ppw, nb), jnp.float32),
            pltpu.SemaphoreType.DMA,
            pltpu.SemaphoreType.DMA,
        ],
        compiler_params=pltpu.CompilerParams(use_tc_tiling_on_sc=False),
    )
    def gather_kernel(t_hbm, sidx_hbm, out_hbm, idx_v, vals_v, sem, gsem):
        wid = lax.axis_index("s") * info.num_cores + lax.axis_index("c")
        base = wid * ppw
        f0 = base // EMBED_DIM
        f1 = (base + ppw - 1) // EMBED_DIM
        pltpu.sync_copy(sidx_hbm.at[f0], idx_v.at[0])
        pltpu.sync_copy(sidx_hbm.at[f1], idx_v.at[1])
        copies = []
        for j in range(ppw):
            plane = base + j
            f = plane // EMBED_DIM
            d = plane % EMBED_DIM
            copies.append(pltpu.async_copy(
                t_hbm.at[f].at[d].at[idx_v.at[f - f0]], vals_v.at[j], gsem))
        for c in copies:
            c.wait()
        pltpu.sync_copy(vals_v, out_hbm.at[pl.ds(base, ppw)])

    return gather_kernel(t3, sidx)


_SUB = 128 // BT


def _tc_body(e_ref, r_ref, c_ref, wbig_ref, wp_ref, rep_ref, wout_ref,
             batt_ref, bout_ref, o_ref):
    ed128 = e_ref[...]
    for t in range(_SUB):
        ed = ed128[:, t * BT:(t + 1) * BT]
        et = jnp.transpose(ed.reshape(NUM_FIELDS, EMBED_DIM, BT),
                           (0, 2, 1)).reshape(NUM_FIELDS, BT * EMBED_DIM)
        p = jnp.dot(r_ref[...], et, preferred_element_type=jnp.float32)
        q = jnp.dot(c_ref[...], et, preferred_element_type=jnp.float32)
        bi = p * q
        a1 = jnp.dot(bi.astype(jnp.bfloat16), wbig_ref[...],
                     preferred_element_type=jnp.float32)
        a1 = jnp.maximum(a1 + batt_ref[...], 0.0)
        logits = jnp.dot(a1, wp_ref[...], preferred_element_type=jnp.float32)
        pid = lax.broadcasted_iota(jnp.int32, logits.shape, 0)
        logits = jnp.where(pid < NUM_PAIRS, logits, -1e30)
        m = jnp.max(logits, axis=0, keepdims=True)
        ex = jnp.exp(logits - m)
        s = ex / jnp.sum(ex, axis=0, keepdims=True)
        s_exp = jnp.dot(s, rep_ref[...], preferred_element_type=jnp.float32)
        x = jnp.sum(bi * s_exp, axis=0, keepdims=True)
        y = jnp.dot(x, wout_ref[...], preferred_element_type=jnp.float32)
        y = y + bout_ref[...]
        o_ref[0, t] = (1.0 / (1.0 + jnp.exp(-y)))[0]


def _tc_attention(e_d, w_big, wp_bd, rep, wout_bd, b_att_tile, b_out2):
    grid = e_d.shape[1] // 128
    full = lambda shape: pl.BlockSpec(shape, lambda i: tuple(0 for _ in shape))
    return pl.pallas_call(
        _tc_body,
        grid=(grid,),
        in_specs=[
            pl.BlockSpec((NUM_PLANES, 128), lambda i: (0, i)),
            full((P_PAD, NUM_FIELDS)),
            full((P_PAD, NUM_FIELDS)),
            full((BT * EMBED_DIM, BT * ATT_VECTOR)),
            full((BT * ATT_VECTOR, BT)),
            full((BT, BT * EMBED_DIM)),
            full((BT * EMBED_DIM, BT)),
            full((1, BT * ATT_VECTOR)),
            full((1, 1)),
        ],
        out_specs=pl.BlockSpec((1, _SUB, BT), lambda i: (i, 0, 0)),
        out_shape=jax.ShapeDtypeStruct((grid, _SUB, BT), jnp.float32),
    )(e_d, jnp.asarray(_R), jnp.asarray(_C), w_big, wp_bd, rep, wout_bd,
      b_att_tile, b_out2)


def kernel(dense_inputs, sparse_inputs, embed_tables, W_att, b_att, w_proj,
           b_proj, W_out, b_out):
    del dense_inputs, b_proj
    t3 = jnp.transpose(embed_tables, (0, 2, 1))
    sidx = sparse_inputs.astype(jnp.int32).T


    eye = jnp.eye(BT, dtype=jnp.float32)
    w_big = jnp.kron(eye, W_att).astype(jnp.bfloat16)
    wp_bd = jnp.kron(eye, w_proj)
    rep = jnp.kron(eye, jnp.ones((1, EMBED_DIM), jnp.float32))
    wout_bd = jnp.kron(eye, W_out)
    b_att_tile = jnp.tile(b_att, (BT,))[None, :]
    b_out2 = b_out.reshape(1, 1)

    h = BATCH // 2
    outs = []
    for k in range(2):
        e_h = _sc_gather(t3, sidx[:, k * h:(k + 1) * h])
        outs.append(_tc_attention(e_h, w_big, wp_bd, rep, wout_bd,
                                  b_att_tile, b_out2).reshape(h, 1))
    return jnp.concatenate(outs, axis=0)

# --- scband reference (transcript-rebuilt; emitter-appended) ---
"""Pipeline reference for scband-afm-45414984188607 (READ-ONLY COPY).

The authoritative reference and input builder live on the scoring server;
editing this copy changes nothing except your own understanding.
"""

import itertools
import jax, jax.numpy as jnp
import numpy as np

NUM_FIELDS = 26
VOCAB = 100000
EMBED_DIM = 16
ATT_VECTOR = 8
BATCH = 4096
NUM_DENSE = 13


def setup_inputs(seed: int = 0) -> dict:
    key = jax.random.key(seed)
    ks = jax.random.split(key, 9)
    dense_inputs = jax.random.normal(ks[0], (BATCH, NUM_DENSE), dtype=jnp.float32)
    sparse_inputs = jax.random.randint(ks[1], (BATCH, NUM_FIELDS), 0, VOCAB, dtype=jnp.int64 if jax.config.jax_enable_x64 else jnp.int32)
    # embedding tables: one per sparse field, packed as [F, V, D] (random_uniform init in keras)
    embed_tables = jax.random.uniform(ks[2], (NUM_FIELDS, VOCAB, EMBED_DIM), dtype=jnp.float32, minval=-0.05, maxval=0.05)
    # attention_W: Dense(att_vector, relu)
    W_att = jax.random.normal(ks[3], (EMBED_DIM, ATT_VECTOR), dtype=jnp.float32) * 0.1
    b_att = jnp.zeros((ATT_VECTOR,), dtype=jnp.float32)
    # attention_dense: Dense(1)
    w_proj = jax.random.normal(ks[4], (ATT_VECTOR, 1), dtype=jnp.float32) * 0.1
    b_proj = jnp.zeros((1,), dtype=jnp.float32)
    # final dense: Dense(1)
    W_out = jax.random.normal(ks[5], (EMBED_DIM, 1), dtype=jnp.float32) * 0.1
    b_out = jnp.zeros((1,), dtype=jnp.float32)
    return {
        "dense_inputs": dense_inputs,
        "sparse_inputs": sparse_inputs,
        "embed_tables": embed_tables,
        "W_att": W_att,
        "b_att": b_att,
        "w_proj": w_proj,
        "b_proj": b_proj,
        "W_out": W_out,
        "b_out": b_out,
    }


def reference(dense_inputs, sparse_inputs, embed_tables, W_att, b_att, w_proj, b_proj, W_out, b_out):
    # per-field embedding lookup -> [B, F, D]
    embed = jax.vmap(lambda tab, idx: jnp.take(tab, idx, axis=0), in_axes=(0, 1), out_axes=1)(embed_tables, sparse_inputs)
    # pairwise interactions
    row, col = [], []
    for r, c in itertools.combinations(range(NUM_FIELDS), 2):
        row.append(r)
        col.append(c)
    row = jnp.asarray(row, dtype=jnp.int32)
    col = jnp.asarray(col, dtype=jnp.int32)
    p = jnp.take(embed, row, axis=1)  # [B, P, D]
    q = jnp.take(embed, col, axis=1)  # [B, P, D]
    bi_interaction = p * q            # [B, P, D]
    # attention pooling (mode == 'att')
    a = jax.nn.relu(bi_interaction @ W_att + b_att)  # [B, P, att]
    a = a @ w_proj + b_proj                          # [B, P, 1]
    a_score = jax.nn.softmax(a, axis=1)
    x = jnp.sum(bi_interaction * a_score, axis=1)    # [B, D]
    # dropout is identity at inference
    outputs = jax.nn.sigmoid(x @ W_out + b_out)      # [B, 1]
    return outputs

if __name__ == "__main__":
    import jax
    _d = setup_inputs()
    print(jax.jit(kernel)(*tuple(_d.values())))

</pallas_src>

<mosaic_0001>
#map = affine_map<(d0, d1) -> (0, 0, 0)>
#map1 = affine_map<(d0, d1) -> (0, 0)>
module attributes {stable_mosaic.version = 14 : i64} {
  func.func @gather_kernel(%arg0: i32, %arg1: i32, %arg2: memref<26x16x100000xf32, #tpu.memory_space<hbm>>, %arg3: memref<26x2048xi32, #tpu.memory_space<hbm>>, %arg4: memref<416x2048xf32, #tpu.memory_space<hbm>>, %arg5: memref<2x2048xi32, #tpu.memory_space<vmem>>, %arg6: memref<13x2048xf32, #tpu.memory_space<vmem>>, %arg7: memref<!tpu.dma_semaphore, #tpu.memory_space<semaphore_mem>>, %arg8: memref<!tpu.dma_semaphore, #tpu.memory_space<semaphore_mem>>) attributes {dimension_semantics = [#tpu.dimension_semantics<core_parallel>, #tpu.dimension_semantics<subcore_parallel>], iteration_bounds = array<i64: 2, 16>, scalar_prefetch = 0 : i64, scratch_operands = 4 : i64, tpu.core_type = #tpu.core_type<sc_vector_subcore>, window_params = [{transform_indices = #map}, {transform_indices = #map1}, {transform_indices = #map1}]} {
    %mul3A = arith.constant 2 : i32
    %mul3A_0 = arith.muli %arg1, %mul3A : i32
    %add3A = arith.addi %mul3A_0, %arg0 : i32
    %mul3A_1 = arith.constant 13 : i32
    %mul3A_2 = arith.muli %add3A, %mul3A_1 : i32
    %jit3A = arith.constant 16 : i32
    %div3A = arith.divsi %mul3A_2, %jit3A : i32
    %sign3A = arith.constant 0 : i32
    %sign3A_3 = arith.cmpi sgt, %mul3A_2, %sign3A : i32
    %sign3A_4 = arith.extui %sign3A_3 : i1 to i32
    %sign3A_5 = arith.constant 0 : i32
    %sign3A_6 = arith.cmpi slt, %mul3A_2, %sign3A_5 : i32
    %sign3A_7 = arith.extui %sign3A_6 : i1 to i32
    %sign3A_8 = arith.subi %sign3A_4, %sign3A_7 : i32
    %sign3A_9 = arith.constant 0 : i32
    %sign3A_10 = arith.cmpi sgt, %jit3A, %sign3A_9 : i32
    %sign3A_11 = arith.extui %sign3A_10 : i1 to i32
    %sign3A_12 = arith.constant 0 : i32
    %sign3A_13 = arith.cmpi slt, %jit3A, %sign3A_12 : i32
    %sign3A_14 = arith.extui %sign3A_13 : i1 to i32
    %sign3A_15 = arith.subi %sign3A_11, %sign3A_14 : i32
    %ne3A = arith.cmpi ne, %sign3A_8, %sign3A_15 : i32
    %rem3A = arith.remsi %mul3A_2, %jit3A : i32
    %ne3A_16 = arith.constant 0 : i32
    %ne3A_17 = arith.cmpi ne, %rem3A, %ne3A_16 : i32
    %and3A = arith.andi %ne3A, %ne3A_17 : i1
    %sub3A = arith.constant 1 : i32
    %sub3A_18 = arith.subi %div3A, %sub3A : i32
    %select_n3A = arith.select %and3A, %sub3A_18, %div3A : i32
    %add3A_19 = arith.constant 13 : i32
    %add3A_20 = arith.addi %mul3A_2, %add3A_19 : i32
    %sub3A_21 = arith.constant 1 : i32
    %sub3A_22 = arith.subi %add3A_20, %sub3A_21 : i32
    %jit3A_23 = arith.constant 16 : i32
    %div3A_24 = arith.divsi %sub3A_22, %jit3A_23 : i32
    %sign3A_25 = arith.constant 0 : i32
    %sign3A_26 = arith.cmpi sgt, %sub3A_22, %sign3A_25 : i32
    %sign3A_27 = arith.extui %sign3A_26 : i1 to i32
    %sign3A_28 = arith.constant 0 : i32
    %sign3A_29 = arith.cmpi slt, %sub3A_22, %sign3A_28 : i32
    %sign3A_30 = arith.extui %sign3A_29 : i1 to i32
    %sign3A_31 = arith.subi %sign3A_27, %sign3A_30 : i32
    %sign3A_32 = arith.constant 0 : i32
    %sign3A_33 = arith.cmpi sgt, %jit3A_23, %sign3A_32 : i32
    %sign3A_34 = arith.extui %sign3A_33 : i1 to i32
    %sign3A_35 = arith.constant 0 : i32
    %sign3A_36 = arith.cmpi slt, %jit3A_23, %sign3A_35 : i32
    %sign3A_37 = arith.extui %sign3A_36 : i1 to i32
    %sign3A_38 = arith.subi %sign3A_34, %sign3A_37 : i32
    %ne3A_39 = arith.cmpi ne, %sign3A_31, %sign3A_38 : i32
    %rem3A_40 = arith.remsi %sub3A_22, %jit3A_23 : i32
    %ne3A_41 = arith.constant 0 : i32
    %ne3A_42 = arith.cmpi ne, %rem3A_40, %ne3A_41 : i32
    %and3A_43 = arith.andi %ne3A_39, %ne3A_42 : i1
    %sub3A_44 = arith.constant 1 : i32
    %sub3A_45 = arith.subi %div3A_24, %sub3A_44 : i32
    %select_n3A_46 = arith.select %and3A_43, %sub3A_45, %div3A_24 : i32
    %run_scoped3A = arith.constant 0 : i32
    "tpu.region"() ({
      %run_scoped3A_1019 = tpu.sem_alloc : memref<!tpu.dma_semaphore, #tpu.memory_space<semaphore_mem>>
      %dma_start3A_1020 = arith.constant 0 : i32
      %dma_start3A_1021 = tpu.memref_slice %arg5[%run_scoped3A, %dma_start3A_1020] : memref<2x2048xi32, #tpu.memory_space<vmem>> -> memref<1x2048xi32, #tpu.memory_space<vmem>>
      %dma_start3A_1022 = tpu.memref_squeeze %dma_start3A_1021 : memref<1x2048xi32, #tpu.memory_space<vmem>> -> memref<2048xi32, #tpu.memory_space<vmem>>
      %dma_start3A_1023 = arith.constant 0 : i32
      %dma_start3A_1024 = tpu.memref_slice %arg3[%select_n3A, %dma_start3A_1023] : memref<26x2048xi32, #tpu.memory_space<hbm>> -> memref<1x2048xi32, #tpu.memory_space<hbm>>
      %dma_start3A_1025 = tpu.memref_squeeze %dma_start3A_1024 : memref<1x2048xi32, #tpu.memory_space<hbm>> -> memref<2048xi32, #tpu.memory_space<hbm>>
      %dma_start3A_1026 = arith.constant 0 : i32
      %dma_start3A_1027 = tpu.memref_slice %arg5[%run_scoped3A, %dma_start3A_1026] : memref<2x2048xi32, #tpu.memory_space<vmem>> -> memref<1x2048xi32, #tpu.memory_space<vmem>>
      %dma_start3A_1028 = tpu.memref_squeeze %dma_start3A_1027 : memref<1x2048xi32, #tpu.memory_space<vmem>> -> memref<2048xi32, #tpu.memory_space<vmem>>
      %dma_start3A_1029 = arith.constant 0 : i32
      %dma_start3A_1030 = tpu.memref_slice %arg3[%select_n3A, %dma_start3A_1029] : memref<26x2048xi32, #tpu.memory_space<hbm>> -> memref<1x2048xi32, #tpu.memory_space<hbm>>
      %dma_start3A_1031 = tpu.memref_squeeze %dma_start3A_1030 : memref<1x2048xi32, #tpu.memory_space<hbm>> -> memref<2048xi32, #tpu.memory_space<hbm>>
      tpu.enqueue_dma source(%dma_start3A_1031 : memref<2048xi32, #tpu.memory_space<hbm>>) target(%dma_start3A_1028 : memref<2048xi32, #tpu.memory_space<vmem>>) target_semaphore(%run_scoped3A_1019 : memref<!tpu.dma_semaphore, #tpu.memory_space<semaphore_mem>>)
      %dma_wait3A_1032 = arith.constant 0 : i32
      %dma_wait3A_1033 = tpu.memref_slice %arg5[%run_scoped3A, %dma_wait3A_1032] : memref<2x2048xi32, #tpu.memory_space<vmem>> -> memref<1x2048xi32, #tpu.memory_space<vmem>>
      %dma_wait3A_1034 = tpu.memref_squeeze %dma_wait3A_1033 : memref<1x2048xi32, #tpu.memory_space<vmem>> -> memref<2048xi32, #tpu.memory_space<vmem>>
      %dma_wait3A_1035 = arith.constant 0 : i32
      %dma_wait3A_1036 = tpu.memref_slice %arg3[%select_n3A, %dma_wait3A_1035] : memref<26x2048xi32, #tpu.memory_space<hbm>> -> memref<1x2048xi32, #tpu.memory_space<hbm>>
      %dma_wait3A_1037 = tpu.memref_squeeze %dma_wait3A_1036 : memref<1x2048xi32, #tpu.memory_space<hbm>> -> memref<2048xi32, #tpu.memory_space<hbm>>
      %dma_wait3A_1038 = arith.constant 0 : i32
      %dma_wait3A_1039 = tpu.memref_slice %arg5[%run_scoped3A, %dma_wait3A_1038] : memref<2x2048xi32, #tpu.memory_space<vmem>> -> memref<1x2048xi32, #tpu.memory_space<vmem>>
      %dma_wait3A_1040 = tpu.memref_squeeze %dma_wait3A_1039 : memref<1x2048xi32, #tpu.memory_space<vmem>> -> memref<2048xi32, #tpu.memory_space<vmem>>
      %dma_wait3A_1041 = arith.constant 0 : i32
      %dma_wait3A_1042 = tpu.memref_slice %arg3[%select_n3A, %dma_wait3A_1041] : memref<26x2048xi32, #tpu.memory_space<hbm>> -> memref<1x2048xi32, #tpu.memory_space<hbm>>
      %dma_wait3A_1043 = tpu.memref_squeeze %dma_wait3A_1042 : memref<1x2048xi32, #tpu.memory_space<hbm>> -> memref<2048xi32, #tpu.memory_space<hbm>>
      tpu.wait_dma2 semaphore(%run_scoped3A_1019 : memref<!tpu.dma_semaphore, #tpu.memory_space<semaphore_mem>>) src(%dma_wait3A_1043 : memref<2048xi32, #tpu.memory_space<hbm>>) dst(%dma_wait3A_1040 : memref<2048xi32, #tpu.memory_space<vmem>>)
      tpu.yield
    }) : () -> ()
    %run_scoped3A_47 = arith.constant 1 : i32
    "tpu.region"() ({
      %run_scoped3A_1019 = tpu.sem_alloc : memref<!tpu.dma_semaphore, #tpu.memory_space<semaphore_mem>>
      %dma_start3A_1020 = arith.constant 0 : i32
      %dma_start3A_1021 = tpu.memref_slice %arg5[%run_scoped3A_47, %dma_start3A_1020] : memref<2x2048xi32, #tpu.memory_space<vmem>> -> memref<1x2048xi32, #tpu.memory_space<vmem>>
      %dma_start3A_1022 = tpu.memref_squeeze %dma_start3A_1021 : memref<1x2048xi32, #tpu.memory_space<vmem>> -> memref<2048xi32, #tpu.memory_space<vmem>>
      %dma_start3A_1023 = arith.constant 0 : i32
      %dma_start3A_1024 = tpu.memref_slice %arg3[%select_n3A_46, %dma_start3A_1023] : memref<26x2048xi32, #tpu.memory_space<hbm>> -> memref<1x2048xi32, #tpu.memory_space<hbm>>
      %dma_start3A_1025 = tpu.memref_squeeze %dma_start3A_1024 : memref<1x2048xi32, #tpu.memory_space<hbm>> -> memref<2048xi32, #tpu.memory_space<hbm>>
      %dma_start3A_1026 = arith.constant 0 : i32
      %dma_start3A_1027 = tpu.memref_slice %arg5[%run_scoped3A_47, %dma_start3A_1026] : memref<2x2048xi32, #tpu.memory_space<vmem>> -> memref<1x2048xi32, #tpu.memory_space<vmem>>
      %dma_start3A_1028 = tpu.memref_squeeze %dma_start3A_1027 : memref<1x2048xi32, #tpu.memory_space<vmem>> -> memref<2048xi32, #tpu.memory_space<vmem>>
      %dma_start3A_1029 = arith.constant 0 : i32
      %dma_start3A_1030 = tpu.memref_slice %arg3[%select_n3A_46, %dma_start3A_1029] : memref<26x2048xi32, #tpu.memory_space<hbm>> -> memref<1x2048xi32, #tpu.memory_space<hbm>>
      %dma_start3A_1031 = tpu.memref_squeeze %dma_start3A_1030 : memref<1x2048xi32, #tpu.memory_space<hbm>> -> memref<2048xi32, #tpu.memory_space<hbm>>
      tpu.enqueue_dma source(%dma_start3A_1031 : memref<2048xi32, #tpu.memory_space<hbm>>) target(%dma_start3A_1028 : memref<2048xi32, #tpu.memory_space<vmem>>) target_semaphore(%run_scoped3A_1019 : memref<!tpu.dma_semaphore, #tpu.memory_space<semaphore_mem>>)
      %dma_wait3A_1032 = arith.constant 0 : i32
      %dma_wait3A_1033 = tpu.memref_slice %arg5[%run_scoped3A_47, %dma_wait3A_1032] : memref<2x2048xi32, #tpu.memory_space<vmem>> -> memref<1x2048xi32, #tpu.memory_space<vmem>>
      %dma_wait3A_1034 = tpu.memref_squeeze %dma_wait3A_1033 : memref<1x2048xi32, #tpu.memory_space<vmem>> -> memref<2048xi32, #tpu.memory_space<vmem>>
      %dma_wait3A_1035 = arith.constant 0 : i32
      %dma_wait3A_1036 = tpu.memref_slice %arg3[%select_n3A_46, %dma_wait3A_1035] : memref<26x2048xi32, #tpu.memory_space<hbm>> -> memref<1x2048xi32, #tpu.memory_space<hbm>>
      %dma_wait3A_1037 = tpu.memref_squeeze %dma_wait3A_1036 : memref<1x2048xi32, #tpu.memory_space<hbm>> -> memref<2048xi32, #tpu.memory_space<hbm>>
      %dma_wait3A_1038 = arith.constant 0 : i32
      %dma_wait3A_1039 = tpu.memref_slice %arg5[%run_scoped3A_47, %dma_wait3A_1038] : memref<2x2048xi32, #tpu.memory_space<vmem>> -> memref<1x2048xi32, #tpu.memory_space<vmem>>
      %dma_wait3A_1040 = tpu.memref_squeeze %dma_wait3A_1039 : memref<1x2048xi32, #tpu.memory_space<vmem>> -> memref<2048xi32, #tpu.memory_space<vmem>>
      %dma_wait3A_1041 = arith.constant 0 : i32
      %dma_wait3A_1042 = tpu.memref_slice %arg3[%select_n3A_46, %dma_wait3A_1041] : memref<26x2048xi32, #tpu.memory_space<hbm>> -> memref<1x2048xi32, #tpu.memory_space<hbm>>
      %dma_wait3A_1043 = tpu.memref_squeeze %dma_wait3A_1042 : memref<1x2048xi32, #tpu.memory_space<hbm>> -> memref<2048xi32, #tpu.memory_space<hbm>>
      tpu.wait_dma2 semaphore(%run_scoped3A_1019 : memref<!tpu.dma_semaphore, #tpu.memory_space<semaphore_mem>>) src(%dma_wait3A_1043 : memref<2048xi32, #tpu.memory_space<hbm>>) dst(%dma_wait3A_1040 : memref<2048xi32, #tpu.memory_space<vmem>>)
      tpu.yield
    }) : () -> ()
    %add3A_48 = arith.constant 0 : i32
    %add3A_49 = arith.addi %mul3A_2, %add3A_48 : i32
    %jit3A_50 = arith.constant 16 : i32
    %div3A_51 = arith.divsi %add3A_49, %jit3A_50 : i32
    %sign3A_52 = arith.constant 0 : i32
    %sign3A_53 = arith.cmpi sgt, %add3A_49, %sign3A_52 : i32
    %sign3A_54 = arith.extui %sign3A_53 : i1 to i32
    %sign3A_55 = arith.constant 0 : i32
    %sign3A_56 = arith.cmpi slt, %add3A_49, %sign3A_55 : i32
    %sign3A_57 = arith.extui %sign3A_56 : i1 to i32
    %sign3A_58 = arith.subi %sign3A_54, %sign3A_57 : i32
    %sign3A_59 = arith.constant 0 : i32
    %sign3A_60 = arith.cmpi sgt, %jit3A_50, %sign3A_59 : i32
    %sign3A_61 = arith.extui %sign3A_60 : i1 to i32
    %sign3A_62 = arith.constant 0 : i32
    %sign3A_63 = arith.cmpi slt, %jit3A_50, %sign3A_62 : i32
    %sign3A_64 = arith.extui %sign3A_63 : i1 to i32
    %sign3A_65 = arith.subi %sign3A_61, %sign3A_64 : i32
    %ne3A_66 = arith.cmpi ne, %sign3A_58, %sign3A_65 : i32
    %rem3A_67 = arith.remsi %add3A_49, %jit3A_50 : i32
    %ne3A_68 = arith.constant 0 : i32
    %ne3A_69 = arith.cmpi ne, %rem3A_67, %ne3A_68 : i32
    %and3A_70 = arith.andi %ne3A_66, %ne3A_69 : i1
    %sub3A_71 = arith.constant 1 : i32
    %sub3A_72 = arith.subi %div3A_51, %sub3A_71 : i32
    %select_n3A_73 = arith.select %and3A_70, %sub3A_72, %div3A_51 : i32
    %jit3A_74 = arith.constant 16 : i32
    %eq3A = arith.constant 0 : i32
    %eq3A_75 = arith.cmpi eq, %jit3A_74, %eq3A : i32
    %jit3A_76 = arith.constant 1 : i32
    %select_n3A_77 = arith.select %eq3A_75, %jit3A_76, %jit3A_74 : i32
    %rem3A_78 = arith.remsi %add3A_49, %select_n3A_77 : i32
    %ne3A_79 = arith.constant 0 : i32
    %ne3A_80 = arith.cmpi ne, %rem3A_78, %ne3A_79 : i32
    %lt3A = arith.constant 0 : i32
    %lt3A_81 = arith.cmpi slt, %rem3A_78, %lt3A : i32
    %lt3A_82 = arith.constant 0 : i32
    %lt3A_83 = arith.cmpi slt, %select_n3A_77, %lt3A_82 : i32
    %ne3A_84 = arith.xori %lt3A_81, %lt3A_83 : i1
    %and3A_85 = arith.andi %ne3A_84, %ne3A_80 : i1
    %add3A_86 = arith.addi %rem3A_78, %select_n3A_77 : i32
    %select_n3A_87 = arith.select %and3A_85, %add3A_86, %rem3A_78 : i32
    %sub3A_88 = arith.subi %select_n3A_73, %select_n3A : i32
    %dma_start3A = arith.constant 0 : i32
    %dma_start3A_89 = arith.constant 0 : i32
    %dma_start3A_90 = tpu.memref_slice %arg6[%dma_start3A, %dma_start3A_89] : memref<13x2048xf32, #tpu.memory_space<vmem>> -> memref<1x2048xf32, #tpu.memory_space<vmem>>
    %dma_start3A_91 = tpu.memref_squeeze %dma_start3A_90 : memref<1x2048xf32, #tpu.memory_space<vmem>> -> memref<2048xf32, #tpu.memory_space<vmem>>
    %dma_start3A_92 = arith.constant 0 : i32
    %dma_start3A_93 = tpu.memref_slice %arg5[%sub3A_88, %dma_start3A_92] : memref<2x2048xi32, #tpu.memory_space<vmem>> -> memref<1x2048xi32, #tpu.memory_space<vmem>>
    %dma_start3A_94 = tpu.memref_squeeze %dma_start3A_93 : memref<1x2048xi32, #tpu.memory_space<vmem>> -> memref<2048xi32, #tpu.memory_space<vmem>>
    %dma_start3A_95 = arith.constant 0 : i32
    %dma_start3A_96 = arith.constant 0 : i32
    %dma_start3A_97 = tpu.memref_slice %arg2[%select_n3A_73, %dma_start3A_95, %dma_start3A_96] : memref<26x16x100000xf32, #tpu.memory_space<hbm>> -> memref<1x16x100000xf32, #tpu.memory_space<hbm>>
    %dma_start3A_98 = tpu.memref_squeeze %dma_start3A_97 : memref<1x16x100000xf32, #tpu.memory_space<hbm>> -> memref<16x100000xf32, #tpu.memory_space<hbm>>
    %dma_start3A_99 = arith.constant 0 : i32
    %dma_start3A_100 = tpu.memref_slice %dma_start3A_98[%select_n3A_87, %dma_start3A_99] : memref<16x100000xf32, #tpu.memory_space<hbm>> -> memref<1x100000xf32, #tpu.memory_space<hbm>>
    %dma_start3A_101 = tpu.memref_squeeze %dma_start3A_100 : memref<1x100000xf32, #tpu.memory_space<hbm>> -> memref<100000xf32, #tpu.memory_space<hbm>>
    %dma_start3A_102 = arith.constant 0 : i32
    %dma_start3A_103 = tpu.memref_slice %dma_start3A_101[%dma_start3A_102] : memref<100000xf32, #tpu.memory_space<hbm>> -> memref<100000xf32, #tpu.memory_space<hbm>>
    tpu.enqueue_indirect_dma source(%dma_start3A_103 : memref<100000xf32, #tpu.memory_space<hbm>>) target(%dma_start3A_91 : memref<2048xf32, #tpu.memory_space<vmem>>) offsets(%dma_start3A_94 : memref<2048xi32, #tpu.memory_space<vmem>>) semaphore(%arg8 : memref<!tpu.dma_semaphore, #tpu.memory_space<semaphore_mem>>)
    %add3A_104 = arith.constant 1 : i32
    %add3A_105 = arith.addi %mul3A_2, %add3A_104 : i32
    %jit3A_106 = arith.constant 16 : i32
    %div3A_107 = arith.divsi %add3A_105, %jit3A_106 : i32
    %sign3A_108 = arith.constant 0 : i32
    %sign3A_109 = arith.cmpi sgt, %add3A_105, %sign3A_108 : i32
    %sign3A_110 = arith.extui %sign3A_109 : i1 to i32
    %sign3A_111 = arith.constant 0 : i32
    %sign3A_112 = arith.cmpi slt, %add3A_105, %sign3A_111 : i32
    %sign3A_113 = arith.extui %sign3A_112 : i1 to i32
    %sign3A_114 = arith.subi %sign3A_110, %sign3A_113 : i32
    %sign3A_115 = arith.constant 0 : i32
    %sign3A_116 = arith.cmpi sgt, %jit3A_106, %sign3A_115 : i32
    %sign3A_117 = arith.extui %sign3A_116 : i1 to i32
    %sign3A_118 = arith.constant 0 : i32
    %sign3A_119 = arith.cmpi slt, %jit3A_106, %sign3A_118 : i32
    %sign3A_120 = arith.extui %sign3A_119 : i1 to i32
    %sign3A_121 = arith.subi %sign3A_117, %sign3A_120 : i32
    %ne3A_122 = arith.cmpi ne, %sign3A_114, %sign3A_121 : i32
    %rem3A_123 = arith.remsi %add3A_105, %jit3A_106 : i32
    %ne3A_124 = arith.constant 0 : i32
    %ne3A_125 = arith.cmpi ne, %rem3A_123, %ne3A_124 : i32
    %and3A_126 = arith.andi %ne3A_122, %ne3A_125 : i1
    %sub3A_127 = arith.constant 1 : i32
    %sub3A_128 = arith.subi %div3A_107, %sub3A_127 : i32
    %select_n3A_129 = arith.select %and3A_126, %sub3A_128, %div3A_107 : i32
    %jit3A_130 = arith.constant 16 : i32
    %eq3A_131 = arith.constant 0 : i32
    %eq3A_132 = arith.cmpi eq, %jit3A_130, %eq3A_131 : i32
    %jit3A_133 = arith.constant 1 : i32
    %select_n3A_134 = arith.select %eq3A_132, %jit3A_133, %jit3A_130 : i32
    %rem3A_135 = arith.remsi %add3A_105, %select_n3A_134 : i32
    %ne3A_136 = arith.constant 0 : i32
    %ne3A_137 = arith.cmpi ne, %rem3A_135, %ne3A_136 : i32
    %lt3A_138 = arith.constant 0 : i32
    %lt3A_139 = arith.cmpi slt, %rem3A_135, %lt3A_138 : i32
    %lt3A_140 = arith.constant 0 : i32
    %lt3A_141 = arith.cmpi slt, %select_n3A_134, %lt3A_140 : i32
    %ne3A_142 = arith.xori %lt3A_139, %lt3A_141 : i1
    %and3A_143 = arith.andi %ne3A_142, %ne3A_137 : i1
    %add3A_144 = arith.addi %rem3A_135, %select_n3A_134 : i32
    %select_n3A_145 = arith.select %and3A_143, %add3A_144, %rem3A_135 : i32
    %sub3A_146 = arith.subi %select_n3A_129, %select_n3A : i32
    %dma_start3A_147 = arith.constant 1 : i32
    %dma_start3A_148 = arith.constant 0 : i32
    %dma_start3A_149 = tpu.memref_slice %arg6[%dma_start3A_147, %dma_start3A_148] : memref<13x2048xf32, #tpu.memory_space<vmem>> -> memref<1x2048xf32, #tpu.memory_space<vmem>>
    %dma_start3A_150 = tpu.memref_squeeze %dma_start3A_149 : memref<1x2048xf32, #tpu.memory_space<vmem>> -> memref<2048xf32, #tpu.memory_space<vmem>>
    %dma_start3A_151 = arith.constant 0 : i32
    %dma_start3A_152 = tpu.memref_slice %arg5[%sub3A_146, %dma_start3A_151] : memref<2x2048xi32, #tpu.memory_space<vmem>> -> memref<1x2048xi32, #tpu.memory_space<vmem>>
    %dma_start3A_153 = tpu.memref_squeeze %dma_start3A_152 : memref<1x2048xi32, #tpu.memory_space<vmem>> -> memref<2048xi32, #tpu.memory_space<vmem>>
    %dma_start3A_154 = arith.constant 0 : i32
    %dma_start3A_155 = arith.constant 0 : i32
    %dma_start3A_156 = tpu.memref_slice %arg2[%select_n3A_129, %dma_start3A_154, %dma_start3A_155] : memref<26x16x100000xf32, #tpu.memory_space<hbm>> -> memref<1x16x100000xf32, #tpu.memory_space<hbm>>
    %dma_start3A_157 = tpu.memref_squeeze %dma_start3A_156 : memref<1x16x100000xf32, #tpu.memory_space<hbm>> -> memref<16x100000xf32, #tpu.memory_space<hbm>>
    %dma_start3A_158 = arith.constant 0 : i32
    %dma_start3A_159 = tpu.memref_slice %dma_start3A_157[%select_n3A_145, %dma_start3A_158] : memref<16x100000xf32, #tpu.memory_space<hbm>> -> memref<1x100000xf32, #tpu.memory_space<hbm>>
    %dma_start3A_160 = tpu.memref_squeeze %dma_start3A_159 : memref<1x100000xf32, #tpu.memory_space<hbm>> -> memref<100000xf32, #tpu.memory_space<hbm>>
    %dma_start3A_161 = arith.constant 0 : i32
    %dma_start3A_162 = tpu.memref_slice %dma_start3A_160[%dma_start3A_161] : memref<100000xf32, #tpu.memory_space<hbm>> -> memref<100000xf32, #tpu.memory_space<hbm>>
    tpu.enqueue_indirect_dma source(%dma_start3A_162 : memref<100000xf32, #tpu.memory_space<hbm>>) target(%dma_start3A_150 : memref<2048xf32, #tpu.memory_space<vmem>>) offsets(%dma_start3A_153 : memref<2048xi32, #tpu.memory_space<vmem>>) semaphore(%arg8 : memref<!tpu.dma_semaphore, #tpu.memory_space<semaphore_mem>>)
    %add3A_163 = arith.constant 2 : i32
    %add3A_164 = arith.addi %mul3A_2, %add3A_163 : i32
    %jit3A_165 = arith.constant 16 : i32
    %div3A_166 = arith.divsi %add3A_164, %jit3A_165 : i32
    %sign3A_167 = arith.constant 0 : i32
    %sign3A_168 = arith.cmpi sgt, %add3A_164, %sign3A_167 : i32
    %sign3A_169 = arith.extui %sign3A_168 : i1 to i32
    %sign3A_170 = arith.constant 0 : i32
    %sign3A_171 = arith.cmpi slt, %add3A_164, %sign3A_170 : i32
    %sign3A_172 = arith.extui %sign3A_171 : i1 to i32
    %sign3A_173 = arith.subi %sign3A_169, %sign3A_172 : i32
    %sign3A_174 = arith.constant 0 : i32
    %sign3A_175 = arith.cmpi sgt, %jit3A_165, %sign3A_174 : i32
    %sign3A_176 = arith.extui %sign3A_175 : i1 to i32
    %sign3A_177 = arith.constant 0 : i32
    %sign3A_178 = arith.cmpi slt, %jit3A_165, %sign3A_177 : i32
    %sign3A_179 = arith.extui %sign3A_178 : i1 to i32
    %sign3A_180 = arith.subi %sign3A_176, %sign3A_179 : i32
    %ne3A_181 = arith.cmpi ne, %sign3A_173, %sign3A_180 : i32
    %rem3A_182 = arith.remsi %add3A_164, %jit3A_165 : i32
    %ne3A_183 = arith.constant 0 : i32
    %ne3A_184 = arith.cmpi ne, %rem3A_182, %ne3A_183 : i32
    %and3A_185 = arith.andi %ne3A_181, %ne3A_184 : i1
    %sub3A_186 = arith.constant 1 : i32
    %sub3A_187 = arith.subi %div3A_166, %sub3A_186 : i32
    %select_n3A_188 = arith.select %and3A_185, %sub3A_187, %div3A_166 : i32
    %jit3A_189 = arith.constant 16 : i32
    %eq3A_190 = arith.constant 0 : i32
    %eq3A_191 = arith.cmpi eq, %jit3A_189, %eq3A_190 : i32
    %jit3A_192 = arith.constant 1 : i32
    %select_n3A_193 = arith.select %eq3A_191, %jit3A_192, %jit3A_189 : i32
    %rem3A_194 = arith.remsi %add3A_164, %select_n3A_193 : i32
    %ne3A_195 = arith.constant 0 : i32
    %ne3A_196 = arith.cmpi ne, %rem3A_194, %ne3A_195 : i32
    %lt3A_197 = arith.constant 0 : i32
    %lt3A_198 = arith.cmpi slt, %rem3A_194, %lt3A_197 : i32
    %lt3A_199 = arith.constant 0 : i32
    %lt3A_200 = arith.cmpi slt, %select_n3A_193, %lt3A_199 : i32
    %ne3A_201 = arith.xori %lt3A_198, %lt3A_200 : i1
    %and3A_202 = arith.andi %ne3A_201, %ne3A_196 : i1
    %add3A_203 = arith.addi %rem3A_194, %select_n3A_193 : i32
    %select_n3A_204 = arith.select %and3A_202, %add3A_203, %rem3A_194 : i32
    %sub3A_205 = arith.subi %select_n3A_188, %select_n3A : i32
    %dma_start3A_206 = arith.constant 2 : i32
    %dma_start3A_207 = arith.constant 0 : i32
    %dma_start3A_208 = tpu.memref_slice %arg6[%dma_start3A_206, %dma_start3A_207] : memref<13x2048xf32, #tpu.memory_space<vmem>> -> memref<1x2048xf32, #tpu.memory_space<vmem>>
    %dma_start3A_209 = tpu.memref_squeeze %dma_start3A_208 : memref<1x2048xf32, #tpu.memory_space<vmem>> -> memref<2048xf32, #tpu.memory_space<vmem>>
    %dma_start3A_210 = arith.constant 0 : i32
    %dma_start3A_211 = tpu.memref_slice %arg5[%sub3A_205, %dma_start3A_210] : memref<2x2048xi32, #tpu.memory_space<vmem>> -> memref<1x2048xi32, #tpu.memory_space<vmem>>
    %dma_start3A_212 = tpu.memref_squeeze %dma_start3A_211 : memref<1x2048xi32, #tpu.memory_space<vmem>> -> memref<2048xi32, #tpu.memory_space<vmem>>
    %dma_start3A_213 = arith.constant 0 : i32
    %dma_start3A_214 = arith.constant 0 : i32
    %dma_start3A_215 = tpu.memref_slice %arg2[%select_n3A_188, %dma_start3A_213, %dma_start3A_214] : memref<26x16x100000xf32, #tpu.memory_space<hbm>> -> memref<1x16x100000xf32, #tpu.memory_space<hbm>>
    %dma_start3A_216 = tpu.memref_squeeze %dma_start3A_215 : memref<1x16x100000xf32, #tpu.memory_space<hbm>> -> memref<16x100000xf32, #tpu.memory_space<hbm>>
    %dma_start3A_217 = arith.constant 0 : i32
    %dma_start3A_218 = tpu.memref_slice %dma_start3A_216[%select_n3A_204, %dma_start3A_217] : memref<16x100000xf32, #tpu.memory_space<hbm>> -> memref<1x100000xf32, #tpu.memory_space<hbm>>
    %dma_start3A_219 = tpu.memref_squeeze %dma_start3A_218 : memref<1x100000xf32, #tpu.memory_space<hbm>> -> memref<100000xf32, #tpu.memory_space<hbm>>
    %dma_start3A_220 = arith.constant 0 : i32
    %dma_start3A_221 = tpu.memref_slice %dma_start3A_219[%dma_start3A_220] : memref<100000xf32, #tpu.memory_space<hbm>> -> memref<100000xf32, #tpu.memory_space<hbm>>
    tpu.enqueue_indirect_dma source(%dma_start3A_221 : memref<100000xf32, #tpu.memory_space<hbm>>) target(%dma_start3A_209 : memref<2048xf32, #tpu.memory_space<vmem>>) offsets(%dma_start3A_212 : memref<2048xi32, #tpu.memory_space<vmem>>) semaphore(%arg8 : memref<!tpu.dma_semaphore, #tpu.memory_space<semaphore_mem>>)
    %add3A_222 = arith.constant 3 : i32
    %add3A_223 = arith.addi %mul3A_2, %add3A_222 : i32
    %jit3A_224 = arith.constant 16 : i32
    %div3A_225 = arith.divsi %add3A_223, %jit3A_224 : i32
    %sign3A_226 = arith.constant 0 : i32
    %sign3A_227 = arith.cmpi sgt, %add3A_223, %sign3A_226 : i32
    %sign3A_228 = arith.extui %sign3A_227 : i1 to i32
    %sign3A_229 = arith.constant 0 : i32
    %sign3A_230 = arith.cmpi slt, %add3A_223, %sign3A_229 : i32
    %sign3A_231 = arith.extui %sign3A_230 : i1 to i32
    %sign3A_232 = arith.subi %sign3A_228, %sign3A_231 : i32
    %sign3A_233 = arith.constant 0 : i32
    %sign3A_234 = arith.cmpi sgt, %jit3A_224, %sign3A_233 : i32
    %sign3A_235 = arith.extui %sign3A_234 : i1 to i32
    %sign3A_236 = arith.constant 0 : i32
    %sign3A_237 = arith.cmpi slt, %jit3A_224, %sign3A_236 : i32
    %sign3A_238 = arith.extui %sign3A_237 : i1 to i32
    %sign3A_239 = arith.subi %sign3A_235, %sign3A_238 : i32
    %ne3A_240 = arith.cmpi ne, %sign3A_232, %sign3A_239 : i32
    %rem3A_241 = arith.remsi %add3A_223, %jit3A_224 : i32
    %ne3A_242 = arith.constant 0 : i32
    %ne3A_243 = arith.cmpi ne, %rem3A_241, %ne3A_242 : i32
    %and3A_244 = arith.andi %ne3A_240, %ne3A_243 : i1
    %sub3A_245 = arith.constant 1 : i32
    %sub3A_246 = arith.subi %div3A_225, %sub3A_245 : i32
    %select_n3A_247 = arith.select %and3A_244, %sub3A_246, %div3A_225 : i32
    %jit3A_248 = arith.constant 16 : i32
    %eq3A_249 = arith.constant 0 : i32
    %eq3A_250 = arith.cmpi eq, %jit3A_248, %eq3A_249 : i32
    %jit3A_251 = arith.constant 1 : i32
    %select_n3A_252 = arith.select %eq3A_250, %jit3A_251, %jit3A_248 : i32
    %rem3A_253 = arith.remsi %add3A_223, %select_n3A_252 : i32
    %ne3A_254 = arith.constant 0 : i32
    %ne3A_255 = arith.cmpi ne, %rem3A_253, %ne3A_254 : i32
    %lt3A_256 = arith.constant 0 : i32
    %lt3A_257 = arith.cmpi slt, %rem3A_253, %lt3A_256 : i32
    %lt3A_258 = arith.constant 0 : i32
    %lt3A_259 = arith.cmpi slt, %select_n3A_252, %lt3A_258 : i32
    %ne3A_260 = arith.xori %lt3A_257, %lt3A_259 : i1
    %and3A_261 = arith.andi %ne3A_260, %ne3A_255 : i1
    %add3A_262 = arith.addi %rem3A_253, %select_n3A_252 : i32
    %select_n3A_263 = arith.select %and3A_261, %add3A_262, %rem3A_253 : i32
    %sub3A_264 = arith.subi %select_n3A_247, %select_n3A : i32
    %dma_start3A_265 = arith.constant 3 : i32
    %dma_start3A_266 = arith.constant 0 : i32
    %dma_start3A_267 = tpu.memref_slice %arg6[%dma_start3A_265, %dma_start3A_266] : memref<13x2048xf32, #tpu.memory_space<vmem>> -> memref<1x2048xf32, #tpu.memory_space<vmem>>
    %dma_start3A_268 = tpu.memref_squeeze %dma_start3A_267 : memref<1x2048xf32, #tpu.memory_space<vmem>> -> memref<2048xf32, #tpu.memory_space<vmem>>
    %dma_start3A_269 = arith.constant 0 : i32
    %dma_start3A_270 = tpu.memref_slice %arg5[%sub3A_264, %dma_start3A_269] : memref<2x2048xi32, #tpu.memory_space<vmem>> -> memref<1x2048xi32, #tpu.memory_space<vmem>>
    %dma_start3A_271 = tpu.memref_squeeze %dma_start3A_270 : memref<1x2048xi32, #tpu.memory_space<vmem>> -> memref<2048xi32, #tpu.memory_space<vmem>>
    %dma_start3A_272 = arith.constant 0 : i32
    %dma_start3A_273 = arith.constant 0 : i32
    %dma_start3A_274 = tpu.memref_slice %arg2[%select_n3A_247, %dma_start3A_272, %dma_start3A_273] : memref<26x16x100000xf32, #tpu.memory_space<hbm>> -> memref<1x16x100000xf32, #tpu.memory_space<hbm>>
    %dma_start3A_275 = tpu.memref_squeeze %dma_start3A_274 : memref<1x16x100000xf32, #tpu.memory_space<hbm>> -> memref<16x100000xf32, #tpu.memory_space<hbm>>
    %dma_start3A_276 = arith.constant 0 : i32
    %dma_start3A_277 = tpu.memref_slice %dma_start3A_275[%select_n3A_263, %dma_start3A_276] : memref<16x100000xf32, #tpu.memory_space<hbm>> -> memref<1x100000xf32, #tpu.memory_space<hbm>>
    %dma_start3A_278 = tpu.memref_squeeze %dma_start3A_277 : memref<1x100000xf32, #tpu.memory_space<hbm>> -> memref<100000xf32, #tpu.memory_space<hbm>>
    %dma_start3A_279 = arith.constant 0 : i32
    %dma_start3A_280 = tpu.memref_slice %dma_start3A_278[%dma_start3A_279] : memref<100000xf32, #tpu.memory_space<hbm>> -> memref<100000xf32, #tpu.memory_space<hbm>>
    tpu.enqueue_indirect_dma source(%dma_start3A_280 : memref<100000xf32, #tpu.memory_space<hbm>>) target(%dma_start3A_268 : memref<2048xf32, #tpu.memory_space<vmem>>) offsets(%dma_start3A_271 : memref<2048xi32, #tpu.memory_space<vmem>>) semaphore(%arg8 : memref<!tpu.dma_semaphore, #tpu.memory_space<semaphore_mem>>)
    %add3A_281 = arith.constant 4 : i32
    %add3A_282 = arith.addi %mul3A_2, %add3A_281 : i32
    %jit3A_283 = arith.constant 16 : i32
    %div3A_284 = arith.divsi %add3A_282, %jit3A_283 : i32
    %sign3A_285 = arith.constant 0 : i32
    %sign3A_286 = arith.cmpi sgt, %add3A_282, %sign3A_285 : i32
    %sign3A_287 = arith.extui %sign3A_286 : i1 to i32
    %sign3A_288 = arith.constant 0 : i32
    %sign3A_289 = arith.cmpi slt, %add3A_282, %sign3A_288 : i32
    %sign3A_290 = arith.extui %sign3A_289 : i1 to i32
    %sign3A_291 = arith.subi %sign3A_287, %sign3A_290 : i32
    %sign3A_292 = arith.constant 0 : i32
    %sign3A_293 = arith.cmpi sgt, %jit3A_283, %sign3A_292 : i32
    %sign3A_294 = arith.extui %sign3A_293 : i1 to i32
    %sign3A_295 = arith.constant 0 : i32
    %sign3A_296 = arith.cmpi slt, %jit3A_283, %sign3A_295 : i32
    %sign3A_297 = arith.extui %sign3A_296 : i1 to i32
    %sign3A_298 = arith.subi %sign3A_294, %sign3A_297 : i32
    %ne3A_299 = arith.cmpi ne, %sign3A_291, %sign3A_298 : i32
    %rem3A_300 = arith.remsi %add3A_282, %jit3A_283 : i32
    %ne3A_301 = arith.constant 0 : i32
    %ne3A_302 = arith.cmpi ne, %rem3A_300, %ne3A_301 : i32
    %and3A_303 = arith.andi %ne3A_299, %ne3A_302 : i1
    %sub3A_304 = arith.constant 1 : i32
    %sub3A_305 = arith.subi %div3A_284, %sub3A_304 : i32
    %select_n3A_306 = arith.select %and3A_303, %sub3A_305, %div3A_284 : i32
    %jit3A_307 = arith.constant 16 : i32
    %eq3A_308 = arith.constant 0 : i32
    %eq3A_309 = arith.cmpi eq, %jit3A_307, %eq3A_308 : i32
    %jit3A_310 = arith.constant 1 : i32
    %select_n3A_311 = arith.select %eq3A_309, %jit3A_310, %jit3A_307 : i32
    %rem3A_312 = arith.remsi %add3A_282, %select_n3A_311 : i32
    %ne3A_313 = arith.constant 0 : i32
    %ne3A_314 = arith.cmpi ne, %rem3A_312, %ne3A_313 : i32
    %lt3A_315 = arith.constant 0 : i32
    %lt3A_316 = arith.cmpi slt, %rem3A_312, %lt3A_315 : i32
    %lt3A_317 = arith.constant 0 : i32
    %lt3A_318 = arith.cmpi slt, %select_n3A_311, %lt3A_317 : i32
    %ne3A_319 = arith.xori %lt3A_316, %lt3A_318 : i1
    %and3A_320 = arith.andi %ne3A_319, %ne3A_314 : i1
    %add3A_321 = arith.addi %rem3A_312, %select_n3A_311 : i32
    %select_n3A_322 = arith.select %and3A_320, %add3A_321, %rem3A_312 : i32
    %sub3A_323 = arith.subi %select_n3A_306, %select_n3A : i32
    %dma_start3A_324 = arith.constant 4 : i32
    %dma_start3A_325 = arith.constant 0 : i32
    %dma_start3A_326 = tpu.memref_slice %arg6[%dma_start3A_324, %dma_start3A_325] : memref<13x2048xf32, #tpu.memory_space<vmem>> -> memref<1x2048xf32, #tpu.memory_space<vmem>>
    %dma_start3A_327 = tpu.memref_squeeze %dma_start3A_326 : memref<1x2048xf32, #tpu.memory_space<vmem>> -> memref<2048xf32, #tpu.memory_space<vmem>>
    %dma_start3A_328 = arith.constant 0 : i32
    %dma_start3A_329 = tpu.memref_slice %arg5[%sub3A_323, %dma_start3A_328] : memref<2x2048xi32, #tpu.memory_space<vmem>> -> memref<1x2048xi32, #tpu.memory_space<vmem>>
    %dma_start3A_330 = tpu.memref_squeeze %dma_start3A_329 : memref<1x2048xi32, #tpu.memory_space<vmem>> -> memref<2048xi32, #tpu.memory_space<vmem>>
    %dma_start3A_331 = arith.constant 0 : i32
    %dma_start3A_332 = arith.constant 0 : i32
    %dma_start3A_333 = tpu.memref_slice %arg2[%select_n3A_306, %dma_start3A_331, %dma_start3A_332] : memref<26x16x100000xf32, #tpu.memory_space<hbm>> -> memref<1x16x100000xf32, #tpu.memory_space<hbm>>
    %dma_start3A_334 = tpu.memref_squeeze %dma_start3A_333 : memref<1x16x100000xf32, #tpu.memory_space<hbm>> -> memref<16x100000xf32, #tpu.memory_space<hbm>>
    %dma_start3A_335 = arith.constant 0 : i32
    %dma_start3A_336 = tpu.memref_slice %dma_start3A_334[%select_n3A_322, %dma_start3A_335] : memref<16x100000xf32, #tpu.memory_space<hbm>> -> memref<1x100000xf32, #tpu.memory_space<hbm>>
    %dma_start3A_337 = tpu.memref_squeeze %dma_start3A_336 : memref<1x100000xf32, #tpu.memory_space<hbm>> -> memref<100000xf32, #tpu.memory_space<hbm>>
    %dma_start3A_338 = arith.constant 0 : i32
    %dma_start3A_339 = tpu.memref_slice %dma_start3A_337[%dma_start3A_338] : memref<100000xf32, #tpu.memory_space<hbm>> -> memref<100000xf32, #tpu.memory_space<hbm>>
    tpu.enqueue_indirect_dma source(%dma_start3A_339 : memref<100000xf32, #tpu.memory_space<hbm>>) target(%dma_start3A_327 : memref<2048xf32, #tpu.memory_space<vmem>>) offsets(%dma_start3A_330 : memref<2048xi32, #tpu.memory_space<vmem>>) semaphore(%arg8 : memref<!tpu.dma_semaphore, #tpu.memory_space<semaphore_mem>>)
    %add3A_340 = arith.constant 5 : i32
    %add3A_341 = arith.addi %mul3A_2, %add3A_340 : i32
    %jit3A_342 = arith.constant 16 : i32
    %div3A_343 = arith.divsi %add3A_341, %jit3A_342 : i32
    %sign3A_344 = arith.constant 0 : i32
    %sign3A_345 = arith.cmpi sgt, %add3A_341, %sign3A_344 : i32
    %sign3A_346 = arith.extui %sign3A_345 : i1 to i32
    %sign3A_347 = arith.constant 0 : i32
    %sign3A_348 = arith.cmpi slt, %add3A_341, %sign3A_347 : i32
    %sign3A_349 = arith.extui %sign3A_348 : i1 to i32
    %sign3A_350 = arith.subi %sign3A_346, %sign3A_349 : i32
    %sign3A_351 = arith.constant 0 : i32
    %sign3A_352 = arith.cmpi sgt, %jit3A_342, %sign3A_351 : i32
    %sign3A_353 = arith.extui %sign3A_352 : i1 to i32
    %sign3A_354 = arith.constant 0 : i32
    %sign3A_355 = arith.cmpi slt, %jit3A_342, %sign3A_354 : i32
    %sign3A_356 = arith.extui %sign3A_355 : i1 to i32
    %sign3A_357 = arith.subi %sign3A_353, %sign3A_356 : i32
    %ne3A_358 = arith.cmpi ne, %sign3A_350, %sign3A_357 : i32
    %rem3A_359 = arith.remsi %add3A_341, %jit3A_342 : i32
    %ne3A_360 = arith.constant 0 : i32
    %ne3A_361 = arith.cmpi ne, %rem3A_359, %ne3A_360 : i32
    %and3A_362 = arith.andi %ne3A_358, %ne3A_361 : i1
    %sub3A_363 = arith.constant 1 : i32
    %sub3A_364 = arith.subi %div3A_343, %sub3A_363 : i32
    %select_n3A_365 = arith.select %and3A_362, %sub3A_364, %div3A_343 : i32
    %jit3A_366 = arith.constant 16 : i32
    %eq3A_367 = arith.constant 0 : i32
    %eq3A_368 = arith.cmpi eq, %jit3A_366, %eq3A_367 : i32
    %jit3A_369 = arith.constant 1 : i32
    %select_n3A_370 = arith.select %eq3A_368, %jit3A_369, %jit3A_366 : i32
    %rem3A_371 = arith.remsi %add3A_341, %select_n3A_370 : i32
    %ne3A_372 = arith.constant 0 : i32
    %ne3A_373 = arith.cmpi ne, %rem3A_371, %ne3A_372 : i32
    %lt3A_374 = arith.constant 0 : i32
    %lt3A_375 = arith.cmpi slt, %rem3A_371, %lt3A_374 : i32
    %lt3A_376 = arith.constant 0 : i32
    %lt3A_377 = arith.cmpi slt, %select_n3A_370, %lt3A_376 : i32
    %ne3A_378 = arith.xori %lt3A_375, %lt3A_377 : i1
    %and3A_379 = arith.andi %ne3A_378, %ne3A_373 : i1
    %add3A_380 = arith.addi %rem3A_371, %select_n3A_370 : i32
    %select_n3A_381 = arith.select %and3A_379, %add3A_380, %rem3A_371 : i32
    %sub3A_382 = arith.subi %select_n3A_365, %select_n3A : i32
    %dma_start3A_383 = arith.constant 5 : i32
    %dma_start3A_384 = arith.constant 0 : i32
    %dma_start3A_385 = tpu.memref_slice %arg6[%dma_start3A_383, %dma_start3A_384] : memref<13x2048xf32, #tpu.memory_space<vmem>> -> memref<1x2048xf32, #tpu.memory_space<vmem>>
    %dma_start3A_386 = tpu.memref_squeeze %dma_start3A_385 : memref<1x2048xf32, #tpu.memory_space<vmem>> -> memref<2048xf32, #tpu.memory_space<vmem>>
    %dma_start3A_387 = arith.constant 0 : i32
    %dma_start3A_388 = tpu.memref_slice %arg5[%sub3A_382, %dma_start3A_387] : memref<2x2048xi32, #tpu.memory_space<vmem>> -> memref<1x2048xi32, #tpu.memory_space<vmem>>
    %dma_start3A_389 = tpu.memref_squeeze %dma_start3A_388 : memref<1x2048xi32, #tpu.memory_space<vmem>> -> memref<2048xi32, #tpu.memory_space<vmem>>
    %dma_start3A_390 = arith.constant 0 : i32
    %dma_start3A_391 = arith.constant 0 : i32
    %dma_start3A_392 = tpu.memref_slice %arg2[%select_n3A_365, %dma_start3A_390, %dma_start3A_391] : memref<26x16x100000xf32, #tpu.memory_space<hbm>> -> memref<1x16x100000xf32, #tpu.memory_space<hbm>>
    %dma_start3A_393 = tpu.memref_squeeze %dma_start3A_392 : memref<1x16x100000xf32, #tpu.memory_space<hbm>> -> memref<16x100000xf32, #tpu.memory_space<hbm>>
    %dma_start3A_394 = arith.constant 0 : i32
    %dma_start3A_395 = tpu.memref_slice %dma_start3A_393[%select_n3A_381, %dma_start3A_394] : memref<16x100000xf32, #tpu.memory_space<hbm>> -> memref<1x100000xf32, #tpu.memory_space<hbm>>
    %dma_start3A_396 = tpu.memref_squeeze %dma_start3A_395 : memref<1x100000xf32, #tpu.memory_space<hbm>> -> memref<100000xf32, #tpu.memory_space<hbm>>
    %dma_start3A_397 = arith.constant 0 : i32
    %dma_start3A_398 = tpu.memref_slice %dma_start3A_396[%dma_start3A_397] : memref<100000xf32, #tpu.memory_space<hbm>> -> memref<100000xf32, #tpu.memory_space<hbm>>
    tpu.enqueue_indirect_dma source(%dma_start3A_398 : memref<100000xf32, #tpu.memory_space<hbm>>) target(%dma_start3A_386 : memref<2048xf32, #tpu.memory_space<vmem>>) offsets(%dma_start3A_389 : memref<2048xi32, #tpu.memory_space<vmem>>) semaphore(%arg8 : memref<!tpu.dma_semaphore, #tpu.memory_space<semaphore_mem>>)
    %add3A_399 = arith.constant 6 : i32
    %add3A_400 = arith.addi %mul3A_2, %add3A_399 : i32
    %jit3A_401 = arith.constant 16 : i32
    %div3A_402 = arith.divsi %add3A_400, %jit3A_401 : i32
    %sign3A_403 = arith.constant 0 : i32
    %sign3A_404 = arith.cmpi sgt, %add3A_400, %sign3A_403 : i32
    %sign3A_405 = arith.extui %sign3A_404 : i1 to i32
    %sign3A_406 = arith.constant 0 : i32
    %sign3A_407 = arith.cmpi slt, %add3A_400, %sign3A_406 : i32
    %sign3A_408 = arith.extui %sign3A_407 : i1 to i32
    %sign3A_409 = arith.subi %sign3A_405, %sign3A_408 : i32
    %sign3A_410 = arith.constant 0 : i32
    %sign3A_411 = arith.cmpi sgt, %jit3A_401, %sign3A_410 : i32
    %sign3A_412 = arith.extui %sign3A_411 : i1 to i32
    %sign3A_413 = arith.constant 0 : i32
    %sign3A_414 = arith.cmpi slt, %jit3A_401, %sign3A_413 : i32
    %sign3A_415 = arith.extui %sign3A_414 : i1 to i32
    %sign3A_416 = arith.subi %sign3A_412, %sign3A_415 : i32
    %ne3A_417 = arith.cmpi ne, %sign3A_409, %sign3A_416 : i32
    %rem3A_418 = arith.remsi %add3A_400, %jit3A_401 : i32
    %ne3A_419 = arith.constant 0 : i32
    %ne3A_420 = arith.cmpi ne, %rem3A_418, %ne3A_419 : i32
    %and3A_421 = arith.andi %ne3A_417, %ne3A_420 : i1
    %sub3A_422 = arith.constant 1 : i32
    %sub3A_423 = arith.subi %div3A_402, %sub3A_422 : i32
    %select_n3A_424 = arith.select %and3A_421, %sub3A_423, %div3A_402 : i32
    %jit3A_425 = arith.constant 16 : i32
    %eq3A_426 = arith.constant 0 : i32
    %eq3A_427 = arith.cmpi eq, %jit3A_425, %eq3A_426 : i32
    %jit3A_428 = arith.constant 1 : i32
    %select_n3A_429 = arith.select %eq3A_427, %jit3A_428, %jit3A_425 : i32
    %rem3A_430 = arith.remsi %add3A_400, %select_n3A_429 : i32
    %ne3A_431 = arith.constant 0 : i32
    %ne3A_432 = arith.cmpi ne, %rem3A_430, %ne3A_431 : i32
    %lt3A_433 = arith.constant 0 : i32
    %lt3A_434 = arith.cmpi slt, %rem3A_430, %lt3A_433 : i32
    %lt3A_435 = arith.constant 0 : i32
    %lt3A_436 = arith.cmpi slt, %select_n3A_429, %lt3A_435 : i32
    %ne3A_437 = arith.xori %lt3A_434, %lt3A_436 : i1
    %and3A_438 = arith.andi %ne3A_437, %ne3A_432 : i1
    %add3A_439 = arith.addi %rem3A_430, %select_n3A_429 : i32
    %select_n3A_440 = arith.select %and3A_438, %add3A_439, %rem3A_430 : i32
    %sub3A_441 = arith.subi %select_n3A_424, %select_n3A : i32
    %dma_start3A_442 = arith.constant 6 : i32
    %dma_start3A_443 = arith.constant 0 : i32
    %dma_start3A_444 = tpu.memref_slice %arg6[%dma_start3A_442, %dma_start3A_443] : memref<13x2048xf32, #tpu.memory_space<vmem>> -> memref<1x2048xf32, #tpu.memory_space<vmem>>
    %dma_start3A_445 = tpu.memref_squeeze %dma_start3A_444 : memref<1x2048xf32, #tpu.memory_space<vmem>> -> memref<2048xf32, #tpu.memory_space<vmem>>
    %dma_start3A_446 = arith.constant 0 : i32
    %dma_start3A_447 = tpu.memref_slice %arg5[%sub3A_441, %dma_start3A_446] : memref<2x2048xi32, #tpu.memory_space<vmem>> -> memref<1x2048xi32, #tpu.memory_space<vmem>>
    %dma_start3A_448 = tpu.memref_squeeze %dma_start3A_447 : memref<1x2048xi32, #tpu.memory_space<vmem>> -> memref<2048xi32, #tpu.memory_space<vmem>>
    %dma_start3A_449 = arith.constant 0 : i32
    %dma_start3A_450 = arith.constant 0 : i32
    %dma_start3A_451 = tpu.memref_slice %arg2[%select_n3A_424, %dma_start3A_449, %dma_start3A_450] : memref<26x16x100000xf32, #tpu.memory_space<hbm>> -> memref<1x16x100000xf32, #tpu.memory_space<hbm>>
    %dma_start3A_452 = tpu.memref_squeeze %dma_start3A_451 : memref<1x16x100000xf32, #tpu.memory_space<hbm>> -> memref<16x100000xf32, #tpu.memory_space<hbm>>
    %dma_start3A_453 = arith.constant 0 : i32
    %dma_start3A_454 = tpu.memref_slice %dma_start3A_452[%select_n3A_440, %dma_start3A_453] : memref<16x100000xf32, #tpu.memory_space<hbm>> -> memref<1x100000xf32, #tpu.memory_space<hbm>>
    %dma_start3A_455 = tpu.memref_squeeze %dma_start3A_454 : memref<1x100000xf32, #tpu.memory_space<hbm>> -> memref<100000xf32, #tpu.memory_space<hbm>>
    %dma_start3A_456 = arith.constant 0 : i32
    %dma_start3A_457 = tpu.memref_slice %dma_start3A_455[%dma_start3A_456] : memref<100000xf32, #tpu.memory_space<hbm>> -> memref<100000xf32, #tpu.memory_space<hbm>>
    tpu.enqueue_indirect_dma source(%dma_start3A_457 : memref<100000xf32, #tpu.memory_space<hbm>>) target(%dma_start3A_445 : memref<2048xf32, #tpu.memory_space<vmem>>) offsets(%dma_start3A_448 : memref<2048xi32, #tpu.memory_space<vmem>>) semaphore(%arg8 : memref<!tpu.dma_semaphore, #tpu.memory_space<semaphore_mem>>)
    %add3A_458 = arith.constant 7 : i32
    %add3A_459 = arith.addi %mul3A_2, %add3A_458 : i32
    %jit3A_460 = arith.constant 16 : i32
    %div3A_461 = arith.divsi %add3A_459, %jit3A_460 : i32
    %sign3A_462 = arith.constant 0 : i32
    %sign3A_463 = arith.cmpi sgt, %add3A_459, %sign3A_462 : i32
    %sign3A_464 = arith.extui %sign3A_463 : i1 to i32
    %sign3A_465 = arith.constant 0 : i32
    %sign3A_466 = arith.cmpi slt, %add3A_459, %sign3A_465 : i32
    %sign3A_467 = arith.extui %sign3A_466 : i1 to i32
    %sign3A_468 = arith.subi %sign3A_464, %sign3A_467 : i32
    %sign3A_469 = arith.constant 0 : i32
    %sign3A_470 = arith.cmpi sgt, %jit3A_460, %sign3A_469 : i32
    %sign3A_471 = arith.extui %sign3A_470 : i1 to i32
    %sign3A_472 = arith.constant 0 : i32
    %sign3A_473 = arith.cmpi slt, %jit3A_460, %sign3A_472 : i32
    %sign3A_474 = arith.extui %sign3A_473 : i1 to i32
    %sign3A_475 = arith.subi %sign3A_471, %sign3A_474 : i32
    %ne3A_476 = arith.cmpi ne, %sign3A_468, %sign3A_475 : i32
    %rem3A_477 = arith.remsi %add3A_459, %jit3A_460 : i32
    %ne3A_478 = arith.constant 0 : i32
    %ne3A_479 = arith.cmpi ne, %rem3A_477, %ne3A_478 : i32
    %and3A_480 = arith.andi %ne3A_476, %ne3A_479 : i1
    %sub3A_481 = arith.constant 1 : i32
    %sub3A_482 = arith.subi %div3A_461, %sub3A_481 : i32
    %select_n3A_483 = arith.select %and3A_480, %sub3A_482, %div3A_461 : i32
    %jit3A_484 = arith.constant 16 : i32
    %eq3A_485 = arith.constant 0 : i32
    %eq3A_486 = arith.cmpi eq, %jit3A_484, %eq3A_485 : i32
    %jit3A_487 = arith.constant 1 : i32
    %select_n3A_488 = arith.select %eq3A_486, %jit3A_487, %jit3A_484 : i32
    %rem3A_489 = arith.remsi %add3A_459, %select_n3A_488 : i32
    %ne3A_490 = arith.constant 0 : i32
    %ne3A_491 = arith.cmpi ne, %rem3A_489, %ne3A_490 : i32
    %lt3A_492 = arith.constant 0 : i32
    %lt3A_493 = arith.cmpi slt, %rem3A_489, %lt3A_492 : i32
    %lt3A_494 = arith.constant 0 : i32
    %lt3A_495 = arith.cmpi slt, %select_n3A_488, %lt3A_494 : i32
    %ne3A_496 = arith.xori %lt3A_493, %lt3A_495 : i1
    %and3A_497 = arith.andi %ne3A_496, %ne3A_491 : i1
    %add3A_498 = arith.addi %rem3A_489, %select_n3A_488 : i32
    %select_n3A_499 = arith.select %and3A_497, %add3A_498, %rem3A_489 : i32
    %sub3A_500 = arith.subi %select_n3A_483, %select_n3A : i32
    %dma_start3A_501 = arith.constant 7 : i32
    %dma_start3A_502 = arith.constant 0 : i32
    %dma_start3A_503 = tpu.memref_slice %arg6[%dma_start3A_501, %dma_start3A_502] : memref<13x2048xf32, #tpu.memory_space<vmem>> -> memref<1x2048xf32, #tpu.memory_space<vmem>>
    %dma_start3A_504 = tpu.memref_squeeze %dma_start3A_503 : memref<1x2048xf32, #tpu.memory_space<vmem>> -> memref<2048xf32, #tpu.memory_space<vmem>>
    %dma_start3A_505 = arith.constant 0 : i32
    %dma_start3A_506 = tpu.memref_slice %arg5[%sub3A_500, %dma_start3A_505] : memref<2x2048xi32, #tpu.memory_space<vmem>> -> memref<1x2048xi32, #tpu.memory_space<vmem>>
    %dma_start3A_507 = tpu.memref_squeeze %dma_start3A_506 : memref<1x2048xi32, #tpu.memory_space<vmem>> -> memref<2048xi32, #tpu.memory_space<vmem>>
    %dma_start3A_508 = arith.constant 0 : i32
    %dma_start3A_509 = arith.constant 0 : i32
    %dma_start3A_510 = tpu.memref_slice %arg2[%select_n3A_483, %dma_start3A_508, %dma_start3A_509] : memref<26x16x100000xf32, #tpu.memory_space<hbm>> -> memref<1x16x100000xf32, #tpu.memory_space<hbm>>
    %dma_start3A_511 = tpu.memref_squeeze %dma_start3A_510 : memref<1x16x100000xf32, #tpu.memory_space<hbm>> -> memref<16x100000xf32, #tpu.memory_space<hbm>>
    %dma_start3A_512 = arith.constant 0 : i32
    %dma_start3A_513 = tpu.memref_slice %dma_start3A_511[%select_n3A_499, %dma_start3A_512] : memref<16x100000xf32, #tpu.memory_space<hbm>> -> memref<1x100000xf32, #tpu.memory_space<hbm>>
    %dma_start3A_514 = tpu.memref_squeeze %dma_start3A_513 : memref<1x100000xf32, #tpu.memory_space<hbm>> -> memref<100000xf32, #tpu.memory_space<hbm>>
    %dma_start3A_515 = arith.constant 0 : i32
    %dma_start3A_516 = tpu.memref_slice %dma_start3A_514[%dma_start3A_515] : memref<100000xf32, #tpu.memory_space<hbm>> -> memref<100000xf32, #tpu.memory_space<hbm>>
    tpu.enqueue_indirect_dma source(%dma_start3A_516 : memref<100000xf32, #tpu.memory_space<hbm>>) target(%dma_start3A_504 : memref<2048xf32, #tpu.memory_space<vmem>>) offsets(%dma_start3A_507 : memref<2048xi32, #tpu.memory_space<vmem>>) semaphore(%arg8 : memref<!tpu.dma_semaphore, #tpu.memory_space<semaphore_mem>>)
    %add3A_517 = arith.constant 8 : i32
    %add3A_518 = arith.addi %mul3A_2, %add3A_517 : i32
    %jit3A_519 = arith.constant 16 : i32
    %div3A_520 = arith.divsi %add3A_518, %jit3A_519 : i32
    %sign3A_521 = arith.constant 0 : i32
    %sign3A_522 = arith.cmpi sgt, %add3A_518, %sign3A_521 : i32
    %sign3A_523 = arith.extui %sign3A_522 : i1 to i32
    %sign3A_524 = arith.constant 0 : i32
    %sign3A_525 = arith.cmpi slt, %add3A_518, %sign3A_524 : i32
    %sign3A_526 = arith.extui %sign3A_525 : i1 to i32
    %sign3A_527 = arith.subi %sign3A_523, %sign3A_526 : i32
    %sign3A_528 = arith.constant 0 : i32
    %sign3A_529 = arith.cmpi sgt, %jit3A_519, %sign3A_528 : i32
    %sign3A_530 = arith.extui %sign3A_529 : i1 to i32
    %sign3A_531 = arith.constant 0 : i32
    %sign3A_532 = arith.cmpi slt, %jit3A_519, %sign3A_531 : i32
    %sign3A_533 = arith.extui %sign3A_532 : i1 to i32
    %sign3A_534 = arith.subi %sign3A_530, %sign3A_533 : i32
    %ne3A_535 = arith.cmpi ne, %sign3A_527, %sign3A_534 : i32
    %rem3A_536 = arith.remsi %add3A_518, %jit3A_519 : i32
    %ne3A_537 = arith.constant 0 : i32
    %ne3A_538 = arith.cmpi ne, %rem3A_536, %ne3A_537 : i32
    %and3A_539 = arith.andi %ne3A_535, %ne3A_538 : i1
    %sub3A_540 = arith.constant 1 : i32
    %sub3A_541 = arith.subi %div3A_520, %sub3A_540 : i32
    %select_n3A_542 = arith.select %and3A_539, %sub3A_541, %div3A_520 : i32
    %jit3A_543 = arith.constant 16 : i32
    %eq3A_544 = arith.constant 0 : i32
    %eq3A_545 = arith.cmpi eq, %jit3A_543, %eq3A_544 : i32
    %jit3A_546 = arith.constant 1 : i32
    %select_n3A_547 = arith.select %eq3A_545, %jit3A_546, %jit3A_543 : i32
    %rem3A_548 = arith.remsi %add3A_518, %select_n3A_547 : i32
    %ne3A_549 = arith.constant 0 : i32
    %ne3A_550 = arith.cmpi ne, %rem3A_548, %ne3A_549 : i32
    %lt3A_551 = arith.constant 0 : i32
    %lt3A_552 = arith.cmpi slt, %rem3A_548, %lt3A_551 : i32
    %lt3A_553 = arith.constant 0 : i32
    %lt3A_554 = arith.cmpi slt, %select_n3A_547, %lt3A_553 : i32
    %ne3A_555 = arith.xori %lt3A_552, %lt3A_554 : i1
    %and3A_556 = arith.andi %ne3A_555, %ne3A_550 : i1
    %add3A_557 = arith.addi %rem3A_548, %select_n3A_547 : i32
    %select_n3A_558 = arith.select %and3A_556, %add3A_557, %rem3A_548 : i32
    %sub3A_559 = arith.subi %select_n3A_542, %select_n3A : i32
    %dma_start3A_560 = arith.constant 8 : i32
    %dma_start3A_561 = arith.constant 0 : i32
    %dma_start3A_562 = tpu.memref_slice %arg6[%dma_start3A_560, %dma_start3A_561] : memref<13x2048xf32, #tpu.memory_space<vmem>> -> memref<1x2048xf32, #tpu.memory_space<vmem>>
    %dma_start3A_563 = tpu.memref_squeeze %dma_start3A_562 : memref<1x2048xf32, #tpu.memory_space<vmem>> -> memref<2048xf32, #tpu.memory_space<vmem>>
    %dma_start3A_564 = arith.constant 0 : i32
    %dma_start3A_565 = tpu.memref_slice %arg5[%sub3A_559, %dma_start3A_564] : memref<2x2048xi32, #tpu.memory_space<vmem>> -> memref<1x2048xi32, #tpu.memory_space<vmem>>
    %dma_start3A_566 = tpu.memref_squeeze %dma_start3A_565 : memref<1x2048xi32, #tpu.memory_space<vmem>> -> memref<2048xi32, #tpu.memory_space<vmem>>
    %dma_start3A_567 = arith.constant 0 : i32
    %dma_start3A_568 = arith.constant 0 : i32
    %dma_start3A_569 = tpu.memref_slice %arg2[%select_n3A_542, %dma_start3A_567, %dma_start3A_568] : memref<26x16x100000xf32, #tpu.memory_space<hbm>> -> memref<1x16x100000xf32, #tpu.memory_space<hbm>>
    %dma_start3A_570 = tpu.memref_squeeze %dma_start3A_569 : memref<1x16x100000xf32, #tpu.memory_space<hbm>> -> memref<16x100000xf32, #tpu.memory_space<hbm>>
    %dma_start3A_571 = arith.constant 0 : i32
    %dma_start3A_572 = tpu.memref_slice %dma_start3A_570[%select_n3A_558, %dma_start3A_571] : memref<16x100000xf32, #tpu.memory_space<hbm>> -> memref<1x100000xf32, #tpu.memory_space<hbm>>
    %dma_start3A_573 = tpu.memref_squeeze %dma_start3A_572 : memref<1x100000xf32, #tpu.memory_space<hbm>> -> memref<100000xf32, #tpu.memory_space<hbm>>
    %dma_start3A_574 = arith.constant 0 : i32
    %dma_start3A_575 = tpu.memref_slice %dma_start3A_573[%dma_start3A_574] : memref<100000xf32, #tpu.memory_space<hbm>> -> memref<100000xf32, #tpu.memory_space<hbm>>
    tpu.enqueue_indirect_dma source(%dma_start3A_575 : memref<100000xf32, #tpu.memory_space<hbm>>) target(%dma_start3A_563 : memref<2048xf32, #tpu.memory_space<vmem>>) offsets(%dma_start3A_566 : memref<2048xi32, #tpu.memory_space<vmem>>) semaphore(%arg8 : memref<!tpu.dma_semaphore, #tpu.memory_space<semaphore_mem>>)
    %add3A_576 = arith.constant 9 : i32
    %add3A_577 = arith.addi %mul3A_2, %add3A_576 : i32
    %jit3A_578 = arith.constant 16 : i32
    %div3A_579 = arith.divsi %add3A_577, %jit3A_578 : i32
    %sign3A_580 = arith.constant 0 : i32
    %sign3A_581 = arith.cmpi sgt, %add3A_577, %sign3A_580 : i32
    %sign3A_582 = arith.extui %sign3A_581 : i1 to i32
    %sign3A_583 = arith.constant 0 : i32
    %sign3A_584 = arith.cmpi slt, %add3A_577, %sign3A_583 : i32
    %sign3A_585 = arith.extui %sign3A_584 : i1 to i32
    %sign3A_586 = arith.subi %sign3A_582, %sign3A_585 : i32
    %sign3A_587 = arith.constant 0 : i32
    %sign3A_588 = arith.cmpi sgt, %jit3A_578, %sign3A_587 : i32
    %sign3A_589 = arith.extui %sign3A_588 : i1 to i32
    %sign3A_590 = arith.constant 0 : i32
    %sign3A_591 = arith.cmpi slt, %jit3A_578, %sign3A_590 : i32
    %sign3A_592 = arith.extui %sign3A_591 : i1 to i32
    %sign3A_593 = arith.subi %sign3A_589, %sign3A_592 : i32
    %ne3A_594 = arith.cmpi ne, %sign3A_586, %sign3A_593 : i32
    %rem3A_595 = arith.remsi %add3A_577, %jit3A_578 : i32
    %ne3A_596 = arith.constant 0 : i32
    %ne3A_597 = arith.cmpi ne, %rem3A_595, %ne3A_596 : i32
    %and3A_598 = arith.andi %ne3A_594, %ne3A_597 : i1
    %sub3A_599 = arith.constant 1 : i32
    %sub3A_600 = arith.subi %div3A_579, %sub3A_599 : i32
    %select_n3A_601 = arith.select %and3A_598, %sub3A_600, %div3A_579 : i32
    %jit3A_602 = arith.constant 16 : i32
    %eq3A_603 = arith.constant 0 : i32
    %eq3A_604 = arith.cmpi eq, %jit3A_602, %eq3A_603 : i32
    %jit3A_605 = arith.constant 1 : i32
    %select_n3A_606 = arith.select %eq3A_604, %jit3A_605, %jit3A_602 : i32
    %rem3A_607 = arith.remsi %add3A_577, %select_n3A_606 : i32
    %ne3A_608 = arith.constant 0 : i32
    %ne3A_609 = arith.cmpi ne, %rem3A_607, %ne3A_608 : i32
    %lt3A_610 = arith.constant 0 : i32
    %lt3A_611 = arith.cmpi slt, %rem3A_607, %lt3A_610 : i32
    %lt3A_612 = arith.constant 0 : i32
    %lt3A_613 = arith.cmpi slt, %select_n3A_606, %lt3A_612 : i32
    %ne3A_614 = arith.xori %lt3A_611, %lt3A_613 : i1
    %and3A_615 = arith.andi %ne3A_614, %ne3A_609 : i1
    %add3A_616 = arith.addi %rem3A_607, %select_n3A_606 : i32
    %select_n3A_617 = arith.select %and3A_615, %add3A_616, %rem3A_607 : i32
    %sub3A_618 = arith.subi %select_n3A_601, %select_n3A : i32
    %dma_start3A_619 = arith.constant 9 : i32
    %dma_start3A_620 = arith.constant 0 : i32
    %dma_start3A_621 = tpu.memref_slice %arg6[%dma_start3A_619, %dma_start3A_620] : memref<13x2048xf32, #tpu.memory_space<vmem>> -> memref<1x2048xf32, #tpu.memory_space<vmem>>
    %dma_start3A_622 = tpu.memref_squeeze %dma_start3A_621 : memref<1x2048xf32, #tpu.memory_space<vmem>> -> memref<2048xf32, #tpu.memory_space<vmem>>
    %dma_start3A_623 = arith.constant 0 : i32
    %dma_start3A_624 = tpu.memref_slice %arg5[%sub3A_618, %dma_start3A_623] : memref<2x2048xi32, #tpu.memory_space<vmem>> -> memref<1x2048xi32, #tpu.memory_space<vmem>>
    %dma_start3A_625 = tpu.memref_squeeze %dma_start3A_624 : memref<1x2048xi32, #tpu.memory_space<vmem>> -> memref<2048xi32, #tpu.memory_space<vmem>>
    %dma_start3A_626 = arith.constant 0 : i32
    %dma_start3A_627 = arith.constant 0 : i32
    %dma_start3A_628 = tpu.memref_slice %arg2[%select_n3A_601, %dma_start3A_626, %dma_start3A_627] : memref<26x16x100000xf32, #tpu.memory_space<hbm>> -> memref<1x16x100000xf32, #tpu.memory_space<hbm>>
    %dma_start3A_629 = tpu.memref_squeeze %dma_start3A_628 : memref<1x16x100000xf32, #tpu.memory_space<hbm>> -> memref<16x100000xf32, #tpu.memory_space<hbm>>
    %dma_start3A_630 = arith.constant 0 : i32
    %dma_start3A_631 = tpu.memref_slice %dma_start3A_629[%select_n3A_617, %dma_start3A_630] : memref<16x100000xf32, #tpu.memory_space<hbm>> -> memref<1x100000xf32, #tpu.memory_space<hbm>>
    %dma_start3A_632 = tpu.memref_squeeze %dma_start3A_631 : memref<1x100000xf32, #tpu.memory_space<hbm>> -> memref<100000xf32, #tpu.memory_space<hbm>>
    %dma_start3A_633 = arith.constant 0 : i32
    %dma_start3A_634 = tpu.memref_slice %dma_start3A_632[%dma_start3A_633] : memref<100000xf32, #tpu.memory_space<hbm>> -> memref<100000xf32, #tpu.memory_space<hbm>>
    tpu.enqueue_indirect_dma source(%dma_start3A_634 : memref<100000xf32, #tpu.memory_space<hbm>>) target(%dma_start3A_622 : memref<2048xf32, #tpu.memory_space<vmem>>) offsets(%dma_start3A_625 : memref<2048xi32, #tpu.memory_space<vmem>>) semaphore(%arg8 : memref<!tpu.dma_semaphore, #tpu.memory_space<semaphore_mem>>)
    %add3A_635 = arith.constant 10 : i32
    %add3A_636 = arith.addi %mul3A_2, %add3A_635 : i32
    %jit3A_637 = arith.constant 16 : i32
    %div3A_638 = arith.divsi %add3A_636, %jit3A_637 : i32
    %sign3A_639 = arith.constant 0 : i32
    %sign3A_640 = arith.cmpi sgt, %add3A_636, %sign3A_639 : i32
    %sign3A_641 = arith.extui %sign3A_640 : i1 to i32
    %sign3A_642 = arith.constant 0 : i32
    %sign3A_643 = arith.cmpi slt, %add3A_636, %sign3A_642 : i32
    %sign3A_644 = arith.extui %sign3A_643 : i1 to i32
    %sign3A_645 = arith.subi %sign3A_641, %sign3A_644 : i32
    %sign3A_646 = arith.constant 0 : i32
    %sign3A_647 = arith.cmpi sgt, %jit3A_637, %sign3A_646 : i32
    %sign3A_648 = arith.extui %sign3A_647 : i1 to i32
    %sign3A_649 = arith.constant 0 : i32
    %sign3A_650 = arith.cmpi slt, %jit3A_637, %sign3A_649 : i32
    %sign3A_651 = arith.extui %sign3A_650 : i1 to i32
    %sign3A_652 = arith.subi %sign3A_648, %sign3A_651 : i32
    %ne3A_653 = arith.cmpi ne, %sign3A_645, %sign3A_652 : i32
    %rem3A_654 = arith.remsi %add3A_636, %jit3A_637 : i32
    %ne3A_655 = arith.constant 0 : i32
    %ne3A_656 = arith.cmpi ne, %rem3A_654, %ne3A_655 : i32
    %and3A_657 = arith.andi %ne3A_653, %ne3A_656 : i1
    %sub3A_658 = arith.constant 1 : i32
    %sub3A_659 = arith.subi %div3A_638, %sub3A_658 : i32
    %select_n3A_660 = arith.select %and3A_657, %sub3A_659, %div3A_638 : i32
    %jit3A_661 = arith.constant 16 : i32
    %eq3A_662 = arith.constant 0 : i32
    %eq3A_663 = arith.cmpi eq, %jit3A_661, %eq3A_662 : i32
    %jit3A_664 = arith.constant 1 : i32
    %select_n3A_665 = arith.select %eq3A_663, %jit3A_664, %jit3A_661 : i32
    %rem3A_666 = arith.remsi %add3A_636, %select_n3A_665 : i32
    %ne3A_667 = arith.constant 0 : i32
    %ne3A_668 = arith.cmpi ne, %rem3A_666, %ne3A_667 : i32
    %lt3A_669 = arith.constant 0 : i32
    %lt3A_670 = arith.cmpi slt, %rem3A_666, %lt3A_669 : i32
    %lt3A_671 = arith.constant 0 : i32
    %lt3A_672 = arith.cmpi slt, %select_n3A_665, %lt3A_671 : i32
    %ne3A_673 = arith.xori %lt3A_670, %lt3A_672 : i1
    %and3A_674 = arith.andi %ne3A_673, %ne3A_668 : i1
    %add3A_675 = arith.addi %rem3A_666, %select_n3A_665 : i32
    %select_n3A_676 = arith.select %and3A_674, %add3A_675, %rem3A_666 : i32
    %sub3A_677 = arith.subi %select_n3A_660, %select_n3A : i32
    %dma_start3A_678 = arith.constant 10 : i32
    %dma_start3A_679 = arith.constant 0 : i32
    %dma_start3A_680 = tpu.memref_slice %arg6[%dma_start3A_678, %dma_start3A_679] : memref<13x2048xf32, #tpu.memory_space<vmem>> -> memref<1x2048xf32, #tpu.memory_space<vmem>>
    %dma_start3A_681 = tpu.memref_squeeze %dma_start3A_680 : memref<1x2048xf32, #tpu.memory_space<vmem>> -> memref<2048xf32, #tpu.memory_space<vmem>>
    %dma_start3A_682 = arith.constant 0 : i32
    %dma_start3A_683 = tpu.memref_slice %arg5[%sub3A_677, %dma_start3A_682] : memref<2x2048xi32, #tpu.memory_space<vmem>> -> memref<1x2048xi32, #tpu.memory_space<vmem>>
    %dma_start3A_684 = tpu.memref_squeeze %dma_start3A_683 : memref<1x2048xi32, #tpu.memory_space<vmem>> -> memref<2048xi32, #tpu.memory_space<vmem>>
    %dma_start3A_685 = arith.constant 0 : i32
    %dma_start3A_686 = arith.constant 0 : i32
    %dma_start3A_687 = tpu.memref_slice %arg2[%select_n3A_660, %dma_start3A_685, %dma_start3A_686] : memref<26x16x100000xf32, #tpu.memory_space<hbm>> -> memref<1x16x100000xf32, #tpu.memory_space<hbm>>
    %dma_start3A_688 = tpu.memref_squeeze %dma_start3A_687 : memref<1x16x100000xf32, #tpu.memory_space<hbm>> -> memref<16x100000xf32, #tpu.memory_space<hbm>>
    %dma_start3A_689 = arith.constant 0 : i32
    %dma_start3A_690 = tpu.memref_slice %dma_start3A_688[%select_n3A_676, %dma_start3A_689] : memref<16x100000xf32, #tpu.memory_space<hbm>> -> memref<1x100000xf32, #tpu.memory_space<hbm>>
    %dma_start3A_691 = tpu.memref_squeeze %dma_start3A_690 : memref<1x100000xf32, #tpu.memory_space<hbm>> -> memref<100000xf32, #tpu.memory_space<hbm>>
    %dma_start3A_692 = arith.constant 0 : i32
    %dma_start3A_693 = tpu.memref_slice %dma_start3A_691[%dma_start3A_692] : memref<100000xf32, #tpu.memory_space<hbm>> -> memref<100000xf32, #tpu.memory_space<hbm>>
    tpu.enqueue_indirect_dma source(%dma_start3A_693 : memref<100000xf32, #tpu.memory_space<hbm>>) target(%dma_start3A_681 : memref<2048xf32, #tpu.memory_space<vmem>>) offsets(%dma_start3A_684 : memref<2048xi32, #tpu.memory_space<vmem>>) semaphore(%arg8 : memref<!tpu.dma_semaphore, #tpu.memory_space<semaphore_mem>>)
    %add3A_694 = arith.constant 11 : i32
    %add3A_695 = arith.addi %mul3A_2, %add3A_694 : i32
    %jit3A_696 = arith.constant 16 : i32
    %div3A_697 = arith.divsi %add3A_695, %jit3A_696 : i32
    %sign3A_698 = arith.constant 0 : i32
    %sign3A_699 = arith.cmpi sgt, %add3A_695, %sign3A_698 : i32
    %sign3A_700 = arith.extui %sign3A_699 : i1 to i32
    %sign3A_701 = arith.constant 0 : i32
    %sign3A_702 = arith.cmpi slt, %add3A_695, %sign3A_701 : i32
    %sign3A_703 = arith.extui %sign3A_702 : i1 to i32
    %sign3A_704 = arith.subi %sign3A_700, %sign3A_703 : i32
    %sign3A_705 = arith.constant 0 : i32
    %sign3A_706 = arith.cmpi sgt, %jit3A_696, %sign3A_705 : i32
    %sign3A_707 = arith.extui %sign3A_706 : i1 to i32
    %sign3A_708 = arith.constant 0 : i32
    %sign3A_709 = arith.cmpi slt, %jit3A_696, %sign3A_708 : i32
    %sign3A_710 = arith.extui %sign3A_709 : i1 to i32
    %sign3A_711 = arith.subi %sign3A_707, %sign3A_710 : i32
    %ne3A_712 = arith.cmpi ne, %sign3A_704, %sign3A_711 : i32
    %rem3A_713 = arith.remsi %add3A_695, %jit3A_696 : i32
    %ne3A_714 = arith.constant 0 : i32
    %ne3A_715 = arith.cmpi ne, %rem3A_713, %ne3A_714 : i32
    %and3A_716 = arith.andi %ne3A_712, %ne3A_715 : i1
    %sub3A_717 = arith.constant 1 : i32
    %sub3A_718 = arith.subi %div3A_697, %sub3A_717 : i32
    %select_n3A_719 = arith.select %and3A_716, %sub3A_718, %div3A_697 : i32
    %jit3A_720 = arith.constant 16 : i32
    %eq3A_721 = arith.constant 0 : i32
    %eq3A_722 = arith.cmpi eq, %jit3A_720, %eq3A_721 : i32
    %jit3A_723 = arith.constant 1 : i32
    %select_n3A_724 = arith.select %eq3A_722, %jit3A_723, %jit3A_720 : i32
    %rem3A_725 = arith.remsi %add3A_695, %select_n3A_724 : i32
    %ne3A_726 = arith.constant 0 : i32
    %ne3A_727 = arith.cmpi ne, %rem3A_725, %ne3A_726 : i32
    %lt3A_728 = arith.constant 0 : i32
    %lt3A_729 = arith.cmpi slt, %rem3A_725, %lt3A_728 : i32
    %lt3A_730 = arith.constant 0 : i32
    %lt3A_731 = arith.cmpi slt, %select_n3A_724, %lt3A_730 : i32
    %ne3A_732 = arith.xori %lt3A_729, %lt3A_731 : i1
    %and3A_733 = arith.andi %ne3A_732, %ne3A_727 : i1
    %add3A_734 = arith.addi %rem3A_725, %select_n3A_724 : i32
    %select_n3A_735 = arith.select %and3A_733, %add3A_734, %rem3A_725 : i32
    %sub3A_736 = arith.subi %select_n3A_719, %select_n3A : i32
    %dma_start3A_737 = arith.constant 11 : i32
    %dma_start3A_738 = arith.constant 0 : i32
    %dma_start3A_739 = tpu.memref_slice %arg6[%dma_start3A_737, %dma_start3A_738] : memref<13x2048xf32, #tpu.memory_space<vmem>> -> memref<1x2048xf32, #tpu.memory_space<vmem>>
    %dma_start3A_740 = tpu.memref_squeeze %dma_start3A_739 : memref<1x2048xf32, #tpu.memory_space<vmem>> -> memref<2048xf32, #tpu.memory_space<vmem>>
    %dma_start3A_741 = arith.constant 0 : i32
    %dma_start3A_742 = tpu.memref_slice %arg5[%sub3A_736, %dma_start3A_741] : memref<2x2048xi32, #tpu.memory_space<vmem>> -> memref<1x2048xi32, #tpu.memory_space<vmem>>
    %dma_start3A_743 = tpu.memref_squeeze %dma_start3A_742 : memref<1x2048xi32, #tpu.memory_space<vmem>> -> memref<2048xi32, #tpu.memory_space<vmem>>
    %dma_start3A_744 = arith.constant 0 : i32
    %dma_start3A_745 = arith.constant 0 : i32
    %dma_start3A_746 = tpu.memref_slice %arg2[%select_n3A_719, %dma_start3A_744, %dma_start3A_745] : memref<26x16x100000xf32, #tpu.memory_space<hbm>> -> memref<1x16x100000xf32, #tpu.memory_space<hbm>>
    %dma_start3A_747 = tpu.memref_squeeze %dma_start3A_746 : memref<1x16x100000xf32, #tpu.memory_space<hbm>> -> memref<16x100000xf32, #tpu.memory_space<hbm>>
    %dma_start3A_748 = arith.constant 0 : i32
    %dma_start3A_749 = tpu.memref_slice %dma_start3A_747[%select_n3A_735, %dma_start3A_748] : memref<16x100000xf32, #tpu.memory_space<hbm>> -> memref<1x100000xf32, #tpu.memory_space<hbm>>
    %dma_start3A_750 = tpu.memref_squeeze %dma_start3A_749 : memref<1x100000xf32, #tpu.memory_space<hbm>> -> memref<100000xf32, #tpu.memory_space<hbm>>
    %dma_start3A_751 = arith.constant 0 : i32
    %dma_start3A_752 = tpu.memref_slice %dma_start3A_750[%dma_start3A_751] : memref<100000xf32, #tpu.memory_space<hbm>> -> memref<100000xf32, #tpu.memory_space<hbm>>
    tpu.enqueue_indirect_dma source(%dma_start3A_752 : memref<100000xf32, #tpu.memory_space<hbm>>) target(%dma_start3A_740 : memref<2048xf32, #tpu.memory_space<vmem>>) offsets(%dma_start3A_743 : memref<2048xi32, #tpu.memory_space<vmem>>) semaphore(%arg8 : memref<!tpu.dma_semaphore, #tpu.memory_space<semaphore_mem>>)
    %add3A_753 = arith.constant 12 : i32
    %add3A_754 = arith.addi %mul3A_2, %add3A_753 : i32
    %jit3A_755 = arith.constant 16 : i32
    %div3A_756 = arith.divsi %add3A_754, %jit3A_755 : i32
    %sign3A_757 = arith.constant 0 : i32
    %sign3A_758 = arith.cmpi sgt, %add3A_754, %sign3A_757 : i32
    %sign3A_759 = arith.extui %sign3A_758 : i1 to i32
    %sign3A_760 = arith.constant 0 : i32
    %sign3A_761 = arith.cmpi slt, %add3A_754, %sign3A_760 : i32
    %sign3A_762 = arith.extui %sign3A_761 : i1 to i32
    %sign3A_763 = arith.subi %sign3A_759, %sign3A_762 : i32
    %sign3A_764 = arith.constant 0 : i32
    %sign3A_765 = arith.cmpi sgt, %jit3A_755, %sign3A_764 : i32
    %sign3A_766 = arith.extui %sign3A_765 : i1 to i32
    %sign3A_767 = arith.constant 0 : i32
    %sign3A_768 = arith.cmpi slt, %jit3A_755, %sign3A_767 : i32
    %sign3A_769 = arith.extui %sign3A_768 : i1 to i32
    %sign3A_770 = arith.subi %sign3A_766, %sign3A_769 : i32
    %ne3A_771 = arith.cmpi ne, %sign3A_763, %sign3A_770 : i32
    %rem3A_772 = arith.remsi %add3A_754, %jit3A_755 : i32
    %ne3A_773 = arith.constant 0 : i32
    %ne3A_774 = arith.cmpi ne, %rem3A_772, %ne3A_773 : i32
    %and3A_775 = arith.andi %ne3A_771, %ne3A_774 : i1
    %sub3A_776 = arith.constant 1 : i32
    %sub3A_777 = arith.subi %div3A_756, %sub3A_776 : i32
    %select_n3A_778 = arith.select %and3A_775, %sub3A_777, %div3A_756 : i32
    %jit3A_779 = arith.constant 16 : i32
    %eq3A_780 = arith.constant 0 : i32
    %eq3A_781 = arith.cmpi eq, %jit3A_779, %eq3A_780 : i32
    %jit3A_782 = arith.constant 1 : i32
    %select_n3A_783 = arith.select %eq3A_781, %jit3A_782, %jit3A_779 : i32
    %rem3A_784 = arith.remsi %add3A_754, %select_n3A_783 : i32
    %ne3A_785 = arith.constant 0 : i32
    %ne3A_786 = arith.cmpi ne, %rem3A_784, %ne3A_785 : i32
    %lt3A_787 = arith.constant 0 : i32
    %lt3A_788 = arith.cmpi slt, %rem3A_784, %lt3A_787 : i32
    %lt3A_789 = arith.constant 0 : i32
    %lt3A_790 = arith.cmpi slt, %select_n3A_783, %lt3A_789 : i32
    %ne3A_791 = arith.xori %lt3A_788, %lt3A_790 : i1
    %and3A_792 = arith.andi %ne3A_791, %ne3A_786 : i1
    %add3A_793 = arith.addi %rem3A_784, %select_n3A_783 : i32
    %select_n3A_794 = arith.select %and3A_792, %add3A_793, %rem3A_784 : i32
    %sub3A_795 = arith.subi %select_n3A_778, %select_n3A : i32
    %dma_start3A_796 = arith.constant 12 : i32
    %dma_start3A_797 = arith.constant 0 : i32
    %dma_start3A_798 = tpu.memref_slice %arg6[%dma_start3A_796, %dma_start3A_797] : memref<13x2048xf32, #tpu.memory_space<vmem>> -> memref<1x2048xf32, #tpu.memory_space<vmem>>
    %dma_start3A_799 = tpu.memref_squeeze %dma_start3A_798 : memref<1x2048xf32, #tpu.memory_space<vmem>> -> memref<2048xf32, #tpu.memory_space<vmem>>
    %dma_start3A_800 = arith.constant 0 : i32
    %dma_start3A_801 = tpu.memref_slice %arg5[%sub3A_795, %dma_start3A_800] : memref<2x2048xi32, #tpu.memory_space<vmem>> -> memref<1x2048xi32, #tpu.memory_space<vmem>>
    %dma_start3A_802 = tpu.memref_squeeze %dma_start3A_801 : memref<1x2048xi32, #tpu.memory_space<vmem>> -> memref<2048xi32, #tpu.memory_space<vmem>>
    %dma_start3A_803 = arith.constant 0 : i32
    %dma_start3A_804 = arith.constant 0 : i32
    %dma_start3A_805 = tpu.memref_slice %arg2[%select_n3A_778, %dma_start3A_803, %dma_start3A_804] : memref<26x16x100000xf32, #tpu.memory_space<hbm>> -> memref<1x16x100000xf32, #tpu.memory_space<hbm>>
    %dma_start3A_806 = tpu.memref_squeeze %dma_start3A_805 : memref<1x16x100000xf32, #tpu.memory_space<hbm>> -> memref<16x100000xf32, #tpu.memory_space<hbm>>
    %dma_start3A_807 = arith.constant 0 : i32
    %dma_start3A_808 = tpu.memref_slice %dma_start3A_806[%select_n3A_794, %dma_start3A_807] : memref<16x100000xf32, #tpu.memory_space<hbm>> -> memref<1x100000xf32, #tpu.memory_space<hbm>>
    %dma_start3A_809 = tpu.memref_squeeze %dma_start3A_808 : memref<1x100000xf32, #tpu.memory_space<hbm>> -> memref<100000xf32, #tpu.memory_space<hbm>>
    %dma_start3A_810 = arith.constant 0 : i32
    %dma_start3A_811 = tpu.memref_slice %dma_start3A_809[%dma_start3A_810] : memref<100000xf32, #tpu.memory_space<hbm>> -> memref<100000xf32, #tpu.memory_space<hbm>>
    tpu.enqueue_indirect_dma source(%dma_start3A_811 : memref<100000xf32, #tpu.memory_space<hbm>>) target(%dma_start3A_799 : memref<2048xf32, #tpu.memory_space<vmem>>) offsets(%dma_start3A_802 : memref<2048xi32, #tpu.memory_space<vmem>>) semaphore(%arg8 : memref<!tpu.dma_semaphore, #tpu.memory_space<semaphore_mem>>)
    %dma_wait3A = arith.constant 0 : i32
    %dma_wait3A_812 = arith.constant 0 : i32
    %dma_wait3A_813 = tpu.memref_slice %arg6[%dma_wait3A, %dma_wait3A_812] : memref<13x2048xf32, #tpu.memory_space<vmem>> -> memref<1x2048xf32, #tpu.memory_space<vmem>>
    %dma_wait3A_814 = tpu.memref_squeeze %dma_wait3A_813 : memref<1x2048xf32, #tpu.memory_space<vmem>> -> memref<2048xf32, #tpu.memory_space<vmem>>
    %dma_wait3A_815 = arith.constant 0 : i32
    %dma_wait3A_816 = tpu.memref_slice %arg5[%sub3A_88, %dma_wait3A_815] : memref<2x2048xi32, #tpu.memory_space<vmem>> -> memref<1x2048xi32, #tpu.memory_space<vmem>>
    %dma_wait3A_817 = tpu.memref_squeeze %dma_wait3A_816 : memref<1x2048xi32, #tpu.memory_space<vmem>> -> memref<2048xi32, #tpu.memory_space<vmem>>
    %dma_wait3A_818 = arith.constant 0 : i32
    %dma_wait3A_819 = arith.constant 0 : i32
    %dma_wait3A_820 = tpu.memref_slice %arg2[%select_n3A_73, %dma_wait3A_818, %dma_wait3A_819] : memref<26x16x100000xf32, #tpu.memory_space<hbm>> -> memref<1x16x100000xf32, #tpu.memory_space<hbm>>
    %dma_wait3A_821 = tpu.memref_squeeze %dma_wait3A_820 : memref<1x16x100000xf32, #tpu.memory_space<hbm>> -> memref<16x100000xf32, #tpu.memory_space<hbm>>
    %dma_wait3A_822 = arith.constant 0 : i32
    %dma_wait3A_823 = tpu.memref_slice %dma_wait3A_821[%select_n3A_87, %dma_wait3A_822] : memref<16x100000xf32, #tpu.memory_space<hbm>> -> memref<1x100000xf32, #tpu.memory_space<hbm>>
    %dma_wait3A_824 = tpu.memref_squeeze %dma_wait3A_823 : memref<1x100000xf32, #tpu.memory_space<hbm>> -> memref<100000xf32, #tpu.memory_space<hbm>>
    %dma_wait3A_825 = arith.constant 0 : i32
    %dma_wait3A_826 = tpu.memref_slice %dma_wait3A_824[%dma_wait3A_825] : memref<100000xf32, #tpu.memory_space<hbm>> -> memref<100000xf32, #tpu.memory_space<hbm>>
    tpu.wait_indirect_dma semaphore(%arg8 : memref<!tpu.dma_semaphore, #tpu.memory_space<semaphore_mem>>) src(%dma_wait3A_826 : memref<100000xf32, #tpu.memory_space<hbm>>) dst(%dma_wait3A_814 : memref<2048xf32, #tpu.memory_space<vmem>>)
    %dma_wait3A_827 = arith.constant 1 : i32
    %dma_wait3A_828 = arith.constant 0 : i32
    %dma_wait3A_829 = tpu.memref_slice %arg6[%dma_wait3A_827, %dma_wait3A_828] : memref<13x2048xf32, #tpu.memory_space<vmem>> -> memref<1x2048xf32, #tpu.memory_space<vmem>>
    %dma_wait3A_830 = tpu.memref_squeeze %dma_wait3A_829 : memref<1x2048xf32, #tpu.memory_space<vmem>> -> memref<2048xf32, #tpu.memory_space<vmem>>
    %dma_wait3A_831 = arith.constant 0 : i32
    %dma_wait3A_832 = tpu.memref_slice %arg5[%sub3A_146, %dma_wait3A_831] : memref<2x2048xi32, #tpu.memory_space<vmem>> -> memref<1x2048xi32, #tpu.memory_space<vmem>>
    %dma_wait3A_833 = tpu.memref_squeeze %dma_wait3A_832 : memref<1x2048xi32, #tpu.memory_space<vmem>> -> memref<2048xi32, #tpu.memory_space<vmem>>
    %dma_wait3A_834 = arith.constant 0 : i32
    %dma_wait3A_835 = arith.constant 0 : i32
    %dma_wait3A_836 = tpu.memref_slice %arg2[%select_n3A_129, %dma_wait3A_834, %dma_wait3A_835] : memref<26x16x100000xf32, #tpu.memory_space<hbm>> -> memref<1x16x100000xf32, #tpu.memory_space<hbm>>
    %dma_wait3A_837 = tpu.memref_squeeze %dma_wait3A_836 : memref<1x16x100000xf32, #tpu.memory_space<hbm>> -> memref<16x100000xf32, #tpu.memory_space<hbm>>
    %dma_wait3A_838 = arith.constant 0 : i32
    %dma_wait3A_839 = tpu.memref_slice %dma_wait3A_837[%select_n3A_145, %dma_wait3A_838] : memref<16x100000xf32, #tpu.memory_space<hbm>> -> memref<1x100000xf32, #tpu.memory_space<hbm>>
    %dma_wait3A_840 = tpu.memref_squeeze %dma_wait3A_839 : memref<1x100000xf32, #tpu.memory_space<hbm>> -> memref<100000xf32, #tpu.memory_space<hbm>>
    %dma_wait3A_841 = arith.constant 0 : i32
    %dma_wait3A_842 = tpu.memref_slice %dma_wait3A_840[%dma_wait3A_841] : memref<100000xf32, #tpu.memory_space<hbm>> -> memref<100000xf32, #tpu.memory_space<hbm>>
    tpu.wait_indirect_dma semaphore(%arg8 : memref<!tpu.dma_semaphore, #tpu.memory_space<semaphore_mem>>) src(%dma_wait3A_842 : memref<100000xf32, #tpu.memory_space<hbm>>) dst(%dma_wait3A_830 : memref<2048xf32, #tpu.memory_space<vmem>>)
    %dma_wait3A_843 = arith.constant 2 : i32
    %dma_wait3A_844 = arith.constant 0 : i32
    %dma_wait3A_845 = tpu.memref_slice %arg6[%dma_wait3A_843, %dma_wait3A_844] : memref<13x2048xf32, #tpu.memory_space<vmem>> -> memref<1x2048xf32, #tpu.memory_space<vmem>>
    %dma_wait3A_846 = tpu.memref_squeeze %dma_wait3A_845 : memref<1x2048xf32, #tpu.memory_space<vmem>> -> memref<2048xf32, #tpu.memory_space<vmem>>
    %dma_wait3A_847 = arith.constant 0 : i32
    %dma_wait3A_848 = tpu.memref_slice %arg5[%sub3A_205, %dma_wait3A_847] : memref<2x2048xi32, #tpu.memory_space<vmem>> -> memref<1x2048xi32, #tpu.memory_space<vmem>>
    %dma_wait3A_849 = tpu.memref_squeeze %dma_wait3A_848 : memref<1x2048xi32, #tpu.memory_space<vmem>> -> memref<2048xi32, #tpu.memory_space<vmem>>
    %dma_wait3A_850 = arith.constant 0 : i32
    %dma_wait3A_851 = arith.constant 0 : i32
    %dma_wait3A_852 = tpu.memref_slice %arg2[%select_n3A_188, %dma_wait3A_850, %dma_wait3A_851] : memref<26x16x100000xf32, #tpu.memory_space<hbm>> -> memref<1x16x100000xf32, #tpu.memory_space<hbm>>
    %dma_wait3A_853 = tpu.memref_squeeze %dma_wait3A_852 : memref<1x16x100000xf32, #tpu.memory_space<hbm>> -> memref<16x100000xf32, #tpu.memory_space<hbm>>
    %dma_wait3A_854 = arith.constant 0 : i32
    %dma_wait3A_855 = tpu.memref_slice %dma_wait3A_853[%select_n3A_204, %dma_wait3A_854] : memref<16x100000xf32, #tpu.memory_space<hbm>> -> memref<1x100000xf32, #tpu.memory_space<hbm>>
    %dma_wait3A_856 = tpu.memref_squeeze %dma_wait3A_855 : memref<1x100000xf32, #tpu.memory_space<hbm>> -> memref<100000xf32, #tpu.memory_space<hbm>>
    %dma_wait3A_857 = arith.constant 0 : i32
    %dma_wait3A_858 = tpu.memref_slice %dma_wait3A_856[%dma_wait3A_857] : memref<100000xf32, #tpu.memory_space<hbm>> -> memref<100000xf32, #tpu.memory_space<hbm>>
    tpu.wait_indirect_dma semaphore(%arg8 : memref<!tpu.dma_semaphore, #tpu.memory_space<semaphore_mem>>) src(%dma_wait3A_858 : memref<100000xf32, #tpu.memory_space<hbm>>) dst(%dma_wait3A_846 : memref<2048xf32, #tpu.memory_space<vmem>>)
    %dma_wait3A_859 = arith.constant 3 : i32
    %dma_wait3A_860 = arith.constant 0 : i32
    %dma_wait3A_861 = tpu.memref_slice %arg6[%dma_wait3A_859, %dma_wait3A_860] : memref<13x2048xf32, #tpu.memory_space<vmem>> -> memref<1x2048xf32, #tpu.memory_space<vmem>>
    %dma_wait3A_862 = tpu.memref_squeeze %dma_wait3A_861 : memref<1x2048xf32, #tpu.memory_space<vmem>> -> memref<2048xf32, #tpu.memory_space<vmem>>
    %dma_wait3A_863 = arith.constant 0 : i32
    %dma_wait3A_864 = tpu.memref_slice %arg5[%sub3A_264, %dma_wait3A_863] : memref<2x2048xi32, #tpu.memory_space<vmem>> -> memref<1x2048xi32, #tpu.memory_space<vmem>>
    %dma_wait3A_865 = tpu.memref_squeeze %dma_wait3A_864 : memref<1x2048xi32, #tpu.memory_space<vmem>> -> memref<2048xi32, #tpu.memory_space<vmem>>
    %dma_wait3A_866 = arith.constant 0 : i32
    %dma_wait3A_867 = arith.constant 0 : i32
    %dma_wait3A_868 = tpu.memref_slice %arg2[%select_n3A_247, %dma_wait3A_866, %dma_wait3A_867] : memref<26x16x100000xf32, #tpu.memory_space<hbm>> -> memref<1x16x100000xf32, #tpu.memory_space<hbm>>
    %dma_wait3A_869 = tpu.memref_squeeze %dma_wait3A_868 : memref<1x16x100000xf32, #tpu.memory_space<hbm>> -> memref<16x100000xf32, #tpu.memory_space<hbm>>
    %dma_wait3A_870 = arith.constant 0 : i32
    %dma_wait3A_871 = tpu.memref_slice %dma_wait3A_869[%select_n3A_263, %dma_wait3A_870] : memref<16x100000xf32, #tpu.memory_space<hbm>> -> memref<1x100000xf32, #tpu.memory_space<hbm>>
    %dma_wait3A_872 = tpu.memref_squeeze %dma_wait3A_871 : memref<1x100000xf32, #tpu.memory_space<hbm>> -> memref<100000xf32, #tpu.memory_space<hbm>>
    %dma_wait3A_873 = arith.constant 0 : i32
    %dma_wait3A_874 = tpu.memref_slice %dma_wait3A_872[%dma_wait3A_873] : memref<100000xf32, #tpu.memory_space<hbm>> -> memref<100000xf32, #tpu.memory_space<hbm>>
    tpu.wait_indirect_dma semaphore(%arg8 : memref<!tpu.dma_semaphore, #tpu.memory_space<semaphore_mem>>) src(%dma_wait3A_874 : memref<100000xf32, #tpu.memory_space<hbm>>) dst(%dma_wait3A_862 : memref<2048xf32, #tpu.memory_space<vmem>>)
    %dma_wait3A_875 = arith.constant 4 : i32
    %dma_wait3A_876 = arith.constant 0 : i32
    %dma_wait3A_877 = tpu.memref_slice %arg6[%dma_wait3A_875, %dma_wait3A_876] : memref<13x2048xf32, #tpu.memory_space<vmem>> -> memref<1x2048xf32, #tpu.memory_space<vmem>>
    %dma_wait3A_878 = tpu.memref_squeeze %dma_wait3A_877 : memref<1x2048xf32, #tpu.memory_space<vmem>> -> memref<2048xf32, #tpu.memory_space<vmem>>
    %dma_wait3A_879 = arith.constant 0 : i32
    %dma_wait3A_880 = tpu.memref_slice %arg5[%sub3A_323, %dma_wait3A_879] : memref<2x2048xi32, #tpu.memory_space<vmem>> -> memref<1x2048xi32, #tpu.memory_space<vmem>>
    %dma_wait3A_881 = tpu.memref_squeeze %dma_wait3A_880 : memref<1x2048xi32, #tpu.memory_space<vmem>> -> memref<2048xi32, #tpu.memory_space<vmem>>
    %dma_wait3A_882 = arith.constant 0 : i32
    %dma_wait3A_883 = arith.constant 0 : i32
    %dma_wait3A_884 = tpu.memref_slice %arg2[%select_n3A_306, %dma_wait3A_882, %dma_wait3A_883] : memref<26x16x100000xf32, #tpu.memory_space<hbm>> -> memref<1x16x100000xf32, #tpu.memory_space<hbm>>
    %dma_wait3A_885 = tpu.memref_squeeze %dma_wait3A_884 : memref<1x16x100000xf32, #tpu.memory_space<hbm>> -> memref<16x100000xf32, #tpu.memory_space<hbm>>
    %dma_wait3A_886 = arith.constant 0 : i32
    %dma_wait3A_887 = tpu.memref_slice %dma_wait3A_885[%select_n3A_322, %dma_wait3A_886] : memref<16x100000xf32, #tpu.memory_space<hbm>> -> memref<1x100000xf32, #tpu.memory_space<hbm>>
    %dma_wait3A_888 = tpu.memref_squeeze %dma_wait3A_887 : memref<1x100000xf32, #tpu.memory_space<hbm>> -> memref<100000xf32, #tpu.memory_space<hbm>>
    %dma_wait3A_889 = arith.constant 0 : i32
    %dma_wait3A_890 = tpu.memref_slice %dma_wait3A_888[%dma_wait3A_889] : memref<100000xf32, #tpu.memory_space<hbm>> -> memref<100000xf32, #tpu.memory_space<hbm>>
    tpu.wait_indirect_dma semaphore(%arg8 : memref<!tpu.dma_semaphore, #tpu.memory_space<semaphore_mem>>) src(%dma_wait3A_890 : memref<100000xf32, #tpu.memory_space<hbm>>) dst(%dma_wait3A_878 : memref<2048xf32, #tpu.memory_space<vmem>>)
    %dma_wait3A_891 = arith.constant 5 : i32
    %dma_wait3A_892 = arith.constant 0 : i32
    %dma_wait3A_893 = tpu.memref_slice %arg6[%dma_wait3A_891, %dma_wait3A_892] : memref<13x2048xf32, #tpu.memory_space<vmem>> -> memref<1x2048xf32, #tpu.memory_space<vmem>>
    %dma_wait3A_894 = tpu.memref_squeeze %dma_wait3A_893 : memref<1x2048xf32, #tpu.memory_space<vmem>> -> memref<2048xf32, #tpu.memory_space<vmem>>
    %dma_wait3A_895 = arith.constant 0 : i32
    %dma_wait3A_896 = tpu.memref_slice %arg5[%sub3A_382, %dma_wait3A_895] : memref<2x2048xi32, #tpu.memory_space<vmem>> -> memref<1x2048xi32, #tpu.memory_space<vmem>>
    %dma_wait3A_897 = tpu.memref_squeeze %dma_wait3A_896 : memref<1x2048xi32, #tpu.memory_space<vmem>> -> memref<2048xi32, #tpu.memory_space<vmem>>
    %dma_wait3A_898 = arith.constant 0 : i32
    %dma_wait3A_899 = arith.constant 0 : i32
    %dma_wait3A_900 = tpu.memref_slice %arg2[%select_n3A_365, %dma_wait3A_898, %dma_wait3A_899] : memref<26x16x100000xf32, #tpu.memory_space<hbm>> -> memref<1x16x100000xf32, #tpu.memory_space<hbm>>
    %dma_wait3A_901 = tpu.memref_squeeze %dma_wait3A_900 : memref<1x16x100000xf32, #tpu.memory_space<hbm>> -> memref<16x100000xf32, #tpu.memory_space<hbm>>
    %dma_wait3A_902 = arith.constant 0 : i32
    %dma_wait3A_903 = tpu.memref_slice %dma_wait3A_901[%select_n3A_381, %dma_wait3A_902] : memref<16x100000xf32, #tpu.memory_space<hbm>> -> memref<1x100000xf32, #tpu.memory_space<hbm>>
    %dma_wait3A_904 = tpu.memref_squeeze %dma_wait3A_903 : memref<1x100000xf32, #tpu.memory_space<hbm>> -> memref<100000xf32, #tpu.memory_space<hbm>>
    %dma_wait3A_905 = arith.constant 0 : i32
    %dma_wait3A_906 = tpu.memref_slice %dma_wait3A_904[%dma_wait3A_905] : memref<100000xf32, #tpu.memory_space<hbm>> -> memref<100000xf32, #tpu.memory_space<hbm>>
    tpu.wait_indirect_dma semaphore(%arg8 : memref<!tpu.dma_semaphore, #tpu.memory_space<semaphore_mem>>) src(%dma_wait3A_906 : memref<100000xf32, #tpu.memory_space<hbm>>) dst(%dma_wait3A_894 : memref<2048xf32, #tpu.memory_space<vmem>>)
    %dma_wait3A_907 = arith.constant 6 : i32
    %dma_wait3A_908 = arith.constant 0 : i32
    %dma_wait3A_909 = tpu.memref_slice %arg6[%dma_wait3A_907, %dma_wait3A_908] : memref<13x2048xf32, #tpu.memory_space<vmem>> -> memref<1x2048xf32, #tpu.memory_space<vmem>>
    %dma_wait3A_910 = tpu.memref_squeeze %dma_wait3A_909 : memref<1x2048xf32, #tpu.memory_space<vmem>> -> memref<2048xf32, #tpu.memory_space<vmem>>
    %dma_wait3A_911 = arith.constant 0 : i32
    %dma_wait3A_912 = tpu.memref_slice %arg5[%sub3A_441, %dma_wait3A_911] : memref<2x2048xi32, #tpu.memory_space<vmem>> -> memref<1x2048xi32, #tpu.memory_space<vmem>>
    %dma_wait3A_913 = tpu.memref_squeeze %dma_wait3A_912 : memref<1x2048xi32, #tpu.memory_space<vmem>> -> memref<2048xi32, #tpu.memory_space<vmem>>
    %dma_wait3A_914 = arith.constant 0 : i32
    %dma_wait3A_915 = arith.constant 0 : i32
    %dma_wait3A_916 = tpu.memref_slice %arg2[%select_n3A_424, %dma_wait3A_914, %dma_wait3A_915] : memref<26x16x100000xf32, #tpu.memory_space<hbm>> -> memref<1x16x100000xf32, #tpu.memory_space<hbm>>
    %dma_wait3A_917 = tpu.memref_squeeze %dma_wait3A_916 : memref<1x16x100000xf32, #tpu.memory_space<hbm>> -> memref<16x100000xf32, #tpu.memory_space<hbm>>
    %dma_wait3A_918 = arith.constant 0 : i32
    %dma_wait3A_919 = tpu.memref_slice %dma_wait3A_917[%select_n3A_440, %dma_wait3A_918] : memref<16x100000xf32, #tpu.memory_space<hbm>> -> memref<1x100000xf32, #tpu.memory_space<hbm>>
    %dma_wait3A_920 = tpu.memref_squeeze %dma_wait3A_919 : memref<1x100000xf32, #tpu.memory_space<hbm>> -> memref<100000xf32, #tpu.memory_space<hbm>>
    %dma_wait3A_921 = arith.constant 0 : i32
    %dma_wait3A_922 = tpu.memref_slice %dma_wait3A_920[%dma_wait3A_921] : memref<100000xf32, #tpu.memory_space<hbm>> -> memref<100000xf32, #tpu.memory_space<hbm>>
    tpu.wait_indirect_dma semaphore(%arg8 : memref<!tpu.dma_semaphore, #tpu.memory_space<semaphore_mem>>) src(%dma_wait3A_922 : memref<100000xf32, #tpu.memory_space<hbm>>) dst(%dma_wait3A_910 : memref<2048xf32, #tpu.memory_space<vmem>>)
    %dma_wait3A_923 = arith.constant 7 : i32
    %dma_wait3A_924 = arith.constant 0 : i32
    %dma_wait3A_925 = tpu.memref_slice %arg6[%dma_wait3A_923, %dma_wait3A_924] : memref<13x2048xf32, #tpu.memory_space<vmem>> -> memref<1x2048xf32, #tpu.memory_space<vmem>>
    %dma_wait3A_926 = tpu.memref_squeeze %dma_wait3A_925 : memref<1x2048xf32, #tpu.memory_space<vmem>> -> memref<2048xf32, #tpu.memory_space<vmem>>
    %dma_wait3A_927 = arith.constant 0 : i32
    %dma_wait3A_928 = tpu.memref_slice %arg5[%sub3A_500, %dma_wait3A_927] : memref<2x2048xi32, #tpu.memory_space<vmem>> -> memref<1x2048xi32, #tpu.memory_space<vmem>>
    %dma_wait3A_929 = tpu.memref_squeeze %dma_wait3A_928 : memref<1x2048xi32, #tpu.memory_space<vmem>> -> memref<2048xi32, #tpu.memory_space<vmem>>
    %dma_wait3A_930 = arith.constant 0 : i32
    %dma_wait3A_931 = arith.constant 0 : i32
    %dma_wait3A_932 = tpu.memref_slice %arg2[%select_n3A_483, %dma_wait3A_930, %dma_wait3A_931] : memref<26x16x100000xf32, #tpu.memory_space<hbm>> -> memref<1x16x100000xf32, #tpu.memory_space<hbm>>
    %dma_wait3A_933 = tpu.memref_squeeze %dma_wait3A_932 : memref<1x16x100000xf32, #tpu.memory_space<hbm>> -> memref<16x100000xf32, #tpu.memory_space<hbm>>
    %dma_wait3A_934 = arith.constant 0 : i32
    %dma_wait3A_935 = tpu.memref_slice %dma_wait3A_933[%select_n3A_499, %dma_wait3A_934] : memref<16x100000xf32, #tpu.memory_space<hbm>> -> memref<1x100000xf32, #tpu.memory_space<hbm>>
    %dma_wait3A_936 = tpu.memref_squeeze %dma_wait3A_935 : memref<1x100000xf32, #tpu.memory_space<hbm>> -> memref<100000xf32, #tpu.memory_space<hbm>>
    %dma_wait3A_937 = arith.constant 0 : i32
    %dma_wait3A_938 = tpu.memref_slice %dma_wait3A_936[%dma_wait3A_937] : memref<100000xf32, #tpu.memory_space<hbm>> -> memref<100000xf32, #tpu.memory_space<hbm>>
    tpu.wait_indirect_dma semaphore(%arg8 : memref<!tpu.dma_semaphore, #tpu.memory_space<semaphore_mem>>) src(%dma_wait3A_938 : memref<100000xf32, #tpu.memory_space<hbm>>) dst(%dma_wait3A_926 : memref<2048xf32, #tpu.memory_space<vmem>>)
    %dma_wait3A_939 = arith.constant 8 : i32
    %dma_wait3A_940 = arith.constant 0 : i32
    %dma_wait3A_941 = tpu.memref_slice %arg6[%dma_wait3A_939, %dma_wait3A_940] : memref<13x2048xf32, #tpu.memory_space<vmem>> -> memref<1x2048xf32, #tpu.memory_space<vmem>>
    %dma_wait3A_942 = tpu.memref_squeeze %dma_wait3A_941 : memref<1x2048xf32, #tpu.memory_space<vmem>> -> memref<2048xf32, #tpu.memory_space<vmem>>
    %dma_wait3A_943 = arith.constant 0 : i32
    %dma_wait3A_944 = tpu.memref_slice %arg5[%sub3A_559, %dma_wait3A_943] : memref<2x2048xi32, #tpu.memory_space<vmem>> -> memref<1x2048xi32, #tpu.memory_space<vmem>>
    %dma_wait3A_945 = tpu.memref_squeeze %dma_wait3A_944 : memref<1x2048xi32, #tpu.memory_space<vmem>> -> memref<2048xi32, #tpu.memory_space<vmem>>
    %dma_wait3A_946 = arith.constant 0 : i32
    %dma_wait3A_947 = arith.constant 0 : i32
    %dma_wait3A_948 = tpu.memref_slice %arg2[%select_n3A_542, %dma_wait3A_946, %dma_wait3A_947] : memref<26x16x100000xf32, #tpu.memory_space<hbm>> -> memref<1x16x100000xf32, #tpu.memory_space<hbm>>
    %dma_wait3A_949 = tpu.memref_squeeze %dma_wait3A_948 : memref<1x16x100000xf32, #tpu.memory_space<hbm>> -> memref<16x100000xf32, #tpu.memory_space<hbm>>
    %dma_wait3A_950 = arith.constant 0 : i32
    %dma_wait3A_951 = tpu.memref_slice %dma_wait3A_949[%select_n3A_558, %dma_wait3A_950] : memref<16x100000xf32, #tpu.memory_space<hbm>> -> memref<1x100000xf32, #tpu.memory_space<hbm>>
    %dma_wait3A_952 = tpu.memref_squeeze %dma_wait3A_951 : memref<1x100000xf32, #tpu.memory_space<hbm>> -> memref<100000xf32, #tpu.memory_space<hbm>>
    %dma_wait3A_953 = arith.constant 0 : i32
    %dma_wait3A_954 = tpu.memref_slice %dma_wait3A_952[%dma_wait3A_953] : memref<100000xf32, #tpu.memory_space<hbm>> -> memref<100000xf32, #tpu.memory_space<hbm>>
    tpu.wait_indirect_dma semaphore(%arg8 : memref<!tpu.dma_semaphore, #tpu.memory_space<semaphore_mem>>) src(%dma_wait3A_954 : memref<100000xf32, #tpu.memory_space<hbm>>) dst(%dma_wait3A_942 : memref<2048xf32, #tpu.memory_space<vmem>>)
    %dma_wait3A_955 = arith.constant 9 : i32
    %dma_wait3A_956 = arith.constant 0 : i32
    %dma_wait3A_957 = tpu.memref_slice %arg6[%dma_wait3A_955, %dma_wait3A_956] : memref<13x2048xf32, #tpu.memory_space<vmem>> -> memref<1x2048xf32, #tpu.memory_space<vmem>>
    %dma_wait3A_958 = tpu.memref_squeeze %dma_wait3A_957 : memref<1x2048xf32, #tpu.memory_space<vmem>> -> memref<2048xf32, #tpu.memory_space<vmem>>
    %dma_wait3A_959 = arith.constant 0 : i32
    %dma_wait3A_960 = tpu.memref_slice %arg5[%sub3A_618, %dma_wait3A_959] : memref<2x2048xi32, #tpu.memory_space<vmem>> -> memref<1x2048xi32, #tpu.memory_space<vmem>>
    %dma_wait3A_961 = tpu.memref_squeeze %dma_wait3A_960 : memref<1x2048xi32, #tpu.memory_space<vmem>> -> memref<2048xi32, #tpu.memory_space<vmem>>
    %dma_wait3A_962 = arith.constant 0 : i32
    %dma_wait3A_963 = arith.constant 0 : i32
    %dma_wait3A_964 = tpu.memref_slice %arg2[%select_n3A_601, %dma_wait3A_962, %dma_wait3A_963] : memref<26x16x100000xf32, #tpu.memory_space<hbm>> -> memref<1x16x100000xf32, #tpu.memory_space<hbm>>
    %dma_wait3A_965 = tpu.memref_squeeze %dma_wait3A_964 : memref<1x16x100000xf32, #tpu.memory_space<hbm>> -> memref<16x100000xf32, #tpu.memory_space<hbm>>
    %dma_wait3A_966 = arith.constant 0 : i32
    %dma_wait3A_967 = tpu.memref_slice %dma_wait3A_965[%select_n3A_617, %dma_wait3A_966] : memref<16x100000xf32, #tpu.memory_space<hbm>> -> memref<1x100000xf32, #tpu.memory_space<hbm>>
    %dma_wait3A_968 = tpu.memref_squeeze %dma_wait3A_967 : memref<1x100000xf32, #tpu.memory_space<hbm>> -> memref<100000xf32, #tpu.memory_space<hbm>>
    %dma_wait3A_969 = arith.constant 0 : i32
    %dma_wait3A_970 = tpu.memref_slice %dma_wait3A_968[%dma_wait3A_969] : memref<100000xf32, #tpu.memory_space<hbm>> -> memref<100000xf32, #tpu.memory_space<hbm>>
    tpu.wait_indirect_dma semaphore(%arg8 : memref<!tpu.dma_semaphore, #tpu.memory_space<semaphore_mem>>) src(%dma_wait3A_970 : memref<100000xf32, #tpu.memory_space<hbm>>) dst(%dma_wait3A_958 : memref<2048xf32, #tpu.memory_space<vmem>>)
    %dma_wait3A_971 = arith.constant 10 : i32
    %dma_wait3A_972 = arith.constant 0 : i32
    %dma_wait3A_973 = tpu.memref_slice %arg6[%dma_wait3A_971, %dma_wait3A_972] : memref<13x2048xf32, #tpu.memory_space<vmem>> -> memref<1x2048xf32, #tpu.memory_space<vmem>>
    %dma_wait3A_974 = tpu.memref_squeeze %dma_wait3A_973 : memref<1x2048xf32, #tpu.memory_space<vmem>> -> memref<2048xf32, #tpu.memory_space<vmem>>
    %dma_wait3A_975 = arith.constant 0 : i32
    %dma_wait3A_976 = tpu.memref_slice %arg5[%sub3A_677, %dma_wait3A_975] : memref<2x2048xi32, #tpu.memory_space<vmem>> -> memref<1x2048xi32, #tpu.memory_space<vmem>>
    %dma_wait3A_977 = tpu.memref_squeeze %dma_wait3A_976 : memref<1x2048xi32, #tpu.memory_space<vmem>> -> memref<2048xi32, #tpu.memory_space<vmem>>
    %dma_wait3A_978 = arith.constant 0 : i32
    %dma_wait3A_979 = arith.constant 0 : i32
    %dma_wait3A_980 = tpu.memref_slice %arg2[%select_n3A_660, %dma_wait3A_978, %dma_wait3A_979] : memref<26x16x100000xf32, #tpu.memory_space<hbm>> -> memref<1x16x100000xf32, #tpu.memory_space<hbm>>
    %dma_wait3A_981 = tpu.memref_squeeze %dma_wait3A_980 : memref<1x16x100000xf32, #tpu.memory_space<hbm>> -> memref<16x100000xf32, #tpu.memory_space<hbm>>
    %dma_wait3A_982 = arith.constant 0 : i32
    %dma_wait3A_983 = tpu.memref_slice %dma_wait3A_981[%select_n3A_676, %dma_wait3A_982] : memref<16x100000xf32, #tpu.memory_space<hbm>> -> memref<1x100000xf32, #tpu.memory_space<hbm>>
    %dma_wait3A_984 = tpu.memref_squeeze %dma_wait3A_983 : memref<1x100000xf32, #tpu.memory_space<hbm>> -> memref<100000xf32, #tpu.memory_space<hbm>>
    %dma_wait3A_985 = arith.constant 0 : i32
    %dma_wait3A_986 = tpu.memref_slice %dma_wait3A_984[%dma_wait3A_985] : memref<100000xf32, #tpu.memory_space<hbm>> -> memref<100000xf32, #tpu.memory_space<hbm>>
    tpu.wait_indirect_dma semaphore(%arg8 : memref<!tpu.dma_semaphore, #tpu.memory_space<semaphore_mem>>) src(%dma_wait3A_986 : memref<100000xf32, #tpu.memory_space<hbm>>) dst(%dma_wait3A_974 : memref<2048xf32, #tpu.memory_space<vmem>>)
    %dma_wait3A_987 = arith.constant 11 : i32
    %dma_wait3A_988 = arith.constant 0 : i32
    %dma_wait3A_989 = tpu.memref_slice %arg6[%dma_wait3A_987, %dma_wait3A_988] : memref<13x2048xf32, #tpu.memory_space<vmem>> -> memref<1x2048xf32, #tpu.memory_space<vmem>>
    %dma_wait3A_990 = tpu.memref_squeeze %dma_wait3A_989 : memref<1x2048xf32, #tpu.memory_space<vmem>> -> memref<2048xf32, #tpu.memory_space<vmem>>
    %dma_wait3A_991 = arith.constant 0 : i32
    %dma_wait3A_992 = tpu.memref_slice %arg5[%sub3A_736, %dma_wait3A_991] : memref<2x2048xi32, #tpu.memory_space<vmem>> -> memref<1x2048xi32, #tpu.memory_space<vmem>>
    %dma_wait3A_993 = tpu.memref_squeeze %dma_wait3A_992 : memref<1x2048xi32, #tpu.memory_space<vmem>> -> memref<2048xi32, #tpu.memory_space<vmem>>
    %dma_wait3A_994 = arith.constant 0 : i32
    %dma_wait3A_995 = arith.constant 0 : i32
    %dma_wait3A_996 = tpu.memref_slice %arg2[%select_n3A_719, %dma_wait3A_994, %dma_wait3A_995] : memref<26x16x100000xf32, #tpu.memory_space<hbm>> -> memref<1x16x100000xf32, #tpu.memory_space<hbm>>
    %dma_wait3A_997 = tpu.memref_squeeze %dma_wait3A_996 : memref<1x16x100000xf32, #tpu.memory_space<hbm>> -> memref<16x100000xf32, #tpu.memory_space<hbm>>
    %dma_wait3A_998 = arith.constant 0 : i32
    %dma_wait3A_999 = tpu.memref_slice %dma_wait3A_997[%select_n3A_735, %dma_wait3A_998] : memref<16x100000xf32, #tpu.memory_space<hbm>> -> memref<1x100000xf32, #tpu.memory_space<hbm>>
    %dma_wait3A_1000 = tpu.memref_squeeze %dma_wait3A_999 : memref<1x100000xf32, #tpu.memory_space<hbm>> -> memref<100000xf32, #tpu.memory_space<hbm>>
    %dma_wait3A_1001 = arith.constant 0 : i32
    %dma_wait3A_1002 = tpu.memref_slice %dma_wait3A_1000[%dma_wait3A_1001] : memref<100000xf32, #tpu.memory_space<hbm>> -> memref<100000xf32, #tpu.memory_space<hbm>>
    tpu.wait_indirect_dma semaphore(%arg8 : memref<!tpu.dma_semaphore, #tpu.memory_space<semaphore_mem>>) src(%dma_wait3A_1002 : memref<100000xf32, #tpu.memory_space<hbm>>) dst(%dma_wait3A_990 : memref<2048xf32, #tpu.memory_space<vmem>>)
    %dma_wait3A_1003 = arith.constant 12 : i32
    %dma_wait3A_1004 = arith.constant 0 : i32
    %dma_wait3A_1005 = tpu.memref_slice %arg6[%dma_wait3A_1003, %dma_wait3A_1004] : memref<13x2048xf32, #tpu.memory_space<vmem>> -> memref<1x2048xf32, #tpu.memory_space<vmem>>
    %dma_wait3A_1006 = tpu.memref_squeeze %dma_wait3A_1005 : memref<1x2048xf32, #tpu.memory_space<vmem>> -> memref<2048xf32, #tpu.memory_space<vmem>>
    %dma_wait3A_1007 = arith.constant 0 : i32
    %dma_wait3A_1008 = tpu.memref_slice %arg5[%sub3A_795, %dma_wait3A_1007] : memref<2x2048xi32, #tpu.memory_space<vmem>> -> memref<1x2048xi32, #tpu.memory_space<vmem>>
    %dma_wait3A_1009 = tpu.memref_squeeze %dma_wait3A_1008 : memref<1x2048xi32, #tpu.memory_space<vmem>> -> memref<2048xi32, #tpu.memory_space<vmem>>
    %dma_wait3A_1010 = arith.constant 0 : i32
    %dma_wait3A_1011 = arith.constant 0 : i32
    %dma_wait3A_1012 = tpu.memref_slice %arg2[%select_n3A_778, %dma_wait3A_1010, %dma_wait3A_1011] : memref<26x16x100000xf32, #tpu.memory_space<hbm>> -> memref<1x16x100000xf32, #tpu.memory_space<hbm>>
    %dma_wait3A_1013 = tpu.memref_squeeze %dma_wait3A_1012 : memref<1x16x100000xf32, #tpu.memory_space<hbm>> -> memref<16x100000xf32, #tpu.memory_space<hbm>>
    %dma_wait3A_1014 = arith.constant 0 : i32
    %dma_wait3A_1015 = tpu.memref_slice %dma_wait3A_1013[%select_n3A_794, %dma_wait3A_1014] : memref<16x100000xf32, #tpu.memory_space<hbm>> -> memref<1x100000xf32, #tpu.memory_space<hbm>>
    %dma_wait3A_1016 = tpu.memref_squeeze %dma_wait3A_1015 : memref<1x100000xf32, #tpu.memory_space<hbm>> -> memref<100000xf32, #tpu.memory_space<hbm>>
    %dma_wait3A_1017 = arith.constant 0 : i32
    %dma_wait3A_1018 = tpu.memref_slice %dma_wait3A_1016[%dma_wait3A_1017] : memref<100000xf32, #tpu.memory_space<hbm>> -> memref<100000xf32, #tpu.memory_space<hbm>>
    tpu.wait_indirect_dma semaphore(%arg8 : memref<!tpu.dma_semaphore, #tpu.memory_space<semaphore_mem>>) src(%dma_wait3A_1018 : memref<100000xf32, #tpu.memory_space<hbm>>) dst(%dma_wait3A_1006 : memref<2048xf32, #tpu.memory_space<vmem>>)
    "tpu.region"() ({
      %run_scoped3A_1019 = tpu.sem_alloc : memref<!tpu.dma_semaphore, #tpu.memory_space<semaphore_mem>>
      %dma_start3A_1020 = arith.constant 0 : i32
      %dma_start3A_1021 = tpu.memref_slice %arg4[%mul3A_2, %dma_start3A_1020] : memref<416x2048xf32, #tpu.memory_space<hbm>> -> memref<13x2048xf32, #tpu.memory_space<hbm>>
      %dma_start3A_1022 = arith.constant 0 : i32
      %dma_start3A_1023 = tpu.memref_slice %arg4[%mul3A_2, %dma_start3A_1022] : memref<416x2048xf32, #tpu.memory_space<hbm>> -> memref<13x2048xf32, #tpu.memory_space<hbm>>
      tpu.enqueue_dma source(%arg6 : memref<13x2048xf32, #tpu.memory_space<vmem>>) target(%dma_start3A_1023 : memref<13x2048xf32, #tpu.memory_space<hbm>>) target_semaphore(%run_scoped3A_1019 : memref<!tpu.dma_semaphore, #tpu.memory_space<semaphore_mem>>)
      %dma_wait3A_1024 = arith.constant 0 : i32
      %dma_wait3A_1025 = tpu.memref_slice %arg4[%mul3A_2, %dma_wait3A_1024] : memref<416x2048xf32, #tpu.memory_space<hbm>> -> memref<13x2048xf32, #tpu.memory_space<hbm>>
      %dma_wait3A_1026 = arith.constant 0 : i32
      %dma_wait3A_1027 = tpu.memref_slice %arg4[%mul3A_2, %dma_wait3A_1026] : memref<416x2048xf32, #tpu.memory_space<hbm>> -> memref<13x2048xf32, #tpu.memory_space<hbm>>
      tpu.wait_dma2 semaphore(%run_scoped3A_1019 : memref<!tpu.dma_semaphore, #tpu.memory_space<semaphore_mem>>) src(%arg6 : memref<13x2048xf32, #tpu.memory_space<vmem>>) dst(%dma_wait3A_1027 : memref<13x2048xf32, #tpu.memory_space<hbm>>)
      tpu.yield
    }) : () -> ()
    return
  }
}

#map = affine_map<(d0, d1) -> (0, 0, 0)>
#map1 = affine_map<(d0, d1) -> (0, 0)>
module attributes {stable_mosaic.version = 14 : i64} {
  func.func @gather_kernel(%arg0: i32, %arg1: i32, %arg2: memref<26x16x100000xf32, #tpu.memory_space<hbm>>, %arg3: memref<26x2048xi32, #tpu.memory_space<hbm>>, %arg4: memref<416x2048xf32, #tpu.memory_space<hbm>>, %arg5: memref<2x2048xi32, #tpu.memory_space<vmem>>, %arg6: memref<13x2048xf32, #tpu.memory_space<vmem>>, %arg7: memref<!tpu.dma_semaphore, #tpu.memory_space<semaphore_mem>>, %arg8: memref<!tpu.dma_semaphore, #tpu.memory_space<semaphore_mem>>) attributes {dimension_semantics = [#tpu.dimension_semantics<core_parallel>, #tpu.dimension_semantics<subcore_parallel>], iteration_bounds = array<i64: 2, 16>, scalar_prefetch = 0 : i64, scratch_operands = 4 : i64, tpu.core_type = #tpu.core_type<sc_vector_subcore>, window_params = [{transform_indices = #map}, {transform_indices = #map1}, {transform_indices = #map1}]} {
    %mul3A = arith.constant 2 : i32
    %mul3A_0 = arith.muli %arg1, %mul3A : i32
    %add3A = arith.addi %mul3A_0, %arg0 : i32
    %mul3A_1 = arith.constant 13 : i32
    %mul3A_2 = arith.muli %add3A, %mul3A_1 : i32
    %jit3A = arith.constant 16 : i32
    %div3A = arith.divsi %mul3A_2, %jit3A : i32
    %sign3A = arith.constant 0 : i32
    %sign3A_3 = arith.cmpi sgt, %mul3A_2, %sign3A : i32
    %sign3A_4 = arith.extui %sign3A_3 : i1 to i32
    %sign3A_5 = arith.constant 0 : i32
    %sign3A_6 = arith.cmpi slt, %mul3A_2, %sign3A_5 : i32
    %sign3A_7 = arith.extui %sign3A_6 : i1 to i32
    %sign3A_8 = arith.subi %sign3A_4, %sign3A_7 : i32
    %sign3A_9 = arith.constant 0 : i32
    %sign3A_10 = arith.cmpi sgt, %jit3A, %sign3A_9 : i32
    %sign3A_11 = arith.extui %sign3A_10 : i1 to i32
    %sign3A_12 = arith.constant 0 : i32
    %sign3A_13 = arith.cmpi slt, %jit3A, %sign3A_12 : i32
    %sign3A_14 = arith.extui %sign3A_13 : i1 to i32
    %sign3A_15 = arith.subi %sign3A_11, %sign3A_14 : i32
    %ne3A = arith.cmpi ne, %sign3A_8, %sign3A_15 : i32
    %rem3A = arith.remsi %mul3A_2, %jit3A : i32
    %ne3A_16 = arith.constant 0 : i32
    %ne3A_17 = arith.cmpi ne, %rem3A, %ne3A_16 : i32
    %and3A = arith.andi %ne3A, %ne3A_17 : i1
    %sub3A = arith.constant 1 : i32
    %sub3A_18 = arith.subi %div3A, %sub3A : i32
    %select_n3A = arith.select %and3A, %sub3A_18, %div3A : i32
    %add3A_19 = arith.constant 13 : i32
    %add3A_20 = arith.addi %mul3A_2, %add3A_19 : i32
    %sub3A_21 = arith.constant 1 : i32
    %sub3A_22 = arith.subi %add3A_20, %sub3A_21 : i32
    %jit3A_23 = arith.constant 16 : i32
    %div3A_24 = arith.divsi %sub3A_22, %jit3A_23 : i32
    %sign3A_25 = arith.constant 0 : i32
    %sign3A_26 = arith.cmpi sgt, %sub3A_22, %sign3A_25 : i32
    %sign3A_27 = arith.extui %sign3A_26 : i1 to i32
    %sign3A_28 = arith.constant 0 : i32
    %sign3A_29 = arith.cmpi slt, %sub3A_22, %sign3A_28 : i32
    %sign3A_30 = arith.extui %sign3A_29 : i1 to i32
    %sign3A_31 = arith.subi %sign3A_27, %sign3A_30 : i32
    %sign3A_32 = arith.constant 0 : i32
    %sign3A_33 = arith.cmpi sgt, %jit3A_23, %sign3A_32 : i32
    %sign3A_34 = arith.extui %sign3A_33 : i1 to i32
    %sign3A_35 = arith.constant 0 : i32
    %sign3A_36 = arith.cmpi slt, %jit3A_23, %sign3A_35 : i32
    %sign3A_37 = arith.extui %sign3A_36 : i1 to i32
    %sign3A_38 = arith.subi %sign3A_34, %sign3A_37 : i32
    %ne3A_39 = arith.cmpi ne, %sign3A_31, %sign3A_38 : i32
    %rem3A_40 = arith.remsi %sub3A_22, %jit3A_23 : i32
    %ne3A_41 = arith.constant 0 : i32
    %ne3A_42 = arith.cmpi ne, %rem3A_40, %ne3A_41 : i32
    %and3A_43 = arith.andi %ne3A_39, %ne3A_42 : i1
    %sub3A_44 = arith.constant 1 : i32
    %sub3A_45 = arith.subi %div3A_24, %sub3A_44 : i32
    %select_n3A_46 = arith.select %and3A_43, %sub3A_45, %div3A_24 : i32
    %run_scoped3A = arith.constant 0 : i32
    "tpu.region"() ({
      %run_scoped3A_1019 = tpu.sem_alloc : memref<!tpu.dma_semaphore, #tpu.memory_space<semaphore_mem>>
      %dma_start3A_1020 = arith.constant 0 : i32
      %dma_start3A_1021 = tpu.memref_slice %arg5[%run_scoped3A, %dma_start3A_1020] : memref<2x2048xi32, #tpu.memory_space<vmem>> -> memref<1x2048xi32, #tpu.memory_space<vmem>>
      %dma_start3A_1022 = tpu.memref_squeeze %dma_start3A_1021 : memref<1x2048xi32, #tpu.memory_space<vmem>> -> memref<2048xi32, #tpu.memory_space<vmem>>
      %dma_start3A_1023 = arith.constant 0 : i32
      %dma_start3A_1024 = tpu.memref_slice %arg3[%select_n3A, %dma_start3A_1023] : memref<26x2048xi32, #tpu.memory_space<hbm>> -> memref<1x2048xi32, #tpu.memory_space<hbm>>
      %dma_start3A_1025 = tpu.memref_squeeze %dma_start3A_1024 : memref<1x2048xi32, #tpu.memory_space<hbm>> -> memref<2048xi32, #tpu.memory_space<hbm>>
      %dma_start3A_1026 = arith.constant 0 : i32
      %dma_start3A_1027 = tpu.memref_slice %arg5[%run_scoped3A, %dma_start3A_1026] : memref<2x2048xi32, #tpu.memory_space<vmem>> -> memref<1x2048xi32, #tpu.memory_space<vmem>>
      %dma_start3A_1028 = tpu.memref_squeeze %dma_start3A_1027 : memref<1x2048xi32, #tpu.memory_space<vmem>> -> memref<2048xi32, #tpu.memory_space<vmem>>
      %dma_start3A_1029 = arith.constant 0 : i32
      %dma_start3A_1030 = tpu.memref_slice %arg3[%select_n3A, %dma_start3A_1029] : memref<26x2048xi32, #tpu.memory_space<hbm>> -> memref<1x2048xi32, #tpu.memory_space<hbm>>
      %dma_start3A_1031 = tpu.memref_squeeze %dma_start3A_1030 : memref<1x2048xi32, #tpu.memory_space<hbm>> -> memref<2048xi32, #tpu.memory_space<hbm>>
      tpu.enqueue_dma source(%dma_start3A_1031 : memref<2048xi32, #tpu.memory_space<hbm>>) target(%dma_start3A_1028 : memref<2048xi32, #tpu.memory_space<vmem>>) target_semaphore(%run_scoped3A_1019 : memref<!tpu.dma_semaphore, #tpu.memory_space<semaphore_mem>>)
      %dma_wait3A_1032 = arith.constant 0 : i32
      %dma_wait3A_1033 = tpu.memref_slice %arg5[%run_scoped3A, %dma_wait3A_1032] : memref<2x2048xi32, #tpu.memory_space<vmem>> -> memref<1x2048xi32, #tpu.memory_space<vmem>>
      %dma_wait3A_1034 = tpu.memref_squeeze %dma_wait3A_1033 : memref<1x2048xi32, #tpu.memory_space<vmem>> -> memref<2048xi32, #tpu.memory_space<vmem>>
      %dma_wait3A_1035 = arith.constant 0 : i32
      %dma_wait3A_1036 = tpu.memref_slice %arg3[%select_n3A, %dma_wait3A_1035] : memref<26x2048xi32, #tpu.memory_space<hbm>> -> memref<1x2048xi32, #tpu.memory_space<hbm>>
      %dma_wait3A_1037 = tpu.memref_squeeze %dma_wait3A_1036 : memref<1x2048xi32, #tpu.memory_space<hbm>> -> memref<2048xi32, #tpu.memory_space<hbm>>
      %dma_wait3A_1038 = arith.constant 0 : i32
      %dma_wait3A_1039 = tpu.memref_slice %arg5[%run_scoped3A, %dma_wait3A_1038] : memref<2x2048xi32, #tpu.memory_space<vmem>> -> memref<1x2048xi32, #tpu.memory_space<vmem>>
      %dma_wait3A_1040 = tpu.memref_squeeze %dma_wait3A_1039 : memref<1x2048xi32, #tpu.memory_space<vmem>> -> memref<2048xi32, #tpu.memory_space<vmem>>
      %dma_wait3A_1041 = arith.constant 0 : i32
      %dma_wait3A_1042 = tpu.memref_slice %arg3[%select_n3A, %dma_wait3A_1041] : memref<26x2048xi32, #tpu.memory_space<hbm>> -> memref<1x2048xi32, #tpu.memory_space<hbm>>
      %dma_wait3A_1043 = tpu.memref_squeeze %dma_wait3A_1042 : memref<1x2048xi32, #tpu.memory_space<hbm>> -> memref<2048xi32, #tpu.memory_space<hbm>>
      tpu.wait_dma2 semaphore(%run_scoped3A_1019 : memref<!tpu.dma_semaphore, #tpu.memory_space<semaphore_mem>>) src(%dma_wait3A_1043 : memref<2048xi32, #tpu.memory_space<hbm>>) dst(%dma_wait3A_1040 : memref<2048xi32, #tpu.memory_space<vmem>>)
      tpu.yield
    }) : () -> ()
    %run_scoped3A_47 = arith.constant 1 : i32
    "tpu.region"() ({
      %run_scoped3A_1019 = tpu.sem_alloc : memref<!tpu.dma_semaphore, #tpu.memory_space<semaphore_mem>>
      %dma_start3A_1020 = arith.constant 0 : i32
      %dma_start3A_1021 = tpu.memref_slice %arg5[%run_scoped3A_47, %dma_start3A_1020] : memref<2x2048xi32, #tpu.memory_space<vmem>> -> memref<1x2048xi32, #tpu.memory_space<vmem>>
      %dma_start3A_1022 = tpu.memref_squeeze %dma_start3A_1021 : memref<1x2048xi32, #tpu.memory_space<vmem>> -> memref<2048xi32, #tpu.memory_space<vmem>>
      %dma_start3A_1023 = arith.constant 0 : i32
      %dma_start3A_1024 = tpu.memref_slice %arg3[%select_n3A_46, %dma_start3A_1023] : memref<26x2048xi32, #tpu.memory_space<hbm>> -> memref<1x2048xi32, #tpu.memory_space<hbm>>
      %dma_start3A_1025 = tpu.memref_squeeze %dma_start3A_1024 : memref<1x2048xi32, #tpu.memory_space<hbm>> -> memref<2048xi32, #tpu.memory_space<hbm>>
      %dma_start3A_1026 = arith.constant 0 : i32
      %dma_start3A_1027 = tpu.memref_slice %arg5[%run_scoped3A_47, %dma_start3A_1026] : memref<2x2048xi32, #tpu.memory_space<vmem>> -> memref<1x2048xi32, #tpu.memory_space<vmem>>
      %dma_start3A_1028 = tpu.memref_squeeze %dma_start3A_1027 : memref<1x2048xi32, #tpu.memory_space<vmem>> -> memref<2048xi32, #tpu.memory_space<vmem>>
      %dma_start3A_1029 = arith.constant 0 : i32
      %dma_start3A_1030 = tpu.memref_slice %arg3[%select_n3A_46, %dma_start3A_1029] : memref<26x2048xi32, #tpu.memory_space<hbm>> -> memref<1x2048xi32, #tpu.memory_space<hbm>>
      %dma_start3A_1031 = tpu.memref_squeeze %dma_start3A_1030 : memref<1x2048xi32, #tpu.memory_space<hbm>> -> memref<2048xi32, #tpu.memory_space<hbm>>
      tpu.enqueue_dma source(%dma_start3A_1031 : memref<2048xi32, #tpu.memory_space<hbm>>) target(%dma_start3A_1028 : memref<2048xi32, #tpu.memory_space<vmem>>) target_semaphore(%run_scoped3A_1019 : memref<!tpu.dma_semaphore, #tpu.memory_space<semaphore_mem>>)
      %dma_wait3A_1032 = arith.constant 0 : i32
      %dma_wait3A_1033 = tpu.memref_slice %arg5[%run_scoped3A_47, %dma_wait3A_1032] : memref<2x2048xi32, #tpu.memory_space<vmem>> -> memref<1x2048xi32, #tpu.memory_space<vmem>>
      %dma_wait3A_1034 = tpu.memref_squeeze %dma_wait3A_1033 : memref<1x2048xi32, #tpu.memory_space<vmem>> -> memref<2048xi32, #tpu.memory_space<vmem>>
      %dma_wait3A_1035 = arith.constant 0 : i32
      %dma_wait3A_1036 = tpu.memref_slice %arg3[%select_n3A_46, %dma_wait3A_1035] : memref<26x2048xi32, #tpu.memory_space<hbm>> -> memref<1x2048xi32, #tpu.memory_space<hbm>>
      %dma_wait3A_1037 = tpu.memref_squeeze %dma_wait3A_1036 : memref<1x2048xi32, #tpu.memory_space<hbm>> -> memref<2048xi32, #tpu.memory_space<hbm>>
      %dma_wait3A_1038 = arith.constant 0 : i32
      %dma_wait3A_1039 = tpu.memref_slice %arg5[%run_scoped3A_47, %dma_wait3A_1038] : memref<2x2048xi32, #tpu.memory_space<vmem>> -> memref<1x2048xi32, #tpu.memory_space<vmem>>
      %dma_wait3A_1040 = tpu.memref_squeeze %dma_wait3A_1039 : memref<1x2048xi32, #tpu.memory_space<vmem>> -> memref<2048xi32, #tpu.memory_space<vmem>>
      %dma_wait3A_1041 = arith.constant 0 : i32
      %dma_wait3A_1042 = tpu.memref_slice %arg3[%select_n3A_46, %dma_wait3A_1041] : memref<26x2048xi32, #tpu.memory_space<hbm>> -> memref<1x2048xi32, #tpu.memory_space<hbm>>
      %dma_wait3A_1043 = tpu.memref_squeeze %dma_wait3A_1042 : memref<1x2048xi32, #tpu.memory_space<hbm>> -> memref<2048xi32, #tpu.memory_space<hbm>>
      tpu.wait_dma2 semaphore(%run_scoped3A_1019 : memref<!tpu.dma_semaphore, #tpu.memory_space<semaphore_mem>>) src(%dma_wait3A_1043 : memref<2048xi32, #tpu.memory_space<hbm>>) dst(%dma_wait3A_1040 : memref<2048xi32, #tpu.memory_space<vmem>>)
      tpu.yield
    }) : () -> ()
    %add3A_48 = arith.constant 0 : i32
    %add3A_49 = arith.addi %mul3A_2, %add3A_48 : i32
    %jit3A_50 = arith.constant 16 : i32
    %div3A_51 = arith.divsi %add3A_49, %jit3A_50 : i32
    %sign3A_52 = arith.constant 0 : i32
    %sign3A_53 = arith.cmpi sgt, %add3A_49, %sign3A_52 : i32
    %sign3A_54 = arith.extui %sign3A_53 : i1 to i32
    %sign3A_55 = arith.constant 0 : i32
    %sign3A_56 = arith.cmpi slt, %add3A_49, %sign3A_55 : i32
    %sign3A_57 = arith.extui %sign3A_56 : i1 to i32
    %sign3A_58 = arith.subi %sign3A_54, %sign3A_57 : i32
    %sign3A_59 = arith.constant 0 : i32
    %sign3A_60 = arith.cmpi sgt, %jit3A_50, %sign3A_59 : i32
    %sign3A_61 = arith.extui %sign3A_60 : i1 to i32
    %sign3A_62 = arith.constant 0 : i32
    %sign3A_63 = arith.cmpi slt, %jit3A_50, %sign3A_62 : i32
    %sign3A_64 = arith.extui %sign3A_63 : i1 to i32
    %sign3A_65 = arith.subi %sign3A_61, %sign3A_64 : i32
    %ne3A_66 = arith.cmpi ne, %sign3A_58, %sign3A_65 : i32
    %rem3A_67 = arith.remsi %add3A_49, %jit3A_50 : i32
    %ne3A_68 = arith.constant 0 : i32
    %ne3A_69 = arith.cmpi ne, %rem3A_67, %ne3A_68 : i32
    %and3A_70 = arith.andi %ne3A_66, %ne3A_69 : i1
    %sub3A_71 = arith.constant 1 : i32
    %sub3A_72 = arith.subi %div3A_51, %sub3A_71 : i32
    %select_n3A_73 = arith.select %and3A_70, %sub3A_72, %div3A_51 : i32
    %jit3A_74 = arith.constant 16 : i32
    %eq3A = arith.constant 0 : i32
    %eq3A_75 = arith.cmpi eq, %jit3A_74, %eq3A : i32
    %jit3A_76 = arith.constant 1 : i32
    %select_n3A_77 = arith.select %eq3A_75, %jit3A_76, %jit3A_74 : i32
    %rem3A_78 = arith.remsi %add3A_49, %select_n3A_77 : i32
    %ne3A_79 = arith.constant 0 : i32
    %ne3A_80 = arith.cmpi ne, %rem3A_78, %ne3A_79 : i32
    %lt3A = arith.constant 0 : i32
    %lt3A_81 = arith.cmpi slt, %rem3A_78, %lt3A : i32
    %lt3A_82 = arith.constant 0 : i32
    %lt3A_83 = arith.cmpi slt, %select_n3A_77, %lt3A_82 : i32
    %ne3A_84 = arith.xori %lt3A_81, %lt3A_83 : i1
    %and3A_85 = arith.andi %ne3A_84, %ne3A_80 : i1
    %add3A_86 = arith.addi %rem3A_78, %select_n3A_77 : i32
    %select_n3A_87 = arith.select %and3A_85, %add3A_86, %rem3A_78 : i32
    %sub3A_88 = arith.subi %select_n3A_73, %select_n3A : i32
    %dma_start3A = arith.constant 0 : i32
    %dma_start3A_89 = arith.constant 0 : i32
    %dma_start3A_90 = tpu.memref_slice %arg6[%dma_start3A, %dma_start3A_89] : memref<13x2048xf32, #tpu.memory_space<vmem>> -> memref<1x2048xf32, #tpu.memory_space<vmem>>
    %dma_start3A_91 = tpu.memref_squeeze %dma_start3A_90 : memref<1x2048xf32, #tpu.memory_space<vmem>> -> memref<2048xf32, #tpu.memory_space<vmem>>
    %dma_start3A_92 = arith.constant 0 : i32
    %dma_start3A_93 = tpu.memref_slice %arg5[%sub3A_88, %dma_start3A_92] : memref<2x2048xi32, #tpu.memory_space<vmem>> -> memref<1x2048xi32, #tpu.memory_space<vmem>>
    %dma_start3A_94 = tpu.memref_squeeze %dma_start3A_93 : memref<1x2048xi32, #tpu.memory_space<vmem>> -> memref<2048xi32, #tpu.memory_space<vmem>>
    %dma_start3A_95 = arith.constant 0 : i32
    %dma_start3A_96 = arith.constant 0 : i32
    %dma_start3A_97 = tpu.memref_slice %arg2[%select_n3A_73, %dma_start3A_95, %dma_start3A_96] : memref<26x16x100000xf32, #tpu.memory_space<hbm>> -> memref<1x16x100000xf32, #tpu.memory_space<hbm>>
    %dma_start3A_98 = tpu.memref_squeeze %dma_start3A_97 : memref<1x16x100000xf32, #tpu.memory_space<hbm>> -> memref<16x100000xf32, #tpu.memory_space<hbm>>
    %dma_start3A_99 = arith.constant 0 : i32
    %dma_start3A_100 = tpu.memref_slice %dma_start3A_98[%select_n3A_87, %dma_start3A_99] : memref<16x100000xf32, #tpu.memory_space<hbm>> -> memref<1x100000xf32, #tpu.memory_space<hbm>>
    %dma_start3A_101 = tpu.memref_squeeze %dma_start3A_100 : memref<1x100000xf32, #tpu.memory_space<hbm>> -> memref<100000xf32, #tpu.memory_space<hbm>>
    %dma_start3A_102 = arith.constant 0 : i32
    %dma_start3A_103 = tpu.memref_slice %dma_start3A_101[%dma_start3A_102] : memref<100000xf32, #tpu.memory_space<hbm>> -> memref<100000xf32, #tpu.memory_space<hbm>>
    tpu.enqueue_indirect_dma source(%dma_start3A_103 : memref<100000xf32, #tpu.memory_space<hbm>>) target(%dma_start3A_91 : memref<2048xf32, #tpu.memory_space<vmem>>) offsets(%dma_start3A_94 : memref<2048xi32, #tpu.memory_space<vmem>>) semaphore(%arg8 : memref<!tpu.dma_semaphore, #tpu.memory_space<semaphore_mem>>)
    %add3A_104 = arith.constant 1 : i32
    %add3A_105 = arith.addi %mul3A_2, %add3A_104 : i32
    %jit3A_106 = arith.constant 16 : i32
    %div3A_107 = arith.divsi %add3A_105, %jit3A_106 : i32
    %sign3A_108 = arith.constant 0 : i32
    %sign3A_109 = arith.cmpi sgt, %add3A_105, %sign3A_108 : i32
    %sign3A_110 = arith.extui %sign3A_109 : i1 to i32
    %sign3A_111 = arith.constant 0 : i32
    %sign3A_112 = arith.cmpi slt, %add3A_105, %sign3A_111 : i32
    %sign3A_113 = arith.extui %sign3A_112 : i1 to i32
    %sign3A_114 = arith.subi %sign3A_110, %sign3A_113 : i32
    %sign3A_115 = arith.constant 0 : i32
    %sign3A_116 = arith.cmpi sgt, %jit3A_106, %sign3A_115 : i32
    %sign3A_117 = arith.extui %sign3A_116 : i1 to i32
    %sign3A_118 = arith.constant 0 : i32
    %sign3A_119 = arith.cmpi slt, %jit3A_106, %sign3A_118 : i32
    %sign3A_120 = arith.extui %sign3A_119 : i1 to i32
    %sign3A_121 = arith.subi %sign3A_117, %sign3A_120 : i32
    %ne3A_122 = arith.cmpi ne, %sign3A_114, %sign3A_121 : i32
    %rem3A_123 = arith.remsi %add3A_105, %jit3A_106 : i32
    %ne3A_124 = arith.constant 0 : i32
    %ne3A_125 = arith.cmpi ne, %rem3A_123, %ne3A_124 : i32
    %and3A_126 = arith.andi %ne3A_122, %ne3A_125 : i1
    %sub3A_127 = arith.constant 1 : i32
    %sub3A_128 = arith.subi %div3A_107, %sub3A_127 : i32
    %select_n3A_129 = arith.select %and3A_126, %sub3A_128, %div3A_107 : i32
    %jit3A_130 = arith.constant 16 : i32
    %eq3A_131 = arith.constant 0 : i32
    %eq3A_132 = arith.cmpi eq, %jit3A_130, %eq3A_131 : i32
    %jit3A_133 = arith.constant 1 : i32
    %select_n3A_134 = arith.select %eq3A_132, %jit3A_133, %jit3A_130 : i32
    %rem3A_135 = arith.remsi %add3A_105, %select_n3A_134 : i32
    %ne3A_136 = arith.constant 0 : i32
    %ne3A_137 = arith.cmpi ne, %rem3A_135, %ne3A_136 : i32
    %lt3A_138 = arith.constant 0 : i32
    %lt3A_139 = arith.cmpi slt, %rem3A_135, %lt3A_138 : i32
    %lt3A_140 = arith.constant 0 : i32
    %lt3A_141 = arith.cmpi slt, %select_n3A_134, %lt3A_140 : i32
    %ne3A_142 = arith.xori %lt3A_139, %lt3A_141 : i1
    %and3A_143 = arith.andi %ne3A_142, %ne3A_137 : i1
    %add3A_144 = arith.addi %rem3A_135, %select_n3A_134 : i32
    %select_n3A_145 = arith.select %and3A_143, %add3A_144, %rem3A_135 : i32
    %sub3A_146 = arith.subi %select_n3A_129, %select_n3A : i32
    %dma_start3A_147 = arith.constant 1 : i32
    %dma_start3A_148 = arith.constant 0 : i32
    %dma_start3A_149 = tpu.memref_slice %arg6[%dma_start3A_147, %dma_start3A_148] : memref<13x2048xf32, #tpu.memory_space<vmem>> -> memref<1x2048xf32, #tpu.memory_space<vmem>>
    %dma_start3A_150 = tpu.memref_squeeze %dma_start3A_149 : memref<1x2048xf32, #tpu.memory_space<vmem>> -> memref<2048xf32, #tpu.memory_space<vmem>>
    %dma_start3A_151 = arith.constant 0 : i32
    %dma_start3A_152 = tpu.memref_slice %arg5[%sub3A_146, %dma_start3A_151] : memref<2x2048xi32, #tpu.memory_space<vmem>> -> memref<1x2048xi32, #tpu.memory_space<vmem>>
    %dma_start3A_153 = tpu.memref_squeeze %dma_start3A_152 : memref<1x2048xi32, #tpu.memory_space<vmem>> -> memref<2048xi32, #tpu.memory_space<vmem>>
    %dma_start3A_154 = arith.constant 0 : i32
    %dma_start3A_155 = arith.constant 0 : i32
    %dma_start3A_156 = tpu.memref_slice %arg2[%select_n3A_129, %dma_start3A_154, %dma_start3A_155] : memref<26x16x100000xf32, #tpu.memory_space<hbm>> -> memref<1x16x100000xf32, #tpu.memory_space<hbm>>
    %dma_start3A_157 = tpu.memref_squeeze %dma_start3A_156 : memref<1x16x100000xf32, #tpu.memory_space<hbm>> -> memref<16x100000xf32, #tpu.memory_space<hbm>>
    %dma_start3A_158 = arith.constant 0 : i32
    %dma_start3A_159 = tpu.memref_slice %dma_start3A_157[%select_n3A_145, %dma_start3A_158] : memref<16x100000xf32, #tpu.memory_space<hbm>> -> memref<1x100000xf32, #tpu.memory_space<hbm>>
    %dma_start3A_160 = tpu.memref_squeeze %dma_start3A_159 : memref<1x100000xf32, #tpu.memory_space<hbm>> -> memref<100000xf32, #tpu.memory_space<hbm>>
    %dma_start3A_161 = arith.constant 0 : i32
    %dma_start3A_162 = tpu.memref_slice %dma_start3A_160[%dma_start3A_161] : memref<100000xf32, #tpu.memory_space<hbm>> -> memref<100000xf32, #tpu.memory_space<hbm>>
    tpu.enqueue_indirect_dma source(%dma_start3A_162 : memref<100000xf32, #tpu.memory_space<hbm>>) target(%dma_start3A_150 : memref<2048xf32, #tpu.memory_space<vmem>>) offsets(%dma_start3A_153 : memref<2048xi32, #tpu.memory_space<vmem>>) semaphore(%arg8 : memref<!tpu.dma_semaphore, #tpu.memory_space<semaphore_mem>>)
    %add3A_163 = arith.constant 2 : i32
    %add3A_164 = arith.addi %mul3A_2, %add3A_163 : i32
    %jit3A_165 = arith.constant 16 : i32
    %div3A_166 = arith.divsi %add3A_164, %jit3A_165 : i32
    %sign3A_167 = arith.constant 0 : i32
    %sign3A_168 = arith.cmpi sgt, %add3A_164, %sign3A_167 : i32
    %sign3A_169 = arith.extui %sign3A_168 : i1 to i32
    %sign3A_170 = arith.constant 0 : i32
    %sign3A_171 = arith.cmpi slt, %add3A_164, %sign3A_170 : i32
    %sign3A_172 = arith.extui %sign3A_171 : i1 to i32
    %sign3A_173 = arith.subi %sign3A_169, %sign3A_172 : i32
    %sign3A_174 = arith.constant 0 : i32
    %sign3A_175 = arith.cmpi sgt, %jit3A_165, %sign3A_174 : i32
    %sign3A_176 = arith.extui %sign3A_175 : i1 to i32
    %sign3A_177 = arith.constant 0 : i32
    %sign3A_178 = arith.cmpi slt, %jit3A_165, %sign3A_177 : i32
    %sign3A_179 = arith.extui %sign3A_178 : i1 to i32
    %sign3A_180 = arith.subi %sign3A_176, %sign3A_179 : i32
    %ne3A_181 = arith.cmpi ne, %sign3A_173, %sign3A_180 : i32
    %rem3A_182 = arith.remsi %add3A_164, %jit3A_165 : i32
    %ne3A_183 = arith.constant 0 : i32
    %ne3A_184 = arith.cmpi ne, %rem3A_182, %ne3A_183 : i32
    %and3A_185 = arith.andi %ne3A_181, %ne3A_184 : i1
    %sub3A_186 = arith.constant 1 : i32
    %sub3A_187 = arith.subi %div3A_166, %sub3A_186 : i32
    %select_n3A_188 = arith.select %and3A_185, %sub3A_187, %div3A_166 : i32
    %jit3A_189 = arith.constant 16 : i32
    %eq3A_190 = arith.constant 0 : i32
    %eq3A_191 = arith.cmpi eq, %jit3A_189, %eq3A_190 : i32
    %jit3A_192 = arith.constant 1 : i32
    %select_n3A_193 = arith.select %eq3A_191, %jit3A_192, %jit3A_189 : i32
    %rem3A_194 = arith.remsi %add3A_164, %select_n3A_193 : i32
    %ne3A_195 = arith.constant 0 : i32
    %ne3A_196 = arith.cmpi ne, %rem3A_194, %ne3A_195 : i32
    %lt3A_197 = arith.constant 0 : i32
    %lt3A_198 = arith.cmpi slt, %rem3A_194, %lt3A_197 : i32
    %lt3A_199 = arith.constant 0 : i32
    %lt3A_200 = arith.cmpi slt, %select_n3A_193, %lt3A_199 : i32
    %ne3A_201 = arith.xori %lt3A_198, %lt3A_200 : i1
    %and3A_202 = arith.andi %ne3A_201, %ne3A_196 : i1
    %add3A_203 = arith.addi %rem3A_194, %select_n3A_193 : i32
    %select_n3A_204 = arith.select %and3A_202, %add3A_203, %rem3A_194 : i32
    %sub3A_205 = arith.subi %select_n3A_188, %select_n3A : i32
    %dma_start3A_206 = arith.constant 2 : i32
    %dma_start3A_207 = arith.constant 0 : i32
    %dma_start3A_208 = tpu.memref_slice %arg6[%dma_start3A_206, %dma_start3A_207] : memref<13x2048xf32, #tpu.memory_space<vmem>> -> memref<1x2048xf32, #tpu.memory_space<vmem>>
    %dma_start3A_209 = tpu.memref_squeeze %dma_start3A_208 : memref<1x2048xf32, #tpu.memory_space<vmem>> -> memref<2048xf32, #tpu.memory_space<vmem>>
    %dma_start3A_210 = arith.constant 0 : i32
    %dma_start3A_211 = tpu.memref_slice %arg5[%sub3A_205, %dma_start3A_210] : memref<2x2048xi32, #tpu.memory_space<vmem>> -> memref<1x2048xi32, #tpu.memory_space<vmem>>
    %dma_start3A_212 = tpu.memref_squeeze %dma_start3A_211 : memref<1x2048xi32, #tpu.memory_space<vmem>> -> memref<2048xi32, #tpu.memory_space<vmem>>
    %dma_start3A_213 = arith.constant 0 : i32
    %dma_start3A_214 = arith.constant 0 : i32
    %dma_start3A_215 = tpu.memref_slice %arg2[%select_n3A_188, %dma_start3A_213, %dma_start3A_214] : memref<26x16x100000xf32, #tpu.memory_space<hbm>> -> memref<1x16x100000xf32, #tpu.memory_space<hbm>>
    %dma_start3A_216 = tpu.memref_squeeze %dma_start3A_215 : memref<1x16x100000xf32, #tpu.memory_space<hbm>> -> memref<16x100000xf32, #tpu.memory_space<hbm>>
    %dma_start3A_217 = arith.constant 0 : i32
    %dma_start3A_218 = tpu.memref_slice %dma_start3A_216[%select_n3A_204, %dma_start3A_217] : memref<16x100000xf32, #tpu.memory_space<hbm>> -> memref<1x100000xf32, #tpu.memory_space<hbm>>
    %dma_start3A_219 = tpu.memref_squeeze %dma_start3A_218 : memref<1x100000xf32, #tpu.memory_space<hbm>> -> memref<100000xf32, #tpu.memory_space<hbm>>
    %dma_start3A_220 = arith.constant 0 : i32
    %dma_start3A_221 = tpu.memref_slice %dma_start3A_219[%dma_start3A_220] : memref<100000xf32, #tpu.memory_space<hbm>> -> memref<100000xf32, #tpu.memory_space<hbm>>
    tpu.enqueue_indirect_dma source(%dma_start3A_221 : memref<100000xf32, #tpu.memory_space<hbm>>) target(%dma_start3A_209 : memref<2048xf32, #tpu.memory_space<vmem>>) offsets(%dma_start3A_212 : memref<2048xi32, #tpu.memory_space<vmem>>) semaphore(%arg8 : memref<!tpu.dma_semaphore, #tpu.memory_space<semaphore_mem>>)
    %add3A_222 = arith.constant 3 : i32
    %add3A_223 = arith.addi %mul3A_2, %add3A_222 : i32
    %jit3A_224 = arith.constant 16 : i32
    %div3A_225 = arith.divsi %add3A_223, %jit3A_224 : i32
    %sign3A_226 = arith.constant 0 : i32
    %sign3A_227 = arith.cmpi sgt, %add3A_223, %sign3A_226 : i32
    %sign3A_228 = arith.extui %sign3A_227 : i1 to i32
    %sign3A_229 = arith.constant 0 : i32
    %sign3A_230 = arith.cmpi slt, %add3A_223, %sign3A_229 : i32
    %sign3A_231 = arith.extui %sign3A_230 : i1 to i32
    %sign3A_232 = arith.subi %sign3A_228, %sign3A_231 : i32
    %sign3A_233 = arith.constant 0 : i32
    %sign3A_234 = arith.cmpi sgt, %jit3A_224, %sign3A_233 : i32
    %sign3A_235 = arith.extui %sign3A_234 : i1 to i32
    %sign3A_236 = arith.constant 0 : i32
    %sign3A_237 = arith.cmpi slt, %jit3A_224, %sign3A_236 : i32
    %sign3A_238 = arith.extui %sign3A_237 : i1 to i32
    %sign3A_239 = arith.subi %sign3A_235, %sign3A_238 : i32
    %ne3A_240 = arith.cmpi ne, %sign3A_232, %sign3A_239 : i32
    %rem3A_241 = arith.remsi %add3A_223, %jit3A_224 : i32
    %ne3A_242 = arith.constant 0 : i32
    %ne3A_243 = arith.cmpi ne, %rem3A_241, %ne3A_242 : i32
    %and3A_244 = arith.andi %ne3A_240, %ne3A_243 : i1
    %sub3A_245 = arith.constant 1 : i32
    %sub3A_246 = arith.subi %div3A_225, %sub3A_245 : i32
    %select_n3A_247 = arith.select %and3A_244, %sub3A_246, %div3A_225 : i32
    %jit3A_248 = arith.constant 16 : i32
    %eq3A_249 = arith.constant 0 : i32
    %eq3A_250 = arith.cmpi eq, %jit3A_248, %eq3A_249 : i32
    %jit3A_251 = arith.constant 1 : i32
    %select_n3A_252 = arith.select %eq3A_250, %jit3A_251, %jit3A_248 : i32
    %rem3A_253 = arith.remsi %add3A_223, %select_n3A_252 : i32
    %ne3A_254 = arith.constant 0 : i32
    %ne3A_255 = arith.cmpi ne, %rem3A_253, %ne3A_254 : i32
    %lt3A_256 = arith.constant 0 : i32
    %lt3A_257 = arith.cmpi slt, %rem3A_253, %lt3A_256 : i32
    %lt3A_258 = arith.constant 0 : i32
    %lt3A_259 = arith.cmpi slt, %select_n3A_252, %lt3A_258 : i32
    %ne3A_260 = arith.xori %lt3A_257, %lt3A_259 : i1
    %and3A_261 = arith.andi %ne3A_260, %ne3A_255 : i1
    %add3A_262 = arith.addi %rem3A_253, %select_n3A_252 : i32
    %select_n3A_263 = arith.select %and3A_261, %add3A_262, %rem3A_253 : i32
    %sub3A_264 = arith.subi %select_n3A_247, %select_n3A : i32
    %dma_start3A_265 = arith.constant 3 : i32
    %dma_start3A_266 = arith.constant 0 : i32
    %dma_start3A_267 = tpu.memref_slice %arg6[%dma_start3A_265, %dma_start3A_266] : memref<13x2048xf32, #tpu.memory_space<vmem>> -> memref<1x2048xf32, #tpu.memory_space<vmem>>
    %dma_start3A_268 = tpu.memref_squeeze %dma_start3A_267 : memref<1x2048xf32, #tpu.memory_space<vmem>> -> memref<2048xf32, #tpu.memory_space<vmem>>
    %dma_start3A_269 = arith.constant 0 : i32
    %dma_start3A_270 = tpu.memref_slice %arg5[%sub3A_264, %dma_start3A_269] : memref<2x2048xi32, #tpu.memory_space<vmem>> -> memref<1x2048xi32, #tpu.memory_space<vmem>>
    %dma_start3A_271 = tpu.memref_squeeze %dma_start3A_270 : memref<1x2048xi32, #tpu.memory_space<vmem>> -> memref<2048xi32, #tpu.memory_space<vmem>>
    %dma_start3A_272 = arith.constant 0 : i32
    %dma_start3A_273 = arith.constant 0 : i32
    %dma_start3A_274 = tpu.memref_slice %arg2[%select_n3A_247, %dma_start3A_272, %dma_start3A_273] : memref<26x16x100000xf32, #tpu.memory_space<hbm>> -> memref<1x16x100000xf32, #tpu.memory_space<hbm>>
    %dma_start3A_275 = tpu.memref_squeeze %dma_start3A_274 : memref<1x16x100000xf32, #tpu.memory_space<hbm>> -> memref<16x100000xf32, #tpu.memory_space<hbm>>
    %dma_start3A_276 = arith.constant 0 : i32
    %dma_start3A_277 = tpu.memref_slice %dma_start3A_275[%select_n3A_263, %dma_start3A_276] : memref<16x100000xf32, #tpu.memory_space<hbm>> -> memref<1x100000xf32, #tpu.memory_space<hbm>>
    %dma_start3A_278 = tpu.memref_squeeze %dma_start3A_277 : memref<1x100000xf32, #tpu.memory_space<hbm>> -> memref<100000xf32, #tpu.memory_space<hbm>>
    %dma_start3A_279 = arith.constant 0 : i32
    %dma_start3A_280 = tpu.memref_slice %dma_start3A_278[%dma_start3A_279] : memref<100000xf32, #tpu.memory_space<hbm>> -> memref<100000xf32, #tpu.memory_space<hbm>>
    tpu.enqueue_indirect_dma source(%dma_start3A_280 : memref<100000xf32, #tpu.memory_space<hbm>>) target(%dma_start3A_268 : memref<2048xf32, #tpu.memory_space<vmem>>) offsets(%dma_start3A_271 : memref<2048xi32, #tpu.memory_space<vmem>>) semaphore(%arg8 : memref<!tpu.dma_semaphore, #tpu.memory_space<semaphore_mem>>)
    %add3A_281 = arith.constant 4 : i32
    %add3A_282 = arith.addi %mul3A_2, %add3A_281 : i32
    %jit3A_283 = arith.constant 16 : i32
    %div3A_284 = arith.divsi %add3A_282, %jit3A_283 : i32
    %sign3A_285 = arith.constant 0 : i32
    %sign3A_286 = arith.cmpi sgt, %add3A_282, %sign3A_285 : i32
    %sign3A_287 = arith.extui %sign3A_286 : i1 to i32
    %sign3A_288 = arith.constant 0 : i32
    %sign3A_289 = arith.cmpi slt, %add3A_282, %sign3A_288 : i32
    %sign3A_290 = arith.extui %sign3A_289 : i1 to i32
    %sign3A_291 = arith.subi %sign3A_287, %sign3A_290 : i32
    %sign3A_292 = arith.constant 0 : i32
    %sign3A_293 = arith.cmpi sgt, %jit3A_283, %sign3A_292 : i32
    %sign3A_294 = arith.extui %sign3A_293 : i1 to i32
    %sign3A_295 = arith.constant 0 : i32
    %sign3A_296 = arith.cmpi slt, %jit3A_283, %sign3A_295 : i32
    %sign3A_297 = arith.extui %sign3A_296 : i1 to i32
    %sign3A_298 = arith.subi %sign3A_294, %sign3A_297 : i32
    %ne3A_299 = arith.cmpi ne, %sign3A_291, %sign3A_298 : i32
    %rem3A_300 = arith.remsi %add3A_282, %jit3A_283 : i32
    %ne3A_301 = arith.constant 0 : i32
    %ne3A_302 = arith.cmpi ne, %rem3A_300, %ne3A_301 : i32
    %and3A_303 = arith.andi %ne3A_299, %ne3A_302 : i1
    %sub3A_304 = arith.constant 1 : i32
    %sub3A_305 = arith.subi %div3A_284, %sub3A_304 : i32
    %select_n3A_306 = arith.select %and3A_303, %sub3A_305, %div3A_284 : i32
    %jit3A_307 = arith.constant 16 : i32
    %eq3A_308 = arith.constant 0 : i32
    %eq3A_309 = arith.cmpi eq, %jit3A_307, %eq3A_308 : i32
    %jit3A_310 = arith.constant 1 : i32
    %select_n3A_311 = arith.select %eq3A_309, %jit3A_310, %jit3A_307 : i32
    %rem3A_312 = arith.remsi %add3A_282, %select_n3A_311 : i32
    %ne3A_313 = arith.constant 0 : i32
    %ne3A_314 = arith.cmpi ne, %rem3A_312, %ne3A_313 : i32
    %lt3A_315 = arith.constant 0 : i32
    %lt3A_316 = arith.cmpi slt, %rem3A_312, %lt3A_315 : i32
    %lt3A_317 = arith.constant 0 : i32
    %lt3A_318 = arith.cmpi slt, %select_n3A_311, %lt3A_317 : i32
    %ne3A_319 = arith.xori %lt3A_316, %lt3A_318 : i1
    %and3A_320 = arith.andi %ne3A_319, %ne3A_314 : i1
    %add3A_321 = arith.addi %rem3A_312, %select_n3A_311 : i32
    %select_n3A_322 = arith.select %and3A_320, %add3A_321, %rem3A_312 : i32
    %sub3A_323 = arith.subi %select_n3A_306, %select_n3A : i32
    %dma_start3A_324 = arith.constant 4 : i32
    %dma_start3A_325 = arith.constant 0 : i32
    %dma_start3A_326 = tpu.memref_slice %arg6[%dma_start3A_324, %dma_start3A_325] : memref<13x2048xf32, #tpu.memory_space<vmem>> -> memref<1x2048xf32, #tpu.memory_space<vmem>>
    %dma_start3A_327 = tpu.memref_squeeze %dma_start3A_326 : memref<1x2048xf32, #tpu.memory_space<vmem>> -> memref<2048xf32, #tpu.memory_space<vmem>>
    %dma_start3A_328 = arith.constant 0 : i32
    %dma_start3A_329 = tpu.memref_slice %arg5[%sub3A_323, %dma_start3A_328] : memref<2x2048xi32, #tpu.memory_space<vmem>> -> memref<1x2048xi32, #tpu.memory_space<vmem>>
    %dma_start3A_330 = tpu.memref_squeeze %dma_start3A_329 : memref<1x2048xi32, #tpu.memory_space<vmem>> -> memref<2048xi32, #tpu.memory_space<vmem>>
    %dma_start3A_331 = arith.constant 0 : i32
    %dma_start3A_332 = arith.constant 0 : i32
    %dma_start3A_333 = tpu.memref_slice %arg2[%select_n3A_306, %dma_start3A_331, %dma_start3A_332] : memref<26x16x100000xf32, #tpu.memory_space<hbm>> -> memref<1x16x100000xf32, #tpu.memory_space<hbm>>
    %dma_start3A_334 = tpu.memref_squeeze %dma_start3A_333 : memref<1x16x100000xf32, #tpu.memory_space<hbm>> -> memref<16x100000xf32, #tpu.memory_space<hbm>>
    %dma_start3A_335 = arith.constant 0 : i32
    %dma_start3A_336 = tpu.memref_slice %dma_start3A_334[%select_n3A_322, %dma_start3A_335] : memref<16x100000xf32, #tpu.memory_space<hbm>> -> memref<1x100000xf32, #tpu.memory_space<hbm>>
    %dma_start3A_337 = tpu.memref_squeeze %dma_start3A_336 : memref<1x100000xf32, #tpu.memory_space<hbm>> -> memref<100000xf32, #tpu.memory_space<hbm>>
    %dma_start3A_338 = arith.constant 0 : i32
    %dma_start3A_339 = tpu.memref_slice %dma_start3A_337[%dma_start3A_338] : memref<100000xf32, #tpu.memory_space<hbm>> -> memref<100000xf32, #tpu.memory_space<hbm>>
    tpu.enqueue_indirect_dma source(%dma_start3A_339 : memref<100000xf32, #tpu.memory_space<hbm>>) target(%dma_start3A_327 : memref<2048xf32, #tpu.memory_space<vmem>>) offsets(%dma_start3A_330 : memref<2048xi32, #tpu.memory_space<vmem>>) semaphore(%arg8 : memref<!tpu.dma_semaphore, #tpu.memory_space<semaphore_mem>>)
    %add3A_340 = arith.constant 5 : i32
    %add3A_341 = arith.addi %mul3A_2, %add3A_340 : i32
    %jit3A_342 = arith.constant 16 : i32
    %div3A_343 = arith.divsi %add3A_341, %jit3A_342 : i32
    %sign3A_344 = arith.constant 0 : i32
    %sign3A_345 = arith.cmpi sgt, %add3A_341, %sign3A_344 : i32
    %sign3A_346 = arith.extui %sign3A_345 : i1 to i32
    %sign3A_347 = arith.constant 0 : i32
    %sign3A_348 = arith.cmpi slt, %add3A_341, %sign3A_347 : i32
    %sign3A_349 = arith.extui %sign3A_348 : i1 to i32
    %sign3A_350 = arith.subi %sign3A_346, %sign3A_349 : i32
    %sign3A_351 = arith.constant 0 : i32
    %sign3A_352 = arith.cmpi sgt, %jit3A_342, %sign3A_351 : i32
    %sign3A_353 = arith.extui %sign3A_352 : i1 to i32
    %sign3A_354 = arith.constant 0 : i32
    %sign3A_355 = arith.cmpi slt, %jit3A_342, %sign3A_354 : i32
    %sign3A_356 = arith.extui %sign3A_355 : i1 to i32
    %sign3A_357 = arith.subi %sign3A_353, %sign3A_356 : i32
    %ne3A_358 = arith.cmpi ne, %sign3A_350, %sign3A_357 : i32
    %rem3A_359 = arith.remsi %add3A_341, %jit3A_342 : i32
    %ne3A_360 = arith.constant 0 : i32
    %ne3A_361 = arith.cmpi ne, %rem3A_359, %ne3A_360 : i32
    %and3A_362 = arith.andi %ne3A_358, %ne3A_361 : i1
    %sub3A_363 = arith.constant 1 : i32
    %sub3A_364 = arith.subi %div3A_343, %sub3A_363 : i32
    %select_n3A_365 = arith.select %and3A_362, %sub3A_364, %div3A_343 : i32
    %jit3A_366 = arith.constant 16 : i32
    %eq3A_367 = arith.constant 0 : i32
    %eq3A_368 = arith.cmpi eq, %jit3A_366, %eq3A_367 : i32
    %jit3A_369 = arith.constant 1 : i32
    %select_n3A_370 = arith.select %eq3A_368, %jit3A_369, %jit3A_366 : i32
    %rem3A_371 = arith.remsi %add3A_341, %select_n3A_370 : i32
    %ne3A_372 = arith.constant 0 : i32
    %ne3A_373 = arith.cmpi ne, %rem3A_371, %ne3A_372 : i32
    %lt3A_374 = arith.constant 0 : i32
    %lt3A_375 = arith.cmpi slt, %rem3A_371, %lt3A_374 : i32
    %lt3A_376 = arith.constant 0 : i32
    %lt3A_377 = arith.cmpi slt, %select_n3A_370, %lt3A_376 : i32
    %ne3A_378 = arith.xori %lt3A_375, %lt3A_377 : i1
    %and3A_379 = arith.andi %ne3A_378, %ne3A_373 : i1
    %add3A_380 = arith.addi %rem3A_371, %select_n3A_370 : i32
    %select_n3A_381 = arith.select %and3A_379, %add3A_380, %rem3A_371 : i32
    %sub3A_382 = arith.subi %select_n3A_365, %select_n3A : i32
    %dma_start3A_383 = arith.constant 5 : i32
    %dma_start3A_384 = arith.constant 0 : i32
    %dma_start3A_385 = tpu.memref_slice %arg6[%dma_start3A_383, %dma_start3A_384] : memref<13x2048xf32, #tpu.memory_space<vmem>> -> memref<1x2048xf32, #tpu.memory_space<vmem>>
    %dma_start3A_386 = tpu.memref_squeeze %dma_start3A_385 : memref<1x2048xf32, #tpu.memory_space<vmem>> -> memref<2048xf32, #tpu.memory_space<vmem>>
    %dma_start3A_387 = arith.constant 0 : i32
    %dma_start3A_388 = tpu.memref_slice %arg5[%sub3A_382, %dma_start3A_387] : memref<2x2048xi32, #tpu.memory_space<vmem>> -> memref<1x2048xi32, #tpu.memory_space<vmem>>
    %dma_start3A_389 = tpu.memref_squeeze %dma_start3A_388 : memref<1x2048xi32, #tpu.memory_space<vmem>> -> memref<2048xi32, #tpu.memory_space<vmem>>
    %dma_start3A_390 = arith.constant 0 : i32
    %dma_start3A_391 = arith.constant 0 : i32
    %dma_start3A_392 = tpu.memref_slice %arg2[%select_n3A_365, %dma_start3A_390, %dma_start3A_391] : memref<26x16x100000xf32, #tpu.memory_space<hbm>> -> memref<1x16x100000xf32, #tpu.memory_space<hbm>>
    %dma_start3A_393 = tpu.memref_squeeze %dma_start3A_392 : memref<1x16x100000xf32, #tpu.memory_space<hbm>> -> memref<16x100000xf32, #tpu.memory_space<hbm>>
    %dma_start3A_394 = arith.constant 0 : i32
    %dma_start3A_395 = tpu.memref_slice %dma_start3A_393[%select_n3A_381, %dma_start3A_394] : memref<16x100000xf32, #tpu.memory_space<hbm>> -> memref<1x100000xf32, #tpu.memory_space<hbm>>
    %dma_start3A_396 = tpu.memref_squeeze %dma_start3A_395 : memref<1x100000xf32, #tpu.memory_space<hbm>> -> memref<100000xf32, #tpu.memory_space<hbm>>
    %dma_start3A_397 = arith.constant 0 : i32
    %dma_start3A_398 = tpu.memref_slice %dma_start3A_396[%dma_start3A_397] : memref<100000xf32, #tpu.memory_space<hbm>> -> memref<100000xf32, #tpu.memory_space<hbm>>
    tpu.enqueue_indirect_dma source(%dma_start3A_398 : memref<100000xf32, #tpu.memory_space<hbm>>) target(%dma_start3A_386 : memref<2048xf32, #tpu.memory_space<vmem>>) offsets(%dma_start3A_389 : memref<2048xi32, #tpu.memory_space<vmem>>) semaphore(%arg8 : memref<!tpu.dma_semaphore, #tpu.memory_space<semaphore_mem>>)
    %add3A_399 = arith.constant 6 : i32
    %add3A_400 = arith.addi %mul3A_2, %add3A_399 : i32
    %jit3A_401 = arith.constant 16 : i32
    %div3A_402 = arith.divsi %add3A_400, %jit3A_401 : i32
    %sign3A_403 = arith.constant 0 : i32
    %sign3A_404 = arith.cmpi sgt, %add3A_400, %sign3A_403 : i32
    %sign3A_405 = arith.extui %sign3A_404 : i1 to i32
    %sign3A_406 = arith.constant 0 : i32
    %sign3A_407 = arith.cmpi slt, %add3A_400, %sign3A_406 : i32
    %sign3A_408 = arith.extui %sign3A_407 : i1 to i32
    %sign3A_409 = arith.subi %sign3A_405, %sign3A_408 : i32
    %sign3A_410 = arith.constant 0 : i32
    %sign3A_411 = arith.cmpi sgt, %jit3A_401, %sign3A_410 : i32
    %sign3A_412 = arith.extui %sign3A_411 : i1 to i32
    %sign3A_413 = arith.constant 0 : i32
    %sign3A_414 = arith.cmpi slt, %jit3A_401, %sign3A_413 : i32
    %sign3A_415 = arith.extui %sign3A_414 : i1 to i32
    %sign3A_416 = arith.subi %sign3A_412, %sign3A_415 : i32
    %ne3A_417 = arith.cmpi ne, %sign3A_409, %sign3A_416 : i32
    %rem3A_418 = arith.remsi %add3A_400, %jit3A_401 : i32
    %ne3A_419 = arith.constant 0 : i32
    %ne3A_420 = arith.cmpi ne, %rem3A_418, %ne3A_419 : i32
    %and3A_421 = arith.andi %ne3A_417, %ne3A_420 : i1
    %sub3A_422 = arith.constant 1 : i32
    %sub3A_423 = arith.subi %div3A_402, %sub3A_422 : i32
    %select_n3A_424 = arith.select %and3A_421, %sub3A_423, %div3A_402 : i32
    %jit3A_425 = arith.constant 16 : i32
    %eq3A_426 = arith.constant 0 : i32
    %eq3A_427 = arith.cmpi eq, %jit3A_425, %eq3A_426 : i32
    %jit3A_428 = arith.constant 1 : i32
    %select_n3A_429 = arith.select %eq3A_427, %jit3A_428, %jit3A_425 : i32
    %rem3A_430 = arith.remsi %add3A_400, %select_n3A_429 : i32
    %ne3A_431 = arith.constant 0 : i32
    %ne3A_432 = arith.cmpi ne, %rem3A_430, %ne3A_431 : i32
    %lt3A_433 = arith.constant 0 : i32
    %lt3A_434 = arith.cmpi slt, %rem3A_430, %lt3A_433 : i32
    %lt3A_435 = arith.constant 0 : i32
    %lt3A_436 = arith.cmpi slt, %select_n3A_429, %lt3A_435 : i32
    %ne3A_437 = arith.xori %lt3A_434, %lt3A_436 : i1
    %and3A_438 = arith.andi %ne3A_437, %ne3A_432 : i1
    %add3A_439 = arith.addi %rem3A_430, %select_n3A_429 : i32
    %select_n3A_440 = arith.select %and3A_438, %add3A_439, %rem3A_430 : i32
    %sub3A_441 = arith.subi %select_n3A_424, %select_n3A : i32
    %dma_start3A_442 = arith.constant 6 : i32
    %dma_start3A_443 = arith.constant 0 : i32
    %dma_start3A_444 = tpu.memref_slice %arg6[%dma_start3A_442, %dma_start3A_443] : memref<13x2048xf32, #tpu.memory_space<vmem>> -> memref<1x2048xf32, #tpu.memory_space<vmem>>
    %dma_start3A_445 = tpu.memref_squeeze %dma_start3A_444 : memref<1x2048xf32, #tpu.memory_space<vmem>> -> memref<2048xf32, #tpu.memory_space<vmem>>
    %dma_start3A_446 = arith.constant 0 : i32
    %dma_start3A_447 = tpu.memref_slice %arg5[%sub3A_441, %dma_start3A_446] : memref<2x2048xi32, #tpu.memory_space<vmem>> -> memref<1x2048xi32, #tpu.memory_space<vmem>>
    %dma_start3A_448 = tpu.memref_squeeze %dma_start3A_447 : memref<1x2048xi32, #tpu.memory_space<vmem>> -> memref<2048xi32, #tpu.memory_space<vmem>>
    %dma_start3A_449 = arith.constant 0 : i32
    %dma_start3A_450 = arith.constant 0 : i32
    %dma_start3A_451 = tpu.memref_slice %arg2[%select_n3A_424, %dma_start3A_449, %dma_start3A_450] : memref<26x16x100000xf32, #tpu.memory_space<hbm>> -> memref<1x16x100000xf32, #tpu.memory_space<hbm>>
    %dma_start3A_452 = tpu.memref_squeeze %dma_start3A_451 : memref<1x16x100000xf32, #tpu.memory_space<hbm>> -> memref<16x100000xf32, #tpu.memory_space<hbm>>
    %dma_start3A_453 = arith.constant 0 : i32
    %dma_start3A_454 = tpu.memref_slice %dma_start3A_452[%select_n3A_440, %dma_start3A_453] : memref<16x100000xf32, #tpu.memory_space<hbm>> -> memref<1x100000xf32, #tpu.memory_space<hbm>>
    %dma_start3A_455 = tpu.memref_squeeze %dma_start3A_454 : memref<1x100000xf32, #tpu.memory_space<hbm>> -> memref<100000xf32, #tpu.memory_space<hbm>>
    %dma_start3A_456 = arith.constant 0 : i32
    %dma_start3A_457 = tpu.memref_slice %dma_start3A_455[%dma_start3A_456] : memref<100000xf32, #tpu.memory_space<hbm>> -> memref<100000xf32, #tpu.memory_space<hbm>>
    tpu.enqueue_indirect_dma source(%dma_start3A_457 : memref<100000xf32, #tpu.memory_space<hbm>>) target(%dma_start3A_445 : memref<2048xf32, #tpu.memory_space<vmem>>) offsets(%dma_start3A_448 : memref<2048xi32, #tpu.memory_space<vmem>>) semaphore(%arg8 : memref<!tpu.dma_semaphore, #tpu.memory_space<semaphore_mem>>)
    %add3A_458 = arith.constant 7 : i32
    %add3A_459 = arith.addi %mul3A_2, %add3A_458 : i32
    %jit3A_460 = arith.constant 16 : i32
    %div3A_461 = arith.divsi %add3A_459, %jit3A_460 : i32
    %sign3A_462 = arith.constant 0 : i32
    %sign3A_463 = arith.cmpi sgt, %add3A_459, %sign3A_462 : i32
    %sign3A_464 = arith.extui %sign3A_463 : i1 to i32
    %sign3A_465 = arith.constant 0 : i32
    %sign3A_466 = arith.cmpi slt, %add3A_459, %sign3A_465 : i32
    %sign3A_467 = arith.extui %sign3A_466 : i1 to i32
    %sign3A_468 = arith.subi %sign3A_464, %sign3A_467 : i32
    %sign3A_469 = arith.constant 0 : i32
    %sign3A_470 = arith.cmpi sgt, %jit3A_460, %sign3A_469 : i32
    %sign3A_471 = arith.extui %sign3A_470 : i1 to i32
    %sign3A_472 = arith.constant 0 : i32
    %sign3A_473 = arith.cmpi slt, %jit3A_460, %sign3A_472 : i32
    %sign3A_474 = arith.extui %sign3A_473 : i1 to i32
    %sign3A_475 = arith.subi %sign3A_471, %sign3A_474 : i32
    %ne3A_476 = arith.cmpi ne, %sign3A_468, %sign3A_475 : i32
    %rem3A_477 = arith.remsi %add3A_459, %jit3A_460 : i32
    %ne3A_478 = arith.constant 0 : i32
    %ne3A_479 = arith.cmpi ne, %rem3A_477, %ne3A_478 : i32
    %and3A_480 = arith.andi %ne3A_476, %ne3A_479 : i1
    %sub3A_481 = arith.constant 1 : i32
    %sub3A_482 = arith.subi %div3A_461, %sub3A_481 : i32
    %select_n3A_483 = arith.select %and3A_480, %sub3A_482, %div3A_461 : i32
    %jit3A_484 = arith.constant 16 : i32
    %eq3A_485 = arith.constant 0 : i32
    %eq3A_486 = arith.cmpi eq, %jit3A_484, %eq3A_485 : i32
    %jit3A_487 = arith.constant 1 : i32
    %select_n3A_488 = arith.select %eq3A_486, %jit3A_487, %jit3A_484 : i32
    %rem3A_489 = arith.remsi %add3A_459, %select_n3A_488 : i32
    %ne3A_490 = arith.constant 0 : i32
    %ne3A_491 = arith.cmpi ne, %rem3A_489, %ne3A_490 : i32
    %lt3A_492 = arith.constant 0 : i32
    %lt3A_493 = arith.cmpi slt, %rem3A_489, %lt3A_492 : i32
    %lt3A_494 = arith.constant 0 : i32
    %lt3A_495 = arith.cmpi slt, %select_n3A_488, %lt3A_494 : i32
    %ne3A_496 = arith.xori %lt3A_493, %lt3A_495 : i1
    %and3A_497 = arith.andi %ne3A_496, %ne3A_491 : i1
    %add3A_498 = arith.addi %rem3A_489, %select_n3A_488 : i32
    %select_n3A_499 = arith.select %and3A_497, %add3A_498, %rem3A_489 : i32
    %sub3A_500 = arith.subi %select_n3A_483, %select_n3A : i32
    %dma_start3A_501 = arith.constant 7 : i32
    %dma_start3A_502 = arith.constant 0 : i32
    %dma_start3A_503 = tpu.memref_slice %arg6[%dma_start3A_501, %dma_start3A_502] : memref<13x2048xf32, #tpu.memory_space<vmem>> -> memref<1x2048xf32, #tpu.memory_space<vmem>>
    %dma_start3A_504 = tpu.memref_squeeze %dma_start3A_503 : memref<1x2048xf32, #tpu.memory_space<vmem>> -> memref<2048xf32, #tpu.memory_space<vmem>>
    %dma_start3A_505 = arith.constant 0 : i32
    %dma_start3A_506 = tpu.memref_slice %arg5[%sub3A_500, %dma_start3A_505] : memref<2x2048xi32, #tpu.memory_space<vmem>> -> memref<1x2048xi32, #tpu.memory_space<vmem>>
    %dma_start3A_507 = tpu.memref_squeeze %dma_start3A_506 : memref<1x2048xi32, #tpu.memory_space<vmem>> -> memref<2048xi32, #tpu.memory_space<vmem>>
    %dma_start3A_508 = arith.constant 0 : i32
    %dma_start3A_509 = arith.constant 0 : i32
    %dma_start3A_510 = tpu.memref_slice %arg2[%select_n3A_483, %dma_start3A_508, %dma_start3A_509] : memref<26x16x100000xf32, #tpu.memory_space<hbm>> -> memref<1x16x100000xf32, #tpu.memory_space<hbm>>
    %dma_start3A_511 = tpu.memref_squeeze %dma_start3A_510 : memref<1x16x100000xf32, #tpu.memory_space<hbm>> -> memref<16x100000xf32, #tpu.memory_space<hbm>>
    %dma_start3A_512 = arith.constant 0 : i32
    %dma_start3A_513 = tpu.memref_slice %dma_start3A_511[%select_n3A_499, %dma_start3A_512] : memref<16x100000xf32, #tpu.memory_space<hbm>> -> memref<1x100000xf32, #tpu.memory_space<hbm>>
    %dma_start3A_514 = tpu.memref_squeeze %dma_start3A_513 : memref<1x100000xf32, #tpu.memory_space<hbm>> -> memref<100000xf32, #tpu.memory_space<hbm>>
    %dma_start3A_515 = arith.constant 0 : i32
    %dma_start3A_516 = tpu.memref_slice %dma_start3A_514[%dma_start3A_515] : memref<100000xf32, #tpu.memory_space<hbm>> -> memref<100000xf32, #tpu.memory_space<hbm>>
    tpu.enqueue_indirect_dma source(%dma_start3A_516 : memref<100000xf32, #tpu.memory_space<hbm>>) target(%dma_start3A_504 : memref<2048xf32, #tpu.memory_space<vmem>>) offsets(%dma_start3A_507 : memref<2048xi32, #tpu.memory_space<vmem>>) semaphore(%arg8 : memref<!tpu.dma_semaphore, #tpu.memory_space<semaphore_mem>>)
    %add3A_517 = arith.constant 8 : i32
    %add3A_518 = arith.addi %mul3A_2, %add3A_517 : i32
    %jit3A_519 = arith.constant 16 : i32
    %div3A_520 = arith.divsi %add3A_518, %jit3A_519 : i32
    %sign3A_521 = arith.constant 0 : i32
    %sign3A_522 = arith.cmpi sgt, %add3A_518, %sign3A_521 : i32
    %sign3A_523 = arith.extui %sign3A_522 : i1 to i32
    %sign3A_524 = arith.constant 0 : i32
    %sign3A_525 = arith.cmpi slt, %add3A_518, %sign3A_524 : i32
    %sign3A_526 = arith.extui %sign3A_525 : i1 to i32
    %sign3A_527 = arith.subi %sign3A_523, %sign3A_526 : i32
    %sign3A_528 = arith.constant 0 : i32
    %sign3A_529 = arith.cmpi sgt, %jit3A_519, %sign3A_528 : i32
    %sign3A_530 = arith.extui %sign3A_529 : i1 to i32
    %sign3A_531 = arith.constant 0 : i32
    %sign3A_532 = arith.cmpi slt, %jit3A_519, %sign3A_531 : i32
    %sign3A_533 = arith.extui %sign3A_532 : i1 to i32
    %sign3A_534 = arith.subi %sign3A_530, %sign3A_533 : i32
    %ne3A_535 = arith.cmpi ne, %sign3A_527, %sign3A_534 : i32
    %rem3A_536 = arith.remsi %add3A_518, %jit3A_519 : i32
    %ne3A_537 = arith.constant 0 : i32
    %ne3A_538 = arith.cmpi ne, %rem3A_536, %ne3A_537 : i32
    %and3A_539 = arith.andi %ne3A_535, %ne3A_538 : i1
    %sub3A_540 = arith.constant 1 : i32
    %sub3A_541 = arith.subi %div3A_520, %sub3A_540 : i32
    %select_n3A_542 = arith.select %and3A_539, %sub3A_541, %div3A_520 : i32
    %jit3A_543 = arith.constant 16 : i32
    %eq3A_544 = arith.constant 0 : i32
    %eq3A_545 = arith.cmpi eq, %jit3A_543, %eq3A_544 : i32
    %jit3A_546 = arith.constant 1 : i32
    %select_n3A_547 = arith.select %eq3A_545, %jit3A_546, %jit3A_543 : i32
    %rem3A_548 = arith.remsi %add3A_518, %select_n3A_547 : i32
    %ne3A_549 = arith.constant 0 : i32
    %ne3A_550 = arith.cmpi ne, %rem3A_548, %ne3A_549 : i32
    %lt3A_551 = arith.constant 0 : i32
    %lt3A_552 = arith.cmpi slt, %rem3A_548, %lt3A_551 : i32
    %lt3A_553 = arith.constant 0 : i32
    %lt3A_554 = arith.cmpi slt, %select_n3A_547, %lt3A_553 : i32
    %ne3A_555 = arith.xori %lt3A_552, %lt3A_554 : i1
    %and3A_556 = arith.andi %ne3A_555, %ne3A_550 : i1
    %add3A_557 = arith.addi %rem3A_548, %select_n3A_547 : i32
    %select_n3A_558 = arith.select %and3A_556, %add3A_557, %rem3A_548 : i32
    %sub3A_559 = arith.subi %select_n3A_542, %select_n3A : i32
    %dma_start3A_560 = arith.constant 8 : i32
    %dma_start3A_561 = arith.constant 0 : i32
    %dma_start3A_562 = tpu.memref_slice %arg6[%dma_start3A_560, %dma_start3A_561] : memref<13x2048xf32, #tpu.memory_space<vmem>> -> memref<1x2048xf32, #tpu.memory_space<vmem>>
    %dma_start3A_563 = tpu.memref_squeeze %dma_start3A_562 : memref<1x2048xf32, #tpu.memory_space<vmem>> -> memref<2048xf32, #tpu.memory_space<vmem>>
    %dma_start3A_564 = arith.constant 0 : i32
    %dma_start3A_565 = tpu.memref_slice %arg5[%sub3A_559, %dma_start3A_564] : memref<2x2048xi32, #tpu.memory_space<vmem>> -> memref<1x2048xi32, #tpu.memory_space<vmem>>
    %dma_start3A_566 = tpu.memref_squeeze %dma_start3A_565 : memref<1x2048xi32, #tpu.memory_space<vmem>> -> memref<2048xi32, #tpu.memory_space<vmem>>
    %dma_start3A_567 = arith.constant 0 : i32
    %dma_start3A_568 = arith.constant 0 : i32
    %dma_start3A_569 = tpu.memref_slice %arg2[%select_n3A_542, %dma_start3A_567, %dma_start3A_568] : memref<26x16x100000xf32, #tpu.memory_space<hbm>> -> memref<1x16x100000xf32, #tpu.memory_space<hbm>>
    %dma_start3A_570 = tpu.memref_squeeze %dma_start3A_569 : memref<1x16x100000xf32, #tpu.memory_space<hbm>> -> memref<16x100000xf32, #tpu.memory_space<hbm>>
    %dma_start3A_571 = arith.constant 0 : i32
    %dma_start3A_572 = tpu.memref_slice %dma_start3A_570[%select_n3A_558, %dma_start3A_571] : memref<16x100000xf32, #tpu.memory_space<hbm>> -> memref<1x100000xf32, #tpu.memory_space<hbm>>
    %dma_start3A_573 = tpu.memref_squeeze %dma_start3A_572 : memref<1x100000xf32, #tpu.memory_space<hbm>> -> memref<100000xf32, #tpu.memory_space<hbm>>
    %dma_start3A_574 = arith.constant 0 : i32
    %dma_start3A_575 = tpu.memref_slice %dma_start3A_573[%dma_start3A_574] : memref<100000xf32, #tpu.memory_space<hbm>> -> memref<100000xf32, #tpu.memory_space<hbm>>
    tpu.enqueue_indirect_dma source(%dma_start3A_575 : memref<100000xf32, #tpu.memory_space<hbm>>) target(%dma_start3A_563 : memref<2048xf32, #tpu.memory_space<vmem>>) offsets(%dma_start3A_566 : memref<2048xi32, #tpu.memory_space<vmem>>) semaphore(%arg8 : memref<!tpu.dma_semaphore, #tpu.memory_space<semaphore_mem>>)
    %add3A_576 = arith.constant 9 : i32
    %add3A_577 = arith.addi %mul3A_2, %add3A_576 : i32
    %jit3A_578 = arith.constant 16 : i32
    %div3A_579 = arith.divsi %add3A_577, %jit3A_578 : i32
    %sign3A_580 = arith.constant 0 : i32
    %sign3A_581 = arith.cmpi sgt, %add3A_577, %sign3A_580 : i32
    %sign3A_582 = arith.extui %sign3A_581 : i1 to i32
    %sign3A_583 = arith.constant 0 : i32
    %sign3A_584 = arith.cmpi slt, %add3A_577, %sign3A_583 : i32
    %sign3A_585 = arith.extui %sign3A_584 : i1 to i32
    %sign3A_586 = arith.subi %sign3A_582, %sign3A_585 : i32
    %sign3A_587 = arith.constant 0 : i32
    %sign3A_588 = arith.cmpi sgt, %jit3A_578, %sign3A_587 : i32
    %sign3A_589 = arith.extui %sign3A_588 : i1 to i32
    %sign3A_590 = arith.constant 0 : i32
    %sign3A_591 = arith.cmpi slt, %jit3A_578, %sign3A_590 : i32
    %sign3A_592 = arith.extui %sign3A_591 : i1 to i32
    %sign3A_593 = arith.subi %sign3A_589, %sign3A_592 : i32
    %ne3A_594 = arith.cmpi ne, %sign3A_586, %sign3A_593 : i32
    %rem3A_595 = arith.remsi %add3A_577, %jit3A_578 : i32
    %ne3A_596 = arith.constant 0 : i32
    %ne3A_597 = arith.cmpi ne, %rem3A_595, %ne3A_596 : i32
    %and3A_598 = arith.andi %ne3A_594, %ne3A_597 : i1
    %sub3A_599 = arith.constant 1 : i32
    %sub3A_600 = arith.subi %div3A_579, %sub3A_599 : i32
    %select_n3A_601 = arith.select %and3A_598, %sub3A_600, %div3A_579 : i32
    %jit3A_602 = arith.constant 16 : i32
    %eq3A_603 = arith.constant 0 : i32
    %eq3A_604 = arith.cmpi eq, %jit3A_602, %eq3A_603 : i32
    %jit3A_605 = arith.constant 1 : i32
    %select_n3A_606 = arith.select %eq3A_604, %jit3A_605, %jit3A_602 : i32
    %rem3A_607 = arith.remsi %add3A_577, %select_n3A_606 : i32
    %ne3A_608 = arith.constant 0 : i32
    %ne3A_609 = arith.cmpi ne, %rem3A_607, %ne3A_608 : i32
    %lt3A_610 = arith.constant 0 : i32
    %lt3A_611 = arith.cmpi slt, %rem3A_607, %lt3A_610 : i32
    %lt3A_612 = arith.constant 0 : i32
    %lt3A_613 = arith.cmpi slt, %select_n3A_606, %lt3A_612 : i32
    %ne3A_614 = arith.xori %lt3A_611, %lt3A_613 : i1
    %and3A_615 = arith.andi %ne3A_614, %ne3A_609 : i1
    %add3A_616 = arith.addi %rem3A_607, %select_n3A_606 : i32
    %select_n3A_617 = arith.select %and3A_615, %add3A_616, %rem3A_607 : i32
    %sub3A_618 = arith.subi %select_n3A_601, %select_n3A : i32
    %dma_start3A_619 = arith.constant 9 : i32
    %dma_start3A_620 = arith.constant 0 : i32
    %dma_start3A_621 = tpu.memref_slice %arg6[%dma_start3A_619, %dma_start3A_620] : memref<13x2048xf32, #tpu.memory_space<vmem>> -> memref<1x2048xf32, #tpu.memory_space<vmem>>
    %dma_start3A_622 = tpu.memref_squeeze %dma_start3A_621 : memref<1x2048xf32, #tpu.memory_space<vmem>> -> memref<2048xf32, #tpu.memory_space<vmem>>
    %dma_start3A_623 = arith.constant 0 : i32
    %dma_start3A_624 = tpu.memref_slice %arg5[%sub3A_618, %dma_start3A_623] : memref<2x2048xi32, #tpu.memory_space<vmem>> -> memref<1x2048xi32, #tpu.memory_space<vmem>>
    %dma_start3A_625 = tpu.memref_squeeze %dma_start3A_624 : memref<1x2048xi32, #tpu.memory_space<vmem>> -> memref<2048xi32, #tpu.memory_space<vmem>>
    %dma_start3A_626 = arith.constant 0 : i32
    %dma_start3A_627 = arith.constant 0 : i32
    %dma_start3A_628 = tpu.memref_slice %arg2[%select_n3A_601, %dma_start3A_626, %dma_start3A_627] : memref<26x16x100000xf32, #tpu.memory_space<hbm>> -> memref<1x16x100000xf32, #tpu.memory_space<hbm>>
    %dma_start3A_629 = tpu.memref_squeeze %dma_start3A_628 : memref<1x16x100000xf32, #tpu.memory_space<hbm>> -> memref<16x100000xf32, #tpu.memory_space<hbm>>
    %dma_start3A_630 = arith.constant 0 : i32
    %dma_start3A_631 = tpu.memref_slice %dma_start3A_629[%select_n3A_617, %dma_start3A_630] : memref<16x100000xf32, #tpu.memory_space<hbm>> -> memref<1x100000xf32, #tpu.memory_space<hbm>>
    %dma_start3A_632 = tpu.memref_squeeze %dma_start3A_631 : memref<1x100000xf32, #tpu.memory_space<hbm>> -> memref<100000xf32, #tpu.memory_space<hbm>>
    %dma_start3A_633 = arith.constant 0 : i32
    %dma_start3A_634 = tpu.memref_slice %dma_start3A_632[%dma_start3A_633] : memref<100000xf32, #tpu.memory_space<hbm>> -> memref<100000xf32, #tpu.memory_space<hbm>>
    tpu.enqueue_indirect_dma source(%dma_start3A_634 : memref<100000xf32, #tpu.memory_space<hbm>>) target(%dma_start3A_622 : memref<2048xf32, #tpu.memory_space<vmem>>) offsets(%dma_start3A_625 : memref<2048xi32, #tpu.memory_space<vmem>>) semaphore(%arg8 : memref<!tpu.dma_semaphore, #tpu.memory_space<semaphore_mem>>)
    %add3A_635 = arith.constant 10 : i32
    %add3A_636 = arith.addi %mul3A_2, %add3A_635 : i32
    %jit3A_637 = arith.constant 16 : i32
    %div3A_638 = arith.divsi %add3A_636, %jit3A_637 : i32
    %sign3A_639 = arith.constant 0 : i32
    %sign3A_640 = arith.cmpi sgt, %add3A_636, %sign3A_639 : i32
    %sign3A_641 = arith.extui %sign3A_640 : i1 to i32
    %sign3A_642 = arith.constant 0 : i32
    %sign3A_643 = arith.cmpi slt, %add3A_636, %sign3A_642 : i32
    %sign3A_644 = arith.extui %sign3A_643 : i1 to i32
    %sign3A_645 = arith.subi %sign3A_641, %sign3A_644 : i32
    %sign3A_646 = arith.constant 0 : i32
    %sign3A_647 = arith.cmpi sgt, %jit3A_637, %sign3A_646 : i32
    %sign3A_648 = arith.extui %sign3A_647 : i1 to i32
    %sign3A_649 = arith.constant 0 : i32
    %sign3A_650 = arith.cmpi slt, %jit3A_637, %sign3A_649 : i32
    %sign3A_651 = arith.extui %sign3A_650 : i1 to i32
    %sign3A_652 = arith.subi %sign3A_648, %sign3A_651 : i32
    %ne3A_653 = arith.cmpi ne, %sign3A_645, %sign3A_652 : i32
    %rem3A_654 = arith.remsi %add3A_636, %jit3A_637 : i32
    %ne3A_655 = arith.constant 0 : i32
    %ne3A_656 = arith.cmpi ne, %rem3A_654, %ne3A_655 : i32
    %and3A_657 = arith.andi %ne3A_653, %ne3A_656 : i1
    %sub3A_658 = arith.constant 1 : i32
    %sub3A_659 = arith.subi %div3A_638, %sub3A_658 : i32
    %select_n3A_660 = arith.select %and3A_657, %sub3A_659, %div3A_638 : i32
    %jit3A_661 = arith.constant 16 : i32
    %eq3A_662 = arith.constant 0 : i32
    %eq3A_663 = arith.cmpi eq, %jit3A_661, %eq3A_662 : i32
    %jit3A_664 = arith.constant 1 : i32
    %select_n3A_665 = arith.select %eq3A_663, %jit3A_664, %jit3A_661 : i32
    %rem3A_666 = arith.remsi %add3A_636, %select_n3A_665 : i32
    %ne3A_667 = arith.constant 0 : i32
    %ne3A_668 = arith.cmpi ne, %rem3A_666, %ne3A_667 : i32
    %lt3A_669 = arith.constant 0 : i32
    %lt3A_670 = arith.cmpi slt, %rem3A_666, %lt3A_669 : i32
    %lt3A_671 = arith.constant 0 : i32
    %lt3A_672 = arith.cmpi slt, %select_n3A_665, %lt3A_671 : i32
    %ne3A_673 = arith.xori %lt3A_670, %lt3A_672 : i1
    %and3A_674 = arith.andi %ne3A_673, %ne3A_668 : i1
    %add3A_675 = arith.addi %rem3A_666, %select_n3A_665 : i32
    %select_n3A_676 = arith.select %and3A_674, %add3A_675, %rem3A_666 : i32
    %sub3A_677 = arith.subi %select_n3A_660, %select_n3A : i32
    %dma_start3A_678 = arith.constant 10 : i32
    %dma_start3A_679 = arith.constant 0 : i32
    %dma_start3A_680 = tpu.memref_slice %arg6[%dma_start3A_678, %dma_start3A_679] : memref<13x2048xf32, #tpu.memory_space<vmem>> -> memref<1x2048xf32, #tpu.memory_space<vmem>>
    %dma_start3A_681 = tpu.memref_squeeze %dma_start3A_680 : memref<1x2048xf32, #tpu.memory_space<vmem>> -> memref<2048xf32, #tpu.memory_space<vmem>>
    %dma_start3A_682 = arith.constant 0 : i32
    %dma_start3A_683 = tpu.memref_slice %arg5[%sub3A_677, %dma_start3A_682] : memref<2x2048xi32, #tpu.memory_space<vmem>> -> memref<1x2048xi32, #tpu.memory_space<vmem>>
    %dma_start3A_684 = tpu.memref_squeeze %dma_start3A_683 : memref<1x2048xi32, #tpu.memory_space<vmem>> -> memref<2048xi32, #tpu.memory_space<vmem>>
    %dma_start3A_685 = arith.constant 0 : i32
    %dma_start3A_686 = arith.constant 0 : i32
    %dma_start3A_687 = tpu.memref_slice %arg2[%select_n3A_660, %dma_start3A_685, %dma_start3A_686] : memref<26x16x100000xf32, #tpu.memory_space<hbm>> -> memref<1x16x100000xf32, #tpu.memory_space<hbm>>
    %dma_start3A_688 = tpu.memref_squeeze %dma_start3A_687 : memref<1x16x100000xf32, #tpu.memory_space<hbm>> -> memref<16x100000xf32, #tpu.memory_space<hbm>>
    %dma_start3A_689 = arith.constant 0 : i32
    %dma_start3A_690 = tpu.memref_slice %dma_start3A_688[%select_n3A_676, %dma_start3A_689] : memref<16x100000xf32, #tpu.memory_space<hbm>> -> memref<1x100000xf32, #tpu.memory_space<hbm>>
    %dma_start3A_691 = tpu.memref_squeeze %dma_start3A_690 : memref<1x100000xf32, #tpu.memory_space<hbm>> -> memref<100000xf32, #tpu.memory_space<hbm>>
    %dma_start3A_692 = arith.constant 0 : i32
    %dma_start3A_693 = tpu.memref_slice %dma_start3A_691[%dma_start3A_692] : memref<100000xf32, #tpu.memory_space<hbm>> -> memref<100000xf32, #tpu.memory_space<hbm>>
    tpu.enqueue_indirect_dma source(%dma_start3A_693 : memref<100000xf32, #tpu.memory_space<hbm>>) target(%dma_start3A_681 : memref<2048xf32, #tpu.memory_space<vmem>>) offsets(%dma_start3A_684 : memref<2048xi32, #tpu.memory_space<vmem>>) semaphore(%arg8 : memref<!tpu.dma_semaphore, #tpu.memory_space<semaphore_mem>>)
    %add3A_694 = arith.constant 11 : i32
    %add3A_695 = arith.addi %mul3A_2, %add3A_694 : i32
    %jit3A_696 = arith.constant 16 : i32
    %div3A_697 = arith.divsi %add3A_695, %jit3A_696 : i32
    %sign3A_698 = arith.constant 0 : i32
    %sign3A_699 = arith.cmpi sgt, %add3A_695, %sign3A_698 : i32
    %sign3A_700 = arith.extui %sign3A_699 : i1 to i32
    %sign3A_701 = arith.constant 0 : i32
    %sign3A_702 = arith.cmpi slt, %add3A_695, %sign3A_701 : i32
    %sign3A_703 = arith.extui %sign3A_702 : i1 to i32
    %sign3A_704 = arith.subi %sign3A_700, %sign3A_703 : i32
    %sign3A_705 = arith.constant 0 : i32
    %sign3A_706 = arith.cmpi sgt, %jit3A_696, %sign3A_705 : i32
    %sign3A_707 = arith.extui %sign3A_706 : i1 to i32
    %sign3A_708 = arith.constant 0 : i32
    %sign3A_709 = arith.cmpi slt, %jit3A_696, %sign3A_708 : i32
    %sign3A_710 = arith.extui %sign3A_709 : i1 to i32
    %sign3A_711 = arith.subi %sign3A_707, %sign3A_710 : i32
    %ne3A_712 = arith.cmpi ne, %sign3A_704, %sign3A_711 : i32
    %rem3A_713 = arith.remsi %add3A_695, %jit3A_696 : i32
    %ne3A_714 = arith.constant 0 : i32
    %ne3A_715 = arith.cmpi ne, %rem3A_713, %ne3A_714 : i32
    %and3A_716 = arith.andi %ne3A_712, %ne3A_715 : i1
    %sub3A_717 = arith.constant 1 : i32
    %sub3A_718 = arith.subi %div3A_697, %sub3A_717 : i32
    %select_n3A_719 = arith.select %and3A_716, %sub3A_718, %div3A_697 : i32
    %jit3A_720 = arith.constant 16 : i32
    %eq3A_721 = arith.constant 0 : i32
    %eq3A_722 = arith.cmpi eq, %jit3A_720, %eq3A_721 : i32
    %jit3A_723 = arith.constant 1 : i32
    %select_n3A_724 = arith.select %eq3A_722, %jit3A_723, %jit3A_720 : i32
    %rem3A_725 = arith.remsi %add3A_695, %select_n3A_724 : i32
    %ne3A_726 = arith.constant 0 : i32
    %ne3A_727 = arith.cmpi ne, %rem3A_725, %ne3A_726 : i32
    %lt3A_728 = arith.constant 0 : i32
    %lt3A_729 = arith.cmpi slt, %rem3A_725, %lt3A_728 : i32
    %lt3A_730 = arith.constant 0 : i32
    %lt3A_731 = arith.cmpi slt, %select_n3A_724, %lt3A_730 : i32
    %ne3A_732 = arith.xori %lt3A_729, %lt3A_731 : i1
    %and3A_733 = arith.andi %ne3A_732, %ne3A_727 : i1
    %add3A_734 = arith.addi %rem3A_725, %select_n3A_724 : i32
    %select_n3A_735 = arith.select %and3A_733, %add3A_734, %rem3A_725 : i32
    %sub3A_736 = arith.subi %select_n3A_719, %select_n3A : i32
    %dma_start3A_737 = arith.constant 11 : i32
    %dma_start3A_738 = arith.constant 0 : i32
    %dma_start3A_739 = tpu.memref_slice %arg6[%dma_start3A_737, %dma_start3A_738] : memref<13x2048xf32, #tpu.memory_space<vmem>> -> memref<1x2048xf32, #tpu.memory_space<vmem>>
    %dma_start3A_740 = tpu.memref_squeeze %dma_start3A_739 : memref<1x2048xf32, #tpu.memory_space<vmem>> -> memref<2048xf32, #tpu.memory_space<vmem>>
    %dma_start3A_741 = arith.constant 0 : i32
    %dma_start3A_742 = tpu.memref_slice %arg5[%sub3A_736, %dma_start3A_741] : memref<2x2048xi32, #tpu.memory_space<vmem>> -> memref<1x2048xi32, #tpu.memory_space<vmem>>
    %dma_start3A_743 = tpu.memref_squeeze %dma_start3A_742 : memref<1x2048xi32, #tpu.memory_space<vmem>> -> memref<2048xi32, #tpu.memory_space<vmem>>
    %dma_start3A_744 = arith.constant 0 : i32
    %dma_start3A_745 = arith.constant 0 : i32
    %dma_start3A_746 = tpu.memref_slice %arg2[%select_n3A_719, %dma_start3A_744, %dma_start3A_745] : memref<26x16x100000xf32, #tpu.memory_space<hbm>> -> memref<1x16x100000xf32, #tpu.memory_space<hbm>>
    %dma_start3A_747 = tpu.memref_squeeze %dma_start3A_746 : memref<1x16x100000xf32, #tpu.memory_space<hbm>> -> memref<16x100000xf32, #tpu.memory_space<hbm>>
    %dma_start3A_748 = arith.constant 0 : i32
    %dma_start3A_749 = tpu.memref_slice %dma_start3A_747[%select_n3A_735, %dma_start3A_748] : memref<16x100000xf32, #tpu.memory_space<hbm>> -> memref<1x100000xf32, #tpu.memory_space<hbm>>
    %dma_start3A_750 = tpu.memref_squeeze %dma_start3A_749 : memref<1x100000xf32, #tpu.memory_space<hbm>> -> memref<100000xf32, #tpu.memory_space<hbm>>
    %dma_start3A_751 = arith.constant 0 : i32
    %dma_start3A_752 = tpu.memref_slice %dma_start3A_750[%dma_start3A_751] : memref<100000xf32, #tpu.memory_space<hbm>> -> memref<100000xf32, #tpu.memory_space<hbm>>
    tpu.enqueue_indirect_dma source(%dma_start3A_752 : memref<100000xf32, #tpu.memory_space<hbm>>) target(%dma_start3A_740 : memref<2048xf32, #tpu.memory_space<vmem>>) offsets(%dma_start3A_743 : memref<2048xi32, #tpu.memory_space<vmem>>) semaphore(%arg8 : memref<!tpu.dma_semaphore, #tpu.memory_space<semaphore_mem>>)
    %add3A_753 = arith.constant 12 : i32
    %add3A_754 = arith.addi %mul3A_2, %add3A_753 : i32
    %jit3A_755 = arith.constant 16 : i32
    %div3A_756 = arith.divsi %add3A_754, %jit3A_755 : i32
    %sign3A_757 = arith.constant 0 : i32
    %sign3A_758 = arith.cmpi sgt, %add3A_754, %sign3A_757 : i32
    %sign3A_759 = arith.extui %sign3A_758 : i1 to i32
    %sign3A_760 = arith.constant 0 : i32
    %sign3A_761 = arith.cmpi slt, %add3A_754, %sign3A_760 : i32
    %sign3A_762 = arith.extui %sign3A_761 : i1 to i32
    %sign3A_763 = arith.subi %sign3A_759, %sign3A_762 : i32
    %sign3A_764 = arith.constant 0 : i32
    %sign3A_765 = arith.cmpi sgt, %jit3A_755, %sign3A_764 : i32
    %sign3A_766 = arith.extui %sign3A_765 : i1 to i32
    %sign3A_767 = arith.constant 0 : i32
    %sign3A_768 = arith.cmpi slt, %jit3A_755, %sign3A_767 : i32
    %sign3A_769 = arith.extui %sign3A_768 : i1 to i32
    %sign3A_770 = arith.subi %sign3A_766, %sign3A_769 : i32
    %ne3A_771 = arith.cmpi ne, %sign3A_763, %sign3A_770 : i32
    %rem3A_772 = arith.remsi %add3A_754, %jit3A_755 : i32
    %ne3A_773 = arith.constant 0 : i32
    %ne3A_774 = arith.cmpi ne, %rem3A_772, %ne3A_773 : i32
    %and3A_775 = arith.andi %ne3A_771, %ne3A_774 : i1
    %sub3A_776 = arith.constant 1 : i32
    %sub3A_777 = arith.subi %div3A_756, %sub3A_776 : i32
    %select_n3A_778 = arith.select %and3A_775, %sub3A_777, %div3A_756 : i32
    %jit3A_779 = arith.constant 16 : i32
    %eq3A_780 = arith.constant 0 : i32
    %eq3A_781 = arith.cmpi eq, %jit3A_779, %eq3A_780 : i32
    %jit3A_782 = arith.constant 1 : i32
    %select_n3A_783 = arith.select %eq3A_781, %jit3A_782, %jit3A_779 : i32
    %rem3A_784 = arith.remsi %add3A_754, %select_n3A_783 : i32
    %ne3A_785 = arith.constant 0 : i32
    %ne3A_786 = arith.cmpi ne, %rem3A_784, %ne3A_785 : i32
    %lt3A_787 = arith.constant 0 : i32
    %lt3A_788 = arith.cmpi slt, %rem3A_784, %lt3A_787 : i32
    %lt3A_789 = arith.constant 0 : i32
    %lt3A_790 = arith.cmpi slt, %select_n3A_783, %lt3A_789 : i32
    %ne3A_791 = arith.xori %lt3A_788, %lt3A_790 : i1
    %and3A_792 = arith.andi %ne3A_791, %ne3A_786 : i1
    %add3A_793 = arith.addi %rem3A_784, %select_n3A_783 : i32
    %select_n3A_794 = arith.select %and3A_792, %add3A_793, %rem3A_784 : i32
    %sub3A_795 = arith.subi %select_n3A_778, %select_n3A : i32
    %dma_start3A_796 = arith.constant 12 : i32
    %dma_start3A_797 = arith.constant 0 : i32
    %dma_start3A_798 = tpu.memref_slice %arg6[%dma_start3A_796, %dma_start3A_797] : memref<13x2048xf32, #tpu.memory_space<vmem>> -> memref<1x2048xf32, #tpu.memory_space<vmem>>
    %dma_start3A_799 = tpu.memref_squeeze %dma_start3A_798 : memref<1x2048xf32, #tpu.memory_space<vmem>> -> memref<2048xf32, #tpu.memory_space<vmem>>
    %dma_start3A_800 = arith.constant 0 : i32
    %dma_start3A_801 = tpu.memref_slice %arg5[%sub3A_795, %dma_start3A_800] : memref<2x2048xi32, #tpu.memory_space<vmem>> -> memref<1x2048xi32, #tpu.memory_space<vmem>>
    %dma_start3A_802 = tpu.memref_squeeze %dma_start3A_801 : memref<1x2048xi32, #tpu.memory_space<vmem>> -> memref<2048xi32, #tpu.memory_space<vmem>>
    %dma_start3A_803 = arith.constant 0 : i32
    %dma_start3A_804 = arith.constant 0 : i32
    %dma_start3A_805 = tpu.memref_slice %arg2[%select_n3A_778, %dma_start3A_803, %dma_start3A_804] : memref<26x16x100000xf32, #tpu.memory_space<hbm>> -> memref<1x16x100000xf32, #tpu.memory_space<hbm>>
    %dma_start3A_806 = tpu.memref_squeeze %dma_start3A_805 : memref<1x16x100000xf32, #tpu.memory_space<hbm>> -> memref<16x100000xf32, #tpu.memory_space<hbm>>
    %dma_start3A_807 = arith.constant 0 : i32
    %dma_start3A_808 = tpu.memref_slice %dma_start3A_806[%select_n3A_794, %dma_start3A_807] : memref<16x100000xf32, #tpu.memory_space<hbm>> -> memref<1x100000xf32, #tpu.memory_space<hbm>>
    %dma_start3A_809 = tpu.memref_squeeze %dma_start3A_808 : memref<1x100000xf32, #tpu.memory_space<hbm>> -> memref<100000xf32, #tpu.memory_space<hbm>>
    %dma_start3A_810 = arith.constant 0 : i32
    %dma_start3A_811 = tpu.memref_slice %dma_start3A_809[%dma_start3A_810] : memref<100000xf32, #tpu.memory_space<hbm>> -> memref<100000xf32, #tpu.memory_space<hbm>>
    tpu.enqueue_indirect_dma source(%dma_start3A_811 : memref<100000xf32, #tpu.memory_space<hbm>>) target(%dma_start3A_799 : memref<2048xf32, #tpu.memory_space<vmem>>) offsets(%dma_start3A_802 : memref<2048xi32, #tpu.memory_space<vmem>>) semaphore(%arg8 : memref<!tpu.dma_semaphore, #tpu.memory_space<semaphore_mem>>)
    %dma_wait3A = arith.constant 0 : i32
    %dma_wait3A_812 = arith.constant 0 : i32
    %dma_wait3A_813 = tpu.memref_slice %arg6[%dma_wait3A, %dma_wait3A_812] : memref<13x2048xf32, #tpu.memory_space<vmem>> -> memref<1x2048xf32, #tpu.memory_space<vmem>>
    %dma_wait3A_814 = tpu.memref_squeeze %dma_wait3A_813 : memref<1x2048xf32, #tpu.memory_space<vmem>> -> memref<2048xf32, #tpu.memory_space<vmem>>
    %dma_wait3A_815 = arith.constant 0 : i32
    %dma_wait3A_816 = tpu.memref_slice %arg5[%sub3A_88, %dma_wait3A_815] : memref<2x2048xi32, #tpu.memory_space<vmem>> -> memref<1x2048xi32, #tpu.memory_space<vmem>>
    %dma_wait3A_817 = tpu.memref_squeeze %dma_wait3A_816 : memref<1x2048xi32, #tpu.memory_space<vmem>> -> memref<2048xi32, #tpu.memory_space<vmem>>
    %dma_wait3A_818 = arith.constant 0 : i32
    %dma_wait3A_819 = arith.constant 0 : i32
    %dma_wait3A_820 = tpu.memref_slice %arg2[%select_n3A_73, %dma_wait3A_818, %dma_wait3A_819] : memref<26x16x100000xf32, #tpu.memory_space<hbm>> -> memref<1x16x100000xf32, #tpu.memory_space<hbm>>
    %dma_wait3A_821 = tpu.memref_squeeze %dma_wait3A_820 : memref<1x16x100000xf32, #tpu.memory_space<hbm>> -> memref<16x100000xf32, #tpu.memory_space<hbm>>
    %dma_wait3A_822 = arith.constant 0 : i32
    %dma_wait3A_823 = tpu.memref_slice %dma_wait3A_821[%select_n3A_87, %dma_wait3A_822] : memref<16x100000xf32, #tpu.memory_space<hbm>> -> memref<1x100000xf32, #tpu.memory_space<hbm>>
    %dma_wait3A_824 = tpu.memref_squeeze %dma_wait3A_823 : memref<1x100000xf32, #tpu.memory_space<hbm>> -> memref<100000xf32, #tpu.memory_space<hbm>>
    %dma_wait3A_825 = arith.constant 0 : i32
    %dma_wait3A_826 = tpu.memref_slice %dma_wait3A_824[%dma_wait3A_825] : memref<100000xf32, #tpu.memory_space<hbm>> -> memref<100000xf32, #tpu.memory_space<hbm>>
    tpu.wait_indirect_dma semaphore(%arg8 : memref<!tpu.dma_semaphore, #tpu.memory_space<semaphore_mem>>) src(%dma_wait3A_826 : memref<100000xf32, #tpu.memory_space<hbm>>) dst(%dma_wait3A_814 : memref<2048xf32, #tpu.memory_space<vmem>>)
    %dma_wait3A_827 = arith.constant 1 : i32
    %dma_wait3A_828 = arith.constant 0 : i32
    %dma_wait3A_829 = tpu.memref_slice %arg6[%dma_wait3A_827, %dma_wait3A_828] : memref<13x2048xf32, #tpu.memory_space<vmem>> -> memref<1x2048xf32, #tpu.memory_space<vmem>>
    %dma_wait3A_830 = tpu.memref_squeeze %dma_wait3A_829 : memref<1x2048xf32, #tpu.memory_space<vmem>> -> memref<2048xf32, #tpu.memory_space<vmem>>
    %dma_wait3A_831 = arith.constant 0 : i32
    %dma_wait3A_832 = tpu.memref_slice %arg5[%sub3A_146, %dma_wait3A_831] : memref<2x2048xi32, #tpu.memory_space<vmem>> -> memref<1x2048xi32, #tpu.memory_space<vmem>>
    %dma_wait3A_833 = tpu.memref_squeeze %dma_wait3A_832 : memref<1x2048xi32, #tpu.memory_space<vmem>> -> memref<2048xi32, #tpu.memory_space<vmem>>
    %dma_wait3A_834 = arith.constant 0 : i32
    %dma_wait3A_835 = arith.constant 0 : i32
    %dma_wait3A_836 = tpu.memref_slice %arg2[%select_n3A_129, %dma_wait3A_834, %dma_wait3A_835] : memref<26x16x100000xf32, #tpu.memory_space<hbm>> -> memref<1x16x100000xf32, #tpu.memory_space<hbm>>
    %dma_wait3A_837 = tpu.memref_squeeze %dma_wait3A_836 : memref<1x16x100000xf32, #tpu.memory_space<hbm>> -> memref<16x100000xf32, #tpu.memory_space<hbm>>
    %dma_wait3A_838 = arith.constant 0 : i32
    %dma_wait3A_839 = tpu.memref_slice %dma_wait3A_837[%select_n3A_145, %dma_wait3A_838] : memref<16x100000xf32, #tpu.memory_space<hbm>> -> memref<1x100000xf32, #tpu.memory_space<hbm>>
    %dma_wait3A_840 = tpu.memref_squeeze %dma_wait3A_839 : memref<1x100000xf32, #tpu.memory_space<hbm>> -> memref<100000xf32, #tpu.memory_space<hbm>>
    %dma_wait3A_841 = arith.constant 0 : i32
    %dma_wait3A_842 = tpu.memref_slice %dma_wait3A_840[%dma_wait3A_841] : memref<100000xf32, #tpu.memory_space<hbm>> -> memref<100000xf32, #tpu.memory_space<hbm>>
    tpu.wait_indirect_dma semaphore(%arg8 : memref<!tpu.dma_semaphore, #tpu.memory_space<semaphore_mem>>) src(%dma_wait3A_842 : memref<100000xf32, #tpu.memory_space<hbm>>) dst(%dma_wait3A_830 : memref<2048xf32, #tpu.memory_space<vmem>>)
    %dma_wait3A_843 = arith.constant 2 : i32
    %dma_wait3A_844 = arith.constant 0 : i32
    %dma_wait3A_845 = tpu.memref_slice %arg6[%dma_wait3A_843, %dma_wait3A_844] : memref<13x2048xf32, #tpu.memory_space<vmem>> -> memref<1x2048xf32, #tpu.memory_space<vmem>>
    %dma_wait3A_846 = tpu.memref_squeeze %dma_wait3A_845 : memref<1x2048xf32, #tpu.memory_space<vmem>> -> memref<2048xf32, #tpu.memory_space<vmem>>
    %dma_wait3A_847 = arith.constant 0 : i32
    %dma_wait3A_848 = tpu.memref_slice %arg5[%sub3A_205, %dma_wait3A_847] : memref<2x2048xi32, #tpu.memory_space<vmem>> -> memref<1x2048xi32, #tpu.memory_space<vmem>>
    %dma_wait3A_849 = tpu.memref_squeeze %dma_wait3A_848 : memref<1x2048xi32, #tpu.memory_space<vmem>> -> memref<2048xi32, #tpu.memory_space<vmem>>
    %dma_wait3A_850 = arith.constant 0 : i32
    %dma_wait3A_851 = arith.constant 0 : i32
    %dma_wait3A_852 = tpu.memref_slice %arg2[%select_n3A_188, %dma_wait3A_850, %dma_wait3A_851] : memref<26x16x100000xf32, #tpu.memory_space<hbm>> -> memref<1x16x100000xf32, #tpu.memory_space<hbm>>
    %dma_wait3A_853 = tpu.memref_squeeze %dma_wait3A_852 : memref<1x16x100000xf32, #tpu.memory_space<hbm>> -> memref<16x100000xf32, #tpu.memory_space<hbm>>
    %dma_wait3A_854 = arith.constant 0 : i32
    %dma_wait3A_855 = tpu.memref_slice %dma_wait3A_853[%select_n3A_204, %dma_wait3A_854] : memref<16x100000xf32, #tpu.memory_space<hbm>> -> memref<1x100000xf32, #tpu.memory_space<hbm>>
    %dma_wait3A_856 = tpu.memref_squeeze %dma_wait3A_855 : memref<1x100000xf32, #tpu.memory_space<hbm>> -> memref<100000xf32, #tpu.memory_space<hbm>>
    %dma_wait3A_857 = arith.constant 0 : i32
    %dma_wait3A_858 = tpu.memref_slice %dma_wait3A_856[%dma_wait3A_857] : memref<100000xf32, #tpu.memory_space<hbm>> -> memref<100000xf32, #tpu.memory_space<hbm>>
    tpu.wait_indirect_dma semaphore(%arg8 : memref<!tpu.dma_semaphore, #tpu.memory_space<semaphore_mem>>) src(%dma_wait3A_858 : memref<100000xf32, #tpu.memory_space<hbm>>) dst(%dma_wait3A_846 : memref<2048xf32, #tpu.memory_space<vmem>>)
    %dma_wait3A_859 = arith.constant 3 : i32
    %dma_wait3A_860 = arith.constant 0 : i32
    %dma_wait3A_861 = tpu.memref_slice %arg6[%dma_wait3A_859, %dma_wait3A_860] : memref<13x2048xf32, #tpu.memory_space<vmem>> -> memref<1x2048xf32, #tpu.memory_space<vmem>>
    %dma_wait3A_862 = tpu.memref_squeeze %dma_wait3A_861 : memref<1x2048xf32, #tpu.memory_space<vmem>> -> memref<2048xf32, #tpu.memory_space<vmem>>
    %dma_wait3A_863 = arith.constant 0 : i32
    %dma_wait3A_864 = tpu.memref_slice %arg5[%sub3A_264, %dma_wait3A_863] : memref<2x2048xi32, #tpu.memory_space<vmem>> -> memref<1x2048xi32, #tpu.memory_space<vmem>>
    %dma_wait3A_865 = tpu.memref_squeeze %dma_wait3A_864 : memref<1x2048xi32, #tpu.memory_space<vmem>> -> memref<2048xi32, #tpu.memory_space<vmem>>
    %dma_wait3A_866 = arith.constant 0 : i32
    %dma_wait3A_867 = arith.constant 0 : i32
    %dma_wait3A_868 = tpu.memref_slice %arg2[%select_n3A_247, %dma_wait3A_866, %dma_wait3A_867] : memref<26x16x100000xf32, #tpu.memory_space<hbm>> -> memref<1x16x100000xf32, #tpu.memory_space<hbm>>
    %dma_wait3A_869 = tpu.memref_squeeze %dma_wait3A_868 : memref<1x16x100000xf32, #tpu.memory_space<hbm>> -> memref<16x100000xf32, #tpu.memory_space<hbm>>
    %dma_wait3A_870 = arith.constant 0 : i32
    %dma_wait3A_871 = tpu.memref_slice %dma_wait3A_869[%select_n3A_263, %dma_wait3A_870] : memref<16x100000xf32, #tpu.memory_space<hbm>> -> memref<1x100000xf32, #tpu.memory_space<hbm>>
    %dma_wait3A_872 = tpu.memref_squeeze %dma_wait3A_871 : memref<1x100000xf32, #tpu.memory_space<hbm>> -> memref<100000xf32, #tpu.memory_space<hbm>>
    %dma_wait3A_873 = arith.constant 0 : i32
    %dma_wait3A_874 = tpu.memref_slice %dma_wait3A_872[%dma_wait3A_873] : memref<100000xf32, #tpu.memory_space<hbm>> -> memref<100000xf32, #tpu.memory_space<hbm>>
    tpu.wait_indirect_dma semaphore(%arg8 : memref<!tpu.dma_semaphore, #tpu.memory_space<semaphore_mem>>) src(%dma_wait3A_874 : memref<100000xf32, #tpu.memory_space<hbm>>) dst(%dma_wait3A_862 : memref<2048xf32, #tpu.memory_space<vmem>>)
    %dma_wait3A_875 = arith.constant 4 : i32
    %dma_wait3A_876 = arith.constant 0 : i32
    %dma_wait3A_877 = tpu.memref_slice %arg6[%dma_wait3A_875, %dma_wait3A_876] : memref<13x2048xf32, #tpu.memory_space<vmem>> -> memref<1x2048xf32, #tpu.memory_space<vmem>>
    %dma_wait3A_878 = tpu.memref_squeeze %dma_wait3A_877 : memref<1x2048xf32, #tpu.memory_space<vmem>> -> memref<2048xf32, #tpu.memory_space<vmem>>
    %dma_wait3A_879 = arith.constant 0 : i32
    %dma_wait3A_880 = tpu.memref_slice %arg5[%sub3A_323, %dma_wait3A_879] : memref<2x2048xi32, #tpu.memory_space<vmem>> -> memref<1x2048xi32, #tpu.memory_space<vmem>>
    %dma_wait3A_881 = tpu.memref_squeeze %dma_wait3A_880 : memref<1x2048xi32, #tpu.memory_space<vmem>> -> memref<2048xi32, #tpu.memory_space<vmem>>
    %dma_wait3A_882 = arith.constant 0 : i32
    %dma_wait3A_883 = arith.constant 0 : i32
    %dma_wait3A_884 = tpu.memref_slice %arg2[%select_n3A_306, %dma_wait3A_882, %dma_wait3A_883] : memref<26x16x100000xf32, #tpu.memory_space<hbm>> -> memref<1x16x100000xf32, #tpu.memory_space<hbm>>
    %dma_wait3A_885 = tpu.memref_squeeze %dma_wait3A_884 : memref<1x16x100000xf32, #tpu.memory_space<hbm>> -> memref<16x100000xf32, #tpu.memory_space<hbm>>
    %dma_wait3A_886 = arith.constant 0 : i32
    %dma_wait3A_887 = tpu.memref_slice %dma_wait3A_885[%select_n3A_322, %dma_wait3A_886] : memref<16x100000xf32, #tpu.memory_space<hbm>> -> memref<1x100000xf32, #tpu.memory_space<hbm>>
    %dma_wait3A_888 = tpu.memref_squeeze %dma_wait3A_887 : memref<1x100000xf32, #tpu.memory_space<hbm>> -> memref<100000xf32, #tpu.memory_space<hbm>>
    %dma_wait3A_889 = arith.constant 0 : i32
    %dma_wait3A_890 = tpu.memref_slice %dma_wait3A_888[%dma_wait3A_889] : memref<100000xf32, #tpu.memory_space<hbm>> -> memref<100000xf32, #tpu.memory_space<hbm>>
    tpu.wait_indirect_dma semaphore(%arg8 : memref<!tpu.dma_semaphore, #tpu.memory_space<semaphore_mem>>) src(%dma_wait3A_890 : memref<100000xf32, #tpu.memory_space<hbm>>) dst(%dma_wait3A_878 : memref<2048xf32, #tpu.memory_space<vmem>>)
    %dma_wait3A_891 = arith.constant 5 : i32
    %dma_wait3A_892 = arith.constant 0 : i32
    %dma_wait3A_893 = tpu.memref_slice %arg6[%dma_wait3A_891, %dma_wait3A_892] : memref<13x2048xf32, #tpu.memory_space<vmem>> -> memref<1x2048xf32, #tpu.memory_space<vmem>>
    %dma_wait3A_894 = tpu.memref_squeeze %dma_wait3A_893 : memref<1x2048xf32, #tpu.memory_space<vmem>> -> memref<2048xf32, #tpu.memory_space<vmem>>
    %dma_wait3A_895 = arith.constant 0 : i32
    %dma_wait3A_896 = tpu.memref_slice %arg5[%sub3A_382, %dma_wait3A_895] : memref<2x2048xi32, #tpu.memory_space<vmem>> -> memref<1x2048xi32, #tpu.memory_space<vmem>>
    %dma_wait3A_897 = tpu.memref_squeeze %dma_wait3A_896 : memref<1x2048xi32, #tpu.memory_space<vmem>> -> memref<2048xi32, #tpu.memory_space<vmem>>
    %dma_wait3A_898 = arith.constant 0 : i32
    %dma_wait3A_899 = arith.constant 0 : i32
    %dma_wait3A_900 = tpu.memref_slice %arg2[%select_n3A_365, %dma_wait3A_898, %dma_wait3A_899] : memref<26x16x100000xf32, #tpu.memory_space<hbm>> -> memref<1x16x100000xf32, #tpu.memory_space<hbm>>
    %dma_wait3A_901 = tpu.memref_squeeze %dma_wait3A_900 : memref<1x16x100000xf32, #tpu.memory_space<hbm>> -> memref<16x100000xf32, #tpu.memory_space<hbm>>
    %dma_wait3A_902 = arith.constant 0 : i32
    %dma_wait3A_903 = tpu.memref_slice %dma_wait3A_901[%select_n3A_381, %dma_wait3A_902] : memref<16x100000xf32, #tpu.memory_space<hbm>> -> memref<1x100000xf32, #tpu.memory_space<hbm>>
    %dma_wait3A_904 = tpu.memref_squeeze %dma_wait3A_903 : memref<1x100000xf32, #tpu.memory_space<hbm>> -> memref<100000xf32, #tpu.memory_space<hbm>>
    %dma_wait3A_905 = arith.constant 0 : i32
    %dma_wait3A_906 = tpu.memref_slice %dma_wait3A_904[%dma_wait3A_905] : memref<100000xf32, #tpu.memory_space<hbm>> -> memref<100000xf32, #tpu.memory_space<hbm>>
    tpu.wait_indirect_dma semaphore(%arg8 : memref<!tpu.dma_semaphore, #tpu.memory_space<semaphore_mem>>) src(%dma_wait3A_906 : memref<100000xf32, #tpu.memory_space<hbm>>) dst(%dma_wait3A_894 : memref<2048xf32, #tpu.memory_space<vmem>>)
    %dma_wait3A_907 = arith.constant 6 : i32
    %dma_wait3A_908 = arith.constant 0 : i32
    %dma_wait3A_909 = tpu.memref_slice %arg6[%dma_wait3A_907, %dma_wait3A_908] : memref<13x2048xf32, #tpu.memory_space<vmem>> -> memref<1x2048xf32, #tpu.memory_space<vmem>>
    %dma_wait3A_910 = tpu.memref_squeeze %dma_wait3A_909 : memref<1x2048xf32, #tpu.memory_space<vmem>> -> memref<2048xf32, #tpu.memory_space<vmem>>
    %dma_wait3A_911 = arith.constant 0 : i32
    %dma_wait3A_912 = tpu.memref_slice %arg5[%sub3A_441, %dma_wait3A_911] : memref<2x2048xi32, #tpu.memory_space<vmem>> -> memref<1x2048xi32, #tpu.memory_space<vmem>>
    %dma_wait3A_913 = tpu.memref_squeeze %dma_wait3A_912 : memref<1x2048xi32, #tpu.memory_space<vmem>> -> memref<2048xi32, #tpu.memory_space<vmem>>
    %dma_wait3A_914 = arith.constant 0 : i32
    %dma_wait3A_915 = arith.constant 0 : i32
    %dma_wait3A_916 = tpu.memref_slice %arg2[%select_n3A_424, %dma_wait3A_914, %dma_wait3A_915] : memref<26x16x100000xf32, #tpu.memory_space<hbm>> -> memref<1x16x100000xf32, #tpu.memory_space<hbm>>
    %dma_wait3A_917 = tpu.memref_squeeze %dma_wait3A_916 : memref<1x16x100000xf32, #tpu.memory_space<hbm>> -> memref<16x100000xf32, #tpu.memory_space<hbm>>
    %dma_wait3A_918 = arith.constant 0 : i32
    %dma_wait3A_919 = tpu.memref_slice %dma_wait3A_917[%select_n3A_440, %dma_wait3A_918] : memref<16x100000xf32, #tpu.memory_space<hbm>> -> memref<1x100000xf32, #tpu.memory_space<hbm>>
    %dma_wait3A_920 = tpu.memref_squeeze %dma_wait3A_919 : memref<1x100000xf32, #tpu.memory_space<hbm>> -> memref<100000xf32, #tpu.memory_space<hbm>>
    %dma_wait3A_921 = arith.constant 0 : i32
    %dma_wait3A_922 = tpu.memref_slice %dma_wait3A_920[%dma_wait3A_921] : memref<100000xf32, #tpu.memory_space<hbm>> -> memref<100000xf32, #tpu.memory_space<hbm>>
    tpu.wait_indirect_dma semaphore(%arg8 : memref<!tpu.dma_semaphore, #tpu.memory_space<semaphore_mem>>) src(%dma_wait3A_922 : memref<100000xf32, #tpu.memory_space<hbm>>) dst(%dma_wait3A_910 : memref<2048xf32, #tpu.memory_space<vmem>>)
    %dma_wait3A_923 = arith.constant 7 : i32
    %dma_wait3A_924 = arith.constant 0 : i32
    %dma_wait3A_925 = tpu.memref_slice %arg6[%dma_wait3A_923, %dma_wait3A_924] : memref<13x2048xf32, #tpu.memory_space<vmem>> -> memref<1x2048xf32, #tpu.memory_space<vmem>>
    %dma_wait3A_926 = tpu.memref_squeeze %dma_wait3A_925 : memref<1x2048xf32, #tpu.memory_space<vmem>> -> memref<2048xf32, #tpu.memory_space<vmem>>
    %dma_wait3A_927 = arith.constant 0 : i32
    %dma_wait3A_928 = tpu.memref_slice %arg5[%sub3A_500, %dma_wait3A_927] : memref<2x2048xi32, #tpu.memory_space<vmem>> -> memref<1x2048xi32, #tpu.memory_space<vmem>>
    %dma_wait3A_929 = tpu.memref_squeeze %dma_wait3A_928 : memref<1x2048xi32, #tpu.memory_space<vmem>> -> memref<2048xi32, #tpu.memory_space<vmem>>
    %dma_wait3A_930 = arith.constant 0 : i32
    %dma_wait3A_931 = arith.constant 0 : i32
    %dma_wait3A_932 = tpu.memref_slice %arg2[%select_n3A_483, %dma_wait3A_930, %dma_wait3A_931] : memref<26x16x100000xf32, #tpu.memory_space<hbm>> -> memref<1x16x100000xf32, #tpu.memory_space<hbm>>
    %dma_wait3A_933 = tpu.memref_squeeze %dma_wait3A_932 : memref<1x16x100000xf32, #tpu.memory_space<hbm>> -> memref<16x100000xf32, #tpu.memory_space<hbm>>
    %dma_wait3A_934 = arith.constant 0 : i32
    %dma_wait3A_935 = tpu.memref_slice %dma_wait3A_933[%select_n3A_499, %dma_wait3A_934] : memref<16x100000xf32, #tpu.memory_space<hbm>> -> memref<1x100000xf32, #tpu.memory_space<hbm>>
    %dma_wait3A_936 = tpu.memref_squeeze %dma_wait3A_935 : memref<1x100000xf32, #tpu.memory_space<hbm>> -> memref<100000xf32, #tpu.memory_space<hbm>>
    %dma_wait3A_937 = arith.constant 0 : i32
    %dma_wait3A_938 = tpu.memref_slice %dma_wait3A_936[%dma_wait3A_937] : memref<100000xf32, #tpu.memory_space<hbm>> -> memref<100000xf32, #tpu.memory_space<hbm>>
    tpu.wait_indirect_dma semaphore(%arg8 : memref<!tpu.dma_semaphore, #tpu.memory_space<semaphore_mem>>) src(%dma_wait3A_938 : memref<100000xf32, #tpu.memory_space<hbm>>) dst(%dma_wait3A_926 : memref<2048xf32, #tpu.memory_space<vmem>>)
    %dma_wait3A_939 = arith.constant 8 : i32
    %dma_wait3A_940 = arith.constant 0 : i32
    %dma_wait3A_941 = tpu.memref_slice %arg6[%dma_wait3A_939, %dma_wait3A_940] : memref<13x2048xf32, #tpu.memory_space<vmem>> -> memref<1x2048xf32, #tpu.memory_space<vmem>>
    %dma_wait3A_942 = tpu.memref_squeeze %dma_wait3A_941 : memref<1x2048xf32, #tpu.memory_space<vmem>> -> memref<2048xf32, #tpu.memory_space<vmem>>
    %dma_wait3A_943 = arith.constant 0 : i32
    %dma_wait3A_944 = tpu.memref_slice %arg5[%sub3A_559, %dma_wait3A_943] : memref<2x2048xi32, #tpu.memory_space<vmem>> -> memref<1x2048xi32, #tpu.memory_space<vmem>>
    %dma_wait3A_945 = tpu.memref_squeeze %dma_wait3A_944 : memref<1x2048xi32, #tpu.memory_space<vmem>> -> memref<2048xi32, #tpu.memory_space<vmem>>
    %dma_wait3A_946 = arith.constant 0 : i32
    %dma_wait3A_947 = arith.constant 0 : i32
    %dma_wait3A_948 = tpu.memref_slice %arg2[%select_n3A_542, %dma_wait3A_946, %dma_wait3A_947] : memref<26x16x100000xf32, #tpu.memory_space<hbm>> -> memref<1x16x100000xf32, #tpu.memory_space<hbm>>
    %dma_wait3A_949 = tpu.memref_squeeze %dma_wait3A_948 : memref<1x16x100000xf32, #tpu.memory_space<hbm>> -> memref<16x100000xf32, #tpu.memory_space<hbm>>
    %dma_wait3A_950 = arith.constant 0 : i32
    %dma_wait3A_951 = tpu.memref_slice %dma_wait3A_949[%select_n3A_558, %dma_wait3A_950] : memref<16x100000xf32, #tpu.memory_space<hbm>> -> memref<1x100000xf32, #tpu.memory_space<hbm>>
    %dma_wait3A_952 = tpu.memref_squeeze %dma_wait3A_951 : memref<1x100000xf32, #tpu.memory_space<hbm>> -> memref<100000xf32, #tpu.memory_space<hbm>>
    %dma_wait3A_953 = arith.constant 0 : i32
    %dma_wait3A_954 = tpu.memref_slice %dma_wait3A_952[%dma_wait3A_953] : memref<100000xf32, #tpu.memory_space<hbm>> -> memref<100000xf32, #tpu.memory_space<hbm>>
    tpu.wait_indirect_dma semaphore(%arg8 : memref<!tpu.dma_semaphore, #tpu.memory_space<semaphore_mem>>) src(%dma_wait3A_954 : memref<100000xf32, #tpu.memory_space<hbm>>) dst(%dma_wait3A_942 : memref<2048xf32, #tpu.memory_space<vmem>>)
    %dma_wait3A_955 = arith.constant 9 : i32
    %dma_wait3A_956 = arith.constant 0 : i32
    %dma_wait3A_957 = tpu.memref_slice %arg6[%dma_wait3A_955, %dma_wait3A_956] : memref<13x2048xf32, #tpu.memory_space<vmem>> -> memref<1x2048xf32, #tpu.memory_space<vmem>>
    %dma_wait3A_958 = tpu.memref_squeeze %dma_wait3A_957 : memref<1x2048xf32, #tpu.memory_space<vmem>> -> memref<2048xf32, #tpu.memory_space<vmem>>
    %dma_wait3A_959 = arith.constant 0 : i32
    %dma_wait3A_960 = tpu.memref_slice %arg5[%sub3A_618, %dma_wait3A_959] : memref<2x2048xi32, #tpu.memory_space<vmem>> -> memref<1x2048xi32, #tpu.memory_space<vmem>>
    %dma_wait3A_961 = tpu.memref_squeeze %dma_wait3A_960 : memref<1x2048xi32, #tpu.memory_space<vmem>> -> memref<2048xi32, #tpu.memory_space<vmem>>
    %dma_wait3A_962 = arith.constant 0 : i32
    %dma_wait3A_963 = arith.constant 0 : i32
    %dma_wait3A_964 = tpu.memref_slice %arg2[%select_n3A_601, %dma_wait3A_962, %dma_wait3A_963] : memref<26x16x100000xf32, #tpu.memory_space<hbm>> -> memref<1x16x100000xf32, #tpu.memory_space<hbm>>
    %dma_wait3A_965 = tpu.memref_squeeze %dma_wait3A_964 : memref<1x16x100000xf32, #tpu.memory_space<hbm>> -> memref<16x100000xf32, #tpu.memory_space<hbm>>
    %dma_wait3A_966 = arith.constant 0 : i32
    %dma_wait3A_967 = tpu.memref_slice %dma_wait3A_965[%select_n3A_617, %dma_wait3A_966] : memref<16x100000xf32, #tpu.memory_space<hbm>> -> memref<1x100000xf32, #tpu.memory_space<hbm>>
    %dma_wait3A_968 = tpu.memref_squeeze %dma_wait3A_967 : memref<1x100000xf32, #tpu.memory_space<hbm>> -> memref<100000xf32, #tpu.memory_space<hbm>>
    %dma_wait3A_969 = arith.constant 0 : i32
    %dma_wait3A_970 = tpu.memref_slice %dma_wait3A_968[%dma_wait3A_969] : memref<100000xf32, #tpu.memory_space<hbm>> -> memref<100000xf32, #tpu.memory_space<hbm>>
    tpu.wait_indirect_dma semaphore(%arg8 : memref<!tpu.dma_semaphore, #tpu.memory_space<semaphore_mem>>) src(%dma_wait3A_970 : memref<100000xf32, #tpu.memory_space<hbm>>) dst(%dma_wait3A_958 : memref<2048xf32, #tpu.memory_space<vmem>>)
    %dma_wait3A_971 = arith.constant 10 : i32
    %dma_wait3A_972 = arith.constant 0 : i32
    %dma_wait3A_973 = tpu.memref_slice %arg6[%dma_wait3A_971, %dma_wait3A_972] : memref<13x2048xf32, #tpu.memory_space<vmem>> -> memref<1x2048xf32, #tpu.memory_space<vmem>>
    %dma_wait3A_974 = tpu.memref_squeeze %dma_wait3A_973 : memref<1x2048xf32, #tpu.memory_space<vmem>> -> memref<2048xf32, #tpu.memory_space<vmem>>
    %dma_wait3A_975 = arith.constant 0 : i32
    %dma_wait3A_976 = tpu.memref_slice %arg5[%sub3A_677, %dma_wait3A_975] : memref<2x2048xi32, #tpu.memory_space<vmem>> -> memref<1x2048xi32, #tpu.memory_space<vmem>>
    %dma_wait3A_977 = tpu.memref_squeeze %dma_wait3A_976 : memref<1x2048xi32, #tpu.memory_space<vmem>> -> memref<2048xi32, #tpu.memory_space<vmem>>
    %dma_wait3A_978 = arith.constant 0 : i32
    %dma_wait3A_979 = arith.constant 0 : i32
    %dma_wait3A_980 = tpu.memref_slice %arg2[%select_n3A_660, %dma_wait3A_978, %dma_wait3A_979] : memref<26x16x100000xf32, #tpu.memory_space<hbm>> -> memref<1x16x100000xf32, #tpu.memory_space<hbm>>
    %dma_wait3A_981 = tpu.memref_squeeze %dma_wait3A_980 : memref<1x16x100000xf32, #tpu.memory_space<hbm>> -> memref<16x100000xf32, #tpu.memory_space<hbm>>
    %dma_wait3A_982 = arith.constant 0 : i32
    %dma_wait3A_983 = tpu.memref_slice %dma_wait3A_981[%select_n3A_676, %dma_wait3A_982] : memref<16x100000xf32, #tpu.memory_space<hbm>> -> memref<1x100000xf32, #tpu.memory_space<hbm>>
    %dma_wait3A_984 = tpu.memref_squeeze %dma_wait3A_983 : memref<1x100000xf32, #tpu.memory_space<hbm>> -> memref<100000xf32, #tpu.memory_space<hbm>>
    %dma_wait3A_985 = arith.constant 0 : i32
    %dma_wait3A_986 = tpu.memref_slice %dma_wait3A_984[%dma_wait3A_985] : memref<100000xf32, #tpu.memory_space<hbm>> -> memref<100000xf32, #tpu.memory_space<hbm>>
    tpu.wait_indirect_dma semaphore(%arg8 : memref<!tpu.dma_semaphore, #tpu.memory_space<semaphore_mem>>) src(%dma_wait3A_986 : memref<100000xf32, #tpu.memory_space<hbm>>) dst(%dma_wait3A_974 : memref<2048xf32, #tpu.memory_space<vmem>>)
    %dma_wait3A_987 = arith.constant 11 : i32
    %dma_wait3A_988 = arith.constant 0 : i32
    %dma_wait3A_989 = tpu.memref_slice %arg6[%dma_wait3A_987, %dma_wait3A_988] : memref<13x2048xf32, #tpu.memory_space<vmem>> -> memref<1x2048xf32, #tpu.memory_space<vmem>>
    %dma_wait3A_990 = tpu.memref_squeeze %dma_wait3A_989 : memref<1x2048xf32, #tpu.memory_space<vmem>> -> memref<2048xf32, #tpu.memory_space<vmem>>
    %dma_wait3A_991 = arith.constant 0 : i32
    %dma_wait3A_992 = tpu.memref_slice %arg5[%sub3A_736, %dma_wait3A_991] : memref<2x2048xi32, #tpu.memory_space<vmem>> -> memref<1x2048xi32, #tpu.memory_space<vmem>>
    %dma_wait3A_993 = tpu.memref_squeeze %dma_wait3A_992 : memref<1x2048xi32, #tpu.memory_space<vmem>> -> memref<2048xi32, #tpu.memory_space<vmem>>
    %dma_wait3A_994 = arith.constant 0 : i32
    %dma_wait3A_995 = arith.constant 0 : i32
    %dma_wait3A_996 = tpu.memref_slice %arg2[%select_n3A_719, %dma_wait3A_994, %dma_wait3A_995] : memref<26x16x100000xf32, #tpu.memory_space<hbm>> -> memref<1x16x100000xf32, #tpu.memory_space<hbm>>
    %dma_wait3A_997 = tpu.memref_squeeze %dma_wait3A_996 : memref<1x16x100000xf32, #tpu.memory_space<hbm>> -> memref<16x100000xf32, #tpu.memory_space<hbm>>
    %dma_wait3A_998 = arith.constant 0 : i32
    %dma_wait3A_999 = tpu.memref_slice %dma_wait3A_997[%select_n3A_735, %dma_wait3A_998] : memref<16x100000xf32, #tpu.memory_space<hbm>> -> memref<1x100000xf32, #tpu.memory_space<hbm>>
    %dma_wait3A_1000 = tpu.memref_squeeze %dma_wait3A_999 : memref<1x100000xf32, #tpu.memory_space<hbm>> -> memref<100000xf32, #tpu.memory_space<hbm>>
    %dma_wait3A_1001 = arith.constant 0 : i32
    %dma_wait3A_1002 = tpu.memref_slice %dma_wait3A_1000[%dma_wait3A_1001] : memref<100000xf32, #tpu.memory_space<hbm>> -> memref<100000xf32, #tpu.memory_space<hbm>>
    tpu.wait_indirect_dma semaphore(%arg8 : memref<!tpu.dma_semaphore, #tpu.memory_space<semaphore_mem>>) src(%dma_wait3A_1002 : memref<100000xf32, #tpu.memory_space<hbm>>) dst(%dma_wait3A_990 : memref<2048xf32, #tpu.memory_space<vmem>>)
    %dma_wait3A_1003 = arith.constant 12 : i32
    %dma_wait3A_1004 = arith.constant 0 : i32
    %dma_wait3A_1005 = tpu.memref_slice %arg6[%dma_wait3A_1003, %dma_wait3A_1004] : memref<13x2048xf32, #tpu.memory_space<vmem>> -> memref<1x2048xf32, #tpu.memory_space<vmem>>
    %dma_wait3A_1006 = tpu.memref_squeeze %dma_wait3A_1005 : memref<1x2048xf32, #tpu.memory_space<vmem>> -> memref<2048xf32, #tpu.memory_space<vmem>>
    %dma_wait3A_1007 = arith.constant 0 : i32
    %dma_wait3A_1008 = tpu.memref_slice %arg5[%sub3A_795, %dma_wait3A_1007] : memref<2x2048xi32, #tpu.memory_space<vmem>> -> memref<1x2048xi32, #tpu.memory_space<vmem>>
    %dma_wait3A_1009 = tpu.memref_squeeze %dma_wait3A_1008 : memref<1x2048xi32, #tpu.memory_space<vmem>> -> memref<2048xi32, #tpu.memory_space<vmem>>
    %dma_wait3A_1010 = arith.constant 0 : i32
    %dma_wait3A_1011 = arith.constant 0 : i32
    %dma_wait3A_1012 = tpu.memref_slice %arg2[%select_n3A_778, %dma_wait3A_1010, %dma_wait3A_1011] : memref<26x16x100000xf32, #tpu.memory_space<hbm>> -> memref<1x16x100000xf32, #tpu.memory_space<hbm>>
    %dma_wait3A_1013 = tpu.memref_squeeze %dma_wait3A_1012 : memref<1x16x100000xf32, #tpu.memory_space<hbm>> -> memref<16x100000xf32, #tpu.memory_space<hbm>>
    %dma_wait3A_1014 = arith.constant 0 : i32
    %dma_wait3A_1015 = tpu.memref_slice %dma_wait3A_1013[%select_n3A_794, %dma_wait3A_1014] : memref<16x100000xf32, #tpu.memory_space<hbm>> -> memref<1x100000xf32, #tpu.memory_space<hbm>>
    %dma_wait3A_1016 = tpu.memref_squeeze %dma_wait3A_1015 : memref<1x100000xf32, #tpu.memory_space<hbm>> -> memref<100000xf32, #tpu.memory_space<hbm>>
    %dma_wait3A_1017 = arith.constant 0 : i32
    %dma_wait3A_1018 = tpu.memref_slice %dma_wait3A_1016[%dma_wait3A_1017] : memref<100000xf32, #tpu.memory_space<hbm>> -> memref<100000xf32, #tpu.memory_space<hbm>>
    tpu.wait_indirect_dma semaphore(%arg8 : memref<!tpu.dma_semaphore, #tpu.memory_space<semaphore_mem>>) src(%dma_wait3A_1018 : memref<100000xf32, #tpu.memory_space<hbm>>) dst(%dma_wait3A_1006 : memref<2048xf32, #tpu.memory_space<vmem>>)
    "tpu.region"() ({
      %run_scoped3A_1019 = tpu.sem_alloc : memref<!tpu.dma_semaphore, #tpu.memory_space<semaphore_mem>>
      %dma_start3A_1020 = arith.constant 0 : i32
      %dma_start3A_1021 = tpu.memref_slice %arg4[%mul3A_2, %dma_start3A_1020] : memref<416x2048xf32, #tpu.memory_space<hbm>> -> memref<13x2048xf32, #tpu.memory_space<hbm>>
      %dma_start3A_1022 = arith.constant 0 : i32
      %dma_start3A_1023 = tpu.memref_slice %arg4[%mul3A_2, %dma_start3A_1022] : memref<416x2048xf32, #tpu.memory_space<hbm>> -> memref<13x2048xf32, #tpu.memory_space<hbm>>
      tpu.enqueue_dma source(%arg6 : memref<13x2048xf32, #tpu.memory_space<vmem>>) target(%dma_start3A_1023 : memref<13x2048xf32, #tpu.memory_space<hbm>>) target_semaphore(%run_scoped3A_1019 : memref<!tpu.dma_semaphore, #tpu.memory_space<semaphore_mem>>)
      %dma_wait3A_1024 = arith.constant 0 : i32
      %dma_wait3A_1025 = tpu.memref_slice %arg4[%mul3A_2, %dma_wait3A_1024] : memref<416x2048xf32, #tpu.memory_space<hbm>> -> memref<13x2048xf32, #tpu.memory_space<hbm>>
      %dma_wait3A_1026 = arith.constant 0 : i32
      %dma_wait3A_1027 = tpu.memref_slice %arg4[%mul3A_2, %dma_wait3A_1026] : memref<416x2048xf32, #tpu.memory_space<hbm>> -> memref<13x2048xf32, #tpu.memory_space<hbm>>
      tpu.wait_dma2 semaphore(%run_scoped3A_1019 : memref<!tpu.dma_semaphore, #tpu.memory_space<semaphore_mem>>) src(%arg6 : memref<13x2048xf32, #tpu.memory_space<vmem>>) dst(%dma_wait3A_1027 : memref<13x2048xf32, #tpu.memory_space<hbm>>)
      tpu.yield
    }) : () -> ()
    return
  }
}

module attributes {stable_mosaic.version = 14 : i64} {
  func.func @_tc_body(%arg0: i32, %arg1: memref<416x128xf32, #tpu.memory_space<vmem>>, %arg2: memref<328x26xf32, #tpu.memory_space<vmem>>, %arg3: memref<328x26xf32, #tpu.memory_space<vmem>>, %arg4: memref<1024x512xbf16, #tpu.memory_space<vmem>>, %arg5: memref<512x64xf32, #tpu.memory_space<vmem>>, %arg6: memref<64x1024xf32, #tpu.memory_space<vmem>>, %arg7: memref<1024x64xf32, #tpu.memory_space<vmem>>, %arg8: memref<1x512xf32, #tpu.memory_space<vmem>>, %arg9: memref<1x1xf32, #tpu.memory_space<vmem>>, %arg10: memref<1x2x64xf32, #tpu.memory_space<vmem>>) attributes {dimension_semantics = [#tpu.dimension_semantics<arbitrary>], iteration_bounds = array<i64: 16>, scalar_prefetch = 0 : i64, scratch_operands = 0 : i64, tpu.core_type = #tpu.core_type<tc>, window_params = [{transform_indices = @transform_0, window_bounds = array<i64: 416, 128>}, {pipeline_mode = #tpu.pipeline_mode<synchronous>, transform_indices = @transform_1, window_bounds = array<i64: 328, 26>}, {pipeline_mode = #tpu.pipeline_mode<synchronous>, transform_indices = @transform_2, window_bounds = array<i64: 328, 26>}, {pipeline_mode = #tpu.pipeline_mode<synchronous>, transform_indices = @transform_3, window_bounds = array<i64: 1024, 512>}, {pipeline_mode = #tpu.pipeline_mode<synchronous>, transform_indices = @transform_4, window_bounds = array<i64: 512, 64>}, {pipeline_mode = #tpu.pipeline_mode<synchronous>, transform_indices = @transform_5, window_bounds = array<i64: 64, 1024>}, {pipeline_mode = #tpu.pipeline_mode<synchronous>, transform_indices = @transform_6, window_bounds = array<i64: 1024, 64>}, {pipeline_mode = #tpu.pipeline_mode<synchronous>, transform_indices = @transform_7, window_bounds = array<i64: 1, 512>}, {pipeline_mode = #tpu.pipeline_mode<synchronous>, transform_indices = @transform_8, window_bounds = array<i64: 1, 1>}, {transform_indices = @transform_9, window_bounds = array<i64: 1, 2, 64>}]} {
    %get3A = arith.constant 0 : index
    %get3A_0 = arith.constant 0 : index
    %get3A_1 = vector.load %arg1[%get3A, %get3A_0] : memref<416x128xf32, #tpu.memory_space<vmem>>, vector<416x128xf32>
    %slice3A = vector.extract_strided_slice %get3A_1 {offsets = [0, 0], sizes = [416, 64], strides = [1, 1]} : vector<416x128xf32> to vector<416x64xf32>
    %reshape3A = vector.shape_cast %slice3A : vector<416x64xf32> to vector<26x16x64xf32>
    %transpose3A = tpu.transpose %reshape3A, [0, 2, 1] : vector<26x16x64xf32> -> vector<26x64x16xf32>
    %reshape3A_2 = vector.shape_cast %transpose3A : vector<26x64x16xf32> to vector<26x1024xf32>
    %get3A_3 = arith.constant 0 : index
    %get3A_4 = arith.constant 0 : index
    %get3A_5 = vector.load %arg2[%get3A_3, %get3A_4] : memref<328x26xf32, #tpu.memory_space<vmem>>, vector<328x26xf32>
    %dot_general3A = arith.constant dense<0.000000e+00> : vector<328x1024xf32>
    %dot_general3A_6 = tpu.matmul %get3A_5, %reshape3A_2, %dot_general3A {dimension_numbers = #tpu.dot_dimension_numbers<[1], [0], [0], [1], [0, 0, 1, 1], [], []>, transpose_lhs_hint = false} : vector<328x26xf32>, vector<26x1024xf32>, vector<328x1024xf32> -> vector<328x1024xf32>
    %get3A_7 = arith.constant 0 : index
    %get3A_8 = arith.constant 0 : index
    %get3A_9 = vector.load %arg3[%get3A_7, %get3A_8] : memref<328x26xf32, #tpu.memory_space<vmem>>, vector<328x26xf32>
    %dot_general3A_10 = arith.constant dense<0.000000e+00> : vector<328x1024xf32>
    %dot_general3A_11 = tpu.matmul %get3A_9, %reshape3A_2, %dot_general3A_10 {dimension_numbers = #tpu.dot_dimension_numbers<[1], [0], [0], [1], [0, 0, 1, 1], [], []>, transpose_lhs_hint = false} : vector<328x26xf32>, vector<26x1024xf32>, vector<328x1024xf32> -> vector<328x1024xf32>
    %mul3A = arith.mulf %dot_general3A_6, %dot_general3A_11 : vector<328x1024xf32>
    %convert_element_type3A = arith.truncf %mul3A : vector<328x1024xf32> to vector<328x1024xbf16>
    %get3A_12 = arith.constant 0 : index
    %get3A_13 = arith.constant 0 : index
    %get3A_14 = vector.load %arg4[%get3A_12, %get3A_13] : memref<1024x512xbf16, #tpu.memory_space<vmem>>, vector<1024x512xbf16>
    %dot_general3A_15 = arith.constant dense<0.000000e+00> : vector<328x512xf32>
    %dot_general3A_16 = tpu.matmul %convert_element_type3A, %get3A_14, %dot_general3A_15 {dimension_numbers = #tpu.dot_dimension_numbers<[1], [0], [0], [1], [0, 0, 1, 1], [], []>, transpose_lhs_hint = false} : vector<328x1024xbf16>, vector<1024x512xbf16>, vector<328x512xf32> -> vector<328x512xf32>
    %get3A_17 = arith.constant 0 : index
    %get3A_18 = arith.constant 0 : index
    %get3A_19 = vector.load %arg8[%get3A_17, %get3A_18] : memref<1x512xf32, #tpu.memory_space<vmem>>, vector<1x512xf32>
    %add3A = vector.broadcast %get3A_19 : vector<1x512xf32> to vector<328x512xf32>
    %add3A_20 = arith.addf %dot_general3A_16, %add3A : vector<328x512xf32>
    %max3A = arith.constant 0.000000e+00 : f32
    %max3A_21 = vector.broadcast %max3A : f32 to vector<328x512xf32>
    %max3A_22 = arith.maximumf %add3A_20, %max3A_21 : vector<328x512xf32>
    %get3A_23 = arith.constant 0 : index
    %get3A_24 = arith.constant 0 : index
    %get3A_25 = vector.load %arg5[%get3A_23, %get3A_24] : memref<512x64xf32, #tpu.memory_space<vmem>>, vector<512x64xf32>
    %dot_general3A_26 = arith.constant dense<0.000000e+00> : vector<328x64xf32>
    %dot_general3A_27 = tpu.matmul %max3A_22, %get3A_25, %dot_general3A_26 {dimension_numbers = #tpu.dot_dimension_numbers<[1], [0], [0], [1], [0, 0, 1, 1], [], []>, transpose_lhs_hint = false} : vector<328x512xf32>, vector<512x64xf32>, vector<328x64xf32> -> vector<328x64xf32>
    %iota3A = tpu.iota {dimensions = array<i32: 0>} : vector<328x64xi32>
    %lt3A = arith.constant 325 : i32
    %lt3A_28 = vector.broadcast %lt3A : i32 to vector<328x64xi32>
    %lt3A_29 = arith.cmpi slt, %iota3A, %lt3A_28 : vector<328x64xi32>
    %jit3A = arith.constant -1.000000e+30 : f32
    %broadcast_in_dim3A = vector.broadcast %jit3A : f32 to vector<328x64xf32>
    %select_n3A = arith.select %lt3A_29, %dot_general3A_27, %broadcast_in_dim3A : vector<328x64xi1>, vector<328x64xf32>
    %reduce_max3A = arith.constant dense<0xFF800000> : vector<64xf32>
    %reduce_max3A_30 = vector.multi_reduction <maximumf>, %select_n3A, %reduce_max3A [0] : vector<328x64xf32> to vector<64xf32>
    %broadcast_in_dim3A_31 = vector.shape_cast %reduce_max3A_30 : vector<64xf32> to vector<1x64xf32>
    %sub3A = vector.broadcast %broadcast_in_dim3A_31 : vector<1x64xf32> to vector<328x64xf32>
    %sub3A_32 = arith.subf %select_n3A, %sub3A : vector<328x64xf32>
    %exp3A = math.exp %sub3A_32 : vector<328x64xf32>
    %reduce_sum3A = arith.constant dense<0.000000e+00> : vector<64xf32>
    %reduce_sum3A_33 = vector.multi_reduction <add>, %exp3A, %reduce_sum3A [0] : vector<328x64xf32> to vector<64xf32>
    %broadcast_in_dim3A_34 = vector.shape_cast %reduce_sum3A_33 : vector<64xf32> to vector<1x64xf32>
    %div3A = vector.broadcast %broadcast_in_dim3A_34 : vector<1x64xf32> to vector<328x64xf32>
    %div3A_35 = arith.divf %exp3A, %div3A : vector<328x64xf32>
    %get3A_36 = arith.constant 0 : index
    %get3A_37 = arith.constant 0 : index
    %get3A_38 = vector.load %arg6[%get3A_36, %get3A_37] : memref<64x1024xf32, #tpu.memory_space<vmem>>, vector<64x1024xf32>
    %dot_general3A_39 = arith.constant dense<0.000000e+00> : vector<328x1024xf32>
    %dot_general3A_40 = tpu.matmul %div3A_35, %get3A_38, %dot_general3A_39 {dimension_numbers = #tpu.dot_dimension_numbers<[1], [0], [0], [1], [0, 0, 1, 1], [], []>, transpose_lhs_hint = false} : vector<328x64xf32>, vector<64x1024xf32>, vector<328x1024xf32> -> vector<328x1024xf32>
    %mul3A_41 = arith.mulf %mul3A, %dot_general3A_40 : vector<328x1024xf32>
    %reduce_sum3A_42 = arith.constant dense<0.000000e+00> : vector<1024xf32>
    %reduce_sum3A_43 = vector.multi_reduction <add>, %mul3A_41, %reduce_sum3A_42 [0] : vector<328x1024xf32> to vector<1024xf32>
    %broadcast_in_dim3A_44 = vector.shape_cast %reduce_sum3A_43 : vector<1024xf32> to vector<1x1024xf32>
    %get3A_45 = arith.constant 0 : index
    %get3A_46 = arith.constant 0 : index
    %get3A_47 = vector.load %arg7[%get3A_45, %get3A_46] : memref<1024x64xf32, #tpu.memory_space<vmem>>, vector<1024x64xf32>
    %dot_general3A_48 = arith.constant dense<0.000000e+00> : vector<1x64xf32>
    %dot_general3A_49 = tpu.matmul %broadcast_in_dim3A_44, %get3A_47, %dot_general3A_48 {dimension_numbers = #tpu.dot_dimension_numbers<[1], [0], [0], [1], [0, 0, 1, 1], [], []>, transpose_lhs_hint = false} : vector<1x1024xf32>, vector<1024x64xf32>, vector<1x64xf32> -> vector<1x64xf32>
    %get3A_50 = arith.constant 0 : index
    %get3A_51 = arith.constant 0 : index
    %get3A_52 = vector.load %arg9[%get3A_50, %get3A_51] : memref<1x1xf32, #tpu.memory_space<vmem>>, vector<1x1xf32>
    %add3A_53 = vector.broadcast %get3A_52 : vector<1x1xf32> to vector<1x64xf32>
    %add3A_54 = arith.addf %dot_general3A_49, %add3A_53 : vector<1x64xf32>
    %neg3A = arith.constant 0.000000e+00 : f32
    %neg3A_55 = vector.broadcast %neg3A : f32 to vector<1x64xf32>
    %neg3A_56 = arith.subf %neg3A_55, %add3A_54 : vector<1x64xf32>
    %exp3A_57 = math.exp %neg3A_56 : vector<1x64xf32>
    %add3A_58 = arith.constant 1.000000e+00 : f32
    %add3A_59 = vector.broadcast %add3A_58 : f32 to vector<1x64xf32>
    %add3A_60 = arith.addf %add3A_59, %exp3A_57 : vector<1x64xf32>
    %div3A_61 = arith.constant 1.000000e+00 : f32
    %div3A_62 = vector.broadcast %div3A_61 : f32 to vector<1x64xf32>
    %div3A_63 = arith.divf %div3A_62, %add3A_60 : vector<1x64xf32>
    %squeeze3A = vector.shape_cast %div3A_63 : vector<1x64xf32> to vector<64xf32>
    %swap3A = arith.constant 0 : index
    %swap3A_64 = arith.constant 0 : index
    %swap3A_65 = arith.constant 0 : index
    %swap3A_66 = vector.load %arg10[%swap3A, %swap3A_64, %swap3A_65] : memref<1x2x64xf32, #tpu.memory_space<vmem>>, vector<1x1x64xf32>
    %swap3A_67 = vector.shape_cast %swap3A_66 : vector<1x1x64xf32> to vector<64xf32>
    %swap3A_68 = vector.shape_cast %squeeze3A : vector<64xf32> to vector<1x1x64xf32>
    tpu.vector_store %arg10[%swap3A, %swap3A_64, %swap3A_65], %swap3A_68 {strides = array<i32>} : memref<1x2x64xf32, #tpu.memory_space<vmem>>, vector<1x1x64xf32>,
    %slice3A_69 = vector.extract_strided_slice %get3A_1 {offsets = [0, 64], sizes = [416, 64], strides = [1, 1]} : vector<416x128xf32> to vector<416x64xf32>
    %reshape3A_70 = vector.shape_cast %slice3A_69 : vector<416x64xf32> to vector<26x16x64xf32>
    %transpose3A_71 = tpu.transpose %reshape3A_70, [0, 2, 1] : vector<26x16x64xf32> -> vector<26x64x16xf32>
    %reshape3A_72 = vector.shape_cast %transpose3A_71 : vector<26x64x16xf32> to vector<26x1024xf32>
    %get3A_73 = arith.constant 0 : index
    %get3A_74 = arith.constant 0 : index
    %get3A_75 = vector.load %arg2[%get3A_73, %get3A_74] : memref<328x26xf32, #tpu.memory_space<vmem>>, vector<328x26xf32>
    %dot_general3A_76 = arith.constant dense<0.000000e+00> : vector<328x1024xf32>
    %dot_general3A_77 = tpu.matmul %get3A_75, %reshape3A_72, %dot_general3A_76 {dimension_numbers = #tpu.dot_dimension_numbers<[1], [0], [0], [1], [0, 0, 1, 1], [], []>, transpose_lhs_hint = false} : vector<328x26xf32>, vector<26x1024xf32>, vector<328x1024xf32> -> vector<328x1024xf32>
    %get3A_78 = arith.constant 0 : index
    %get3A_79 = arith.constant 0 : index
    %get3A_80 = vector.load %arg3[%get3A_78, %get3A_79] : memref<328x26xf32, #tpu.memory_space<vmem>>, vector<328x26xf32>
    %dot_general3A_81 = arith.constant dense<0.000000e+00> : vector<328x1024xf32>
    %dot_general3A_82 = tpu.matmul %get3A_80, %reshape3A_72, %dot_general3A_81 {dimension_numbers = #tpu.dot_dimension_numbers<[1], [0], [0], [1], [0, 0, 1, 1], [], []>, transpose_lhs_hint = false} : vector<328x26xf32>, vector<26x1024xf32>, vector<328x1024xf32> -> vector<328x1024xf32>
    %mul3A_83 = arith.mulf %dot_general3A_77, %dot_general3A_82 : vector<328x1024xf32>
    %convert_element_type3A_84 = arith.truncf %mul3A_83 : vector<328x1024xf32> to vector<328x1024xbf16>
    %get3A_85 = arith.constant 0 : index
    %get3A_86 = arith.constant 0 : index
    %get3A_87 = vector.load %arg4[%get3A_85, %get3A_86] : memref<1024x512xbf16, #tpu.memory_space<vmem>>, vector<1024x512xbf16>
    %dot_general3A_88 = arith.constant dense<0.000000e+00> : vector<328x512xf32>
    %dot_general3A_89 = tpu.matmul %convert_element_type3A_84, %get3A_87, %dot_general3A_88 {dimension_numbers = #tpu.dot_dimension_numbers<[1], [0], [0], [1], [0, 0, 1, 1], [], []>, transpose_lhs_hint = false} : vector<328x1024xbf16>, vector<1024x512xbf16>, vector<328x512xf32> -> vector<328x512xf32>
    %get3A_90 = arith.constant 0 : index
    %get3A_91 = arith.constant 0 : index
    %get3A_92 = vector.load %arg8[%get3A_90, %get3A_91] : memref<1x512xf32, #tpu.memory_space<vmem>>, vector<1x512xf32>
    %add3A_93 = vector.broadcast %get3A_92 : vector<1x512xf32> to vector<328x512xf32>
    %add3A_94 = arith.addf %dot_general3A_89, %add3A_93 : vector<328x512xf32>
    %max3A_95 = arith.constant 0.000000e+00 : f32
    %max3A_96 = vector.broadcast %max3A_95 : f32 to vector<328x512xf32>
    %max3A_97 = arith.maximumf %add3A_94, %max3A_96 : vector<328x512xf32>
    %get3A_98 = arith.constant 0 : index
    %get3A_99 = arith.constant 0 : index
    %get3A_100 = vector.load %arg5[%get3A_98, %get3A_99] : memref<512x64xf32, #tpu.memory_space<vmem>>, vector<512x64xf32>
    %dot_general3A_101 = arith.constant dense<0.000000e+00> : vector<328x64xf32>
    %dot_general3A_102 = tpu.matmul %max3A_97, %get3A_100, %dot_general3A_101 {dimension_numbers = #tpu.dot_dimension_numbers<[1], [0], [0], [1], [0, 0, 1, 1], [], []>, transpose_lhs_hint = false} : vector<328x512xf32>, vector<512x64xf32>, vector<328x64xf32> -> vector<328x64xf32>
    %iota3A_103 = tpu.iota {dimensions = array<i32: 0>} : vector<328x64xi32>
    %lt3A_104 = arith.constant 325 : i32
    %lt3A_105 = vector.broadcast %lt3A_104 : i32 to vector<328x64xi32>
    %lt3A_106 = arith.cmpi slt, %iota3A_103, %lt3A_105 : vector<328x64xi32>
    %jit3A_107 = arith.constant -1.000000e+30 : f32
    %broadcast_in_dim3A_108 = vector.broadcast %jit3A_107 : f32 to vector<328x64xf32>
    %select_n3A_109 = arith.select %lt3A_106, %dot_general3A_102, %broadcast_in_dim3A_108 : vector<328x64xi1>, vector<328x64xf32>
    %reduce_max3A_110 = arith.constant dense<0xFF800000> : vector<64xf32>
    %reduce_max3A_111 = vector.multi_reduction <maximumf>, %select_n3A_109, %reduce_max3A_110 [0] : vector<328x64xf32> to vector<64xf32>
    %broadcast_in_dim3A_112 = vector.shape_cast %reduce_max3A_111 : vector<64xf32> to vector<1x64xf32>
    %sub3A_113 = vector.broadcast %broadcast_in_dim3A_112 : vector<1x64xf32> to vector<328x64xf32>
    %sub3A_114 = arith.subf %select_n3A_109, %sub3A_113 : vector<328x64xf32>
    %exp3A_115 = math.exp %sub3A_114 : vector<328x64xf32>
    %reduce_sum3A_116 = arith.constant dense<0.000000e+00> : vector<64xf32>
    %reduce_sum3A_117 = vector.multi_reduction <add>, %exp3A_115, %reduce_sum3A_116 [0] : vector<328x64xf32> to vector<64xf32>
    %broadcast_in_dim3A_118 = vector.shape_cast %reduce_sum3A_117 : vector<64xf32> to vector<1x64xf32>
    %div3A_119 = vector.broadcast %broadcast_in_dim3A_118 : vector<1x64xf32> to vector<328x64xf32>
    %div3A_120 = arith.divf %exp3A_115, %div3A_119 : vector<328x64xf32>
    %get3A_121 = arith.constant 0 : index
    %get3A_122 = arith.constant 0 : index
    %get3A_123 = vector.load %arg6[%get3A_121, %get3A_122] : memref<64x1024xf32, #tpu.memory_space<vmem>>, vector<64x1024xf32>
    %dot_general3A_124 = arith.constant dense<0.000000e+00> : vector<328x1024xf32>
    %dot_general3A_125 = tpu.matmul %div3A_120, %get3A_123, %dot_general3A_124 {dimension_numbers = #tpu.dot_dimension_numbers<[1], [0], [0], [1], [0, 0, 1, 1], [], []>, transpose_lhs_hint = false} : vector<328x64xf32>, vector<64x1024xf32>, vector<328x1024xf32> -> vector<328x1024xf32>
    %mul3A_126 = arith.mulf %mul3A_83, %dot_general3A_125 : vector<328x1024xf32>
    %reduce_sum3A_127 = arith.constant dense<0.000000e+00> : vector<1024xf32>
    %reduce_sum3A_128 = vector.multi_reduction <add>, %mul3A_126, %reduce_sum3A_127 [0] : vector<328x1024xf32> to vector<1024xf32>
    %broadcast_in_dim3A_129 = vector.shape_cast %reduce_sum3A_128 : vector<1024xf32> to vector<1x1024xf32>
    %get3A_130 = arith.constant 0 : index
    %get3A_131 = arith.constant 0 : index
    %get3A_132 = vector.load %arg7[%get3A_130, %get3A_131] : memref<1024x64xf32, #tpu.memory_space<vmem>>, vector<1024x64xf32>
    %dot_general3A_133 = arith.constant dense<0.000000e+00> : vector<1x64xf32>
    %dot_general3A_134 = tpu.matmul %broadcast_in_dim3A_129, %get3A_132, %dot_general3A_133 {dimension_numbers = #tpu.dot_dimension_numbers<[1], [0], [0], [1], [0, 0, 1, 1], [], []>, transpose_lhs_hint = false} : vector<1x1024xf32>, vector<1024x64xf32>, vector<1x64xf32> -> vector<1x64xf32>
    %get3A_135 = arith.constant 0 : index
    %get3A_136 = arith.constant 0 : index
    %get3A_137 = vector.load %arg9[%get3A_135, %get3A_136] : memref<1x1xf32, #tpu.memory_space<vmem>>, vector<1x1xf32>
    %add3A_138 = vector.broadcast %get3A_137 : vector<1x1xf32> to vector<1x64xf32>
    %add3A_139 = arith.addf %dot_general3A_134, %add3A_138 : vector<1x64xf32>
    %neg3A_140 = arith.constant 0.000000e+00 : f32
    %neg3A_141 = vector.broadcast %neg3A_140 : f32 to vector<1x64xf32>
    %neg3A_142 = arith.subf %neg3A_141, %add3A_139 : vector<1x64xf32>
    %exp3A_143 = math.exp %neg3A_142 : vector<1x64xf32>
    %add3A_144 = arith.constant 1.000000e+00 : f32
    %add3A_145 = vector.broadcast %add3A_144 : f32 to vector<1x64xf32>
    %add3A_146 = arith.addf %add3A_145, %exp3A_143 : vector<1x64xf32>
    %div3A_147 = arith.constant 1.000000e+00 : f32
    %div3A_148 = vector.broadcast %div3A_147 : f32 to vector<1x64xf32>
    %div3A_149 = arith.divf %div3A_148, %add3A_146 : vector<1x64xf32>
    %squeeze3A_150 = vector.shape_cast %div3A_149 : vector<1x64xf32> to vector<64xf32>
    %swap3A_151 = arith.constant 0 : index
    %swap3A_152 = arith.constant 1 : index
    %swap3A_153 = arith.constant 0 : index
    %swap3A_154 = vector.load %arg10[%swap3A_151, %swap3A_152, %swap3A_153] : memref<1x2x64xf32, #tpu.memory_space<vmem>>, vector<1x1x64xf32>
    %swap3A_155 = vector.shape_cast %swap3A_154 : vector<1x1x64xf32> to vector<64xf32>
    %swap3A_156 = vector.shape_cast %squeeze3A_150 : vector<64xf32> to vector<1x1x64xf32>
    tpu.vector_store %arg10[%swap3A_151, %swap3A_152, %swap3A_153], %swap3A_156 {strides = array<i32>} : memref<1x2x64xf32, #tpu.memory_space<vmem>>, vector<1x1x64xf32>,
    return
  }
  func.func @transform_0(%arg0: i32) -> (i32, i32) {
    %c0_i32 = arith.constant 0 : i32
    %c0_i32_0 = arith.constant 0 : i32
    return %c0_i32, %arg0 : i32, i32
  }
  func.func @transform_1(%arg0: i32) -> (i32, i32) {
    %c0_i32 = arith.constant 0 : i32
    %c0_i32_0 = arith.constant 0 : i32
    %c0_i32_1 = arith.constant 0 : i32
    return %c0_i32, %c0_i32_0 : i32, i32
  }
  func.func @transform_2(%arg0: i32) -> (i32, i32) {
    %c0_i32 = arith.constant 0 : i32
    %c0_i32_0 = arith.constant 0 : i32
    %c0_i32_1 = arith.constant 0 : i32
    return %c0_i32, %c0_i32_0 : i32, i32
  }
  func.func @transform_3(%arg0: i32) -> (i32, i32) {
    %c0_i32 = arith.constant 0 : i32
    %c0_i32_0 = arith.constant 0 : i32
    %c0_i32_1 = arith.constant 0 : i32
    return %c0_i32, %c0_i32_0 : i32, i32
  }
  func.func @transform_4(%arg0: i32) -> (i32, i32) {
    %c0_i32 = arith.constant 0 : i32
    %c0_i32_0 = arith.constant 0 : i32
    %c0_i32_1 = arith.constant 0 : i32
    return %c0_i32, %c0_i32_0 : i32, i32
  }
  func.func @transform_5(%arg0: i32) -> (i32, i32) {
    %c0_i32 = arith.constant 0 : i32
    %c0_i32_0 = arith.constant 0 : i32
    %c0_i32_1 = arith.constant 0 : i32
    return %c0_i32, %c0_i32_0 : i32, i32
  }
  func.func @transform_6(%arg0: i32) -> (i32, i32) {
    %c0_i32 = arith.constant 0 : i32
    %c0_i32_0 = arith.constant 0 : i32
    %c0_i32_1 = arith.constant 0 : i32
    return %c0_i32, %c0_i32_0 : i32, i32
  }
  func.func @transform_7(%arg0: i32) -> (i32, i32) {
    %c0_i32 = arith.constant 0 : i32
    %c0_i32_0 = arith.constant 0 : i32
    %c0_i32_1 = arith.constant 0 : i32
    return %c0_i32, %c0_i32_0 : i32, i32
  }
  func.func @transform_8(%arg0: i32) -> (i32, i32) {
    %c0_i32 = arith.constant 0 : i32
    %c0_i32_0 = arith.constant 0 : i32
    %c0_i32_1 = arith.constant 0 : i32
    return %c0_i32, %c0_i32_0 : i32, i32
  }
  func.func @transform_9(%arg0: i32) -> (i32, i32, i32) {
    %c0_i32 = arith.constant 0 : i32
    %c0_i32_0 = arith.constant 0 : i32
    %c0_i32_1 = arith.constant 0 : i32
    return %arg0, %c0_i32, %c0_i32_0 : i32, i32, i32
  }
}

</mosaic_0001>

<sc_bundles>
// kernel: kernel.6.cloned.1.call-start
scs
__scs_entry_jumppad:
0x0: {  	(pc) =	sbr.rel $0x88, $3  }
0x1: {  	(tag) =	ssettag $0x0;
	lr =	simm.s32 $0x1  }
0x2: {  	[smem:$0x3F9A] =	sst lr;
	_ =	strace $0xD0000000  }
0x3: {  	_ = 	snop  }
0x4: {  	_ = 	snop  }
0x5: {  	_ = 	snop  }
0x6: {  	_ = 	snop  }
0x7: {  	_ = 	snop  }
__scs_overlays_trampoline_lowered:
0x8: {  	[smem:$0x3FA9] =	sst s0  }
0x9: {  	[smem:$0x3FAA] =	sst s1  }
0xa: {  	[smem:$0x3FAB] =	sst s2  }
0xb: {  	[smem:$0x3FAC] =	sst s3  }
0xc: {  	[smem:$0x3FAD] =	sst s4  }
0xd: {  	[smem:$0x3FAE] =	sst s5  }
0xe: {  	[smem:$0x3FAF] =	sst s6  }
0xf: {  	[smem:$0x3FB0] =	sst s7  }
0x10: {  	[smem:$0x3FB1] =	sst s8  }
0x11: {  	[smem:$0x3FB2] =	sst s9;
	s0 =	simm.s32 @!p0 $0x0  }
0x12: {  	s1 =	sld [smem:$0x3F98];
	s0 =	simm.s32 @p0 $0x1  }
0x13: {  	[smem:$0x3FB3] =	sst s0;
	s0 =	simm.s32 @!p1 $0x0  }
0x14: {  	s2 =	sld [smem:$0x3F97];
	s0 =	simm.s32 @p1 $0x1  }
0x15: {  	[smem:$0x3FB4] =	sst s0;
	s0 =	simm.s32 @!p2 $0x0  }
0x16: {  	s3 =	sld [smem:$0x3FDB];
	s0 =	simm.s32 @p2 $0x1  }
0x17: {  	s4 =	simm.s32 $0x1BF5;
	[smem:$0x3FB6] =	sst s0  }
0x18: {  	s0 =	sld [smem:$0x3F99];
	_ =	swait.ge [sflag:s4], $0x0  }
0x19: {  	s7 =	sld [smem:$0x3F9A]  }
0x1a: {  	s8 =	sadd.s32 $0xFFFFE003, lr  }
0x1b: {  	s9 =	sadd.s32 $0xFFFFFEF7, lr;
	s5 =	simm.s32 $0xFFFFFFFF;
	p2 =	slt.u32 s8, $0xFFFFF086  }
0x1c: {  	p1 =	slt.u32 s9, $0xF7A;
	s5 =	simm.s32 @!p2 $0x0  }
0x1d: {  	s5 =	simm.s32 @p1 $0x1;
	p0 =	seq.s32 s7, s2  }
0x1e: {  	s7 =	smul.u32 @!p0 $0xF7A, s2;
	p2 =	seq.s32 @!p0 s5, $0x0  }
0x1f: {  	s9 =	smul.u32 $0xF7A, s1;
	s8 =	simm.s32 @!p0 $0x1BF5;
	p2 =	por !p2, p0  }
0x20: {  	[sflag:s8] =	ssyncset.s32 @!p0 $0xFFFFF086;
	s6 =	sadd.s32 @!p0 s3, s7;
	s7 =	simm.s32 @!p0 $0x108  }
0x21: {  	s3 =	sadd.s32 s3, s9;
	s6 =	sadd.s32 @!p0 $0x88, s6;
	s7 =	simm.s32 @p2 $0x1082  }
0x22: {  	[simem:s7], [sflag:s8] =	dma.local @!p0 [hbm:s6], $0xF7A  }
0x23: {  	s9 =	sor.u32 $0xD0000000, s2;
	s6 =	simm.s32 $0x108;
	_ =	swait.ge @!p0 [sflag:s8], $0x0  }
0x24: {  	s3 =	sadd.s32 $0x88, s3;
	s6 =	simm.s32 @!p1 $0x1082;
	[sflag:s4] =	ssyncset.s32 $0xFFFFF086  }
0x25: {  	[simem:s6], [sflag:s4] =	dma.local [hbm:s3], $0xF7A  }
0x26: {  	[smem:$0x3F9A] =	sst s1;
	(tag) =	ssettag s2;
	_ =	strace s9  }
0x27: {  	s1 =	sld [smem:$0x3FAA]  }
0x28: {  	s2 =	sld [smem:$0x3FAB]  }
0x29: {  	s4 =	sld [smem:$0x3FAD]  }
0x2a: {  	p0 =	seq.s32 s5, $0x0;
	s5 =	sld [smem:$0x3FAE]  }
0x2b: {  	s6 =	sld [smem:$0x3FAF]  }
0x2c: {  	s7 =	sld [smem:$0x3FB0]  }
0x2d: {  	s3 =	simm.s32 $0x108;
	s8 =	sld [smem:$0x3FB1]  }
0x2e: {  	s3 =	simm.s32 @!p0 $0x1082;
	s9 =	sld [smem:$0x3FB2]  }
0x2f: {  	lr =	sadd.s32 s0, s3;
	s0 =	sld [smem:$0x3FA9]  }
0x30: {  	s3 =	sld [smem:$0x3FAC]  }
0x31: {  	[smem:$0x3FB5] =	sst s10  }
0x32: {  	s10 =	sld [smem:$0x3FB3];
	_ =	sdelay $0x3  }
0x33: {  	p0 =	seq.s32 s10, $0x1;
	s10 =	sld [smem:$0x3FB5];
	_ =	sdelay $0x3  }
0x34: {  	[smem:$0x3FB5] =	sst s10  }
0x35: {  	s10 =	sld [smem:$0x3FB4];
	_ =	sdelay $0x3  }
0x36: {  	p1 =	seq.s32 s10, $0x1;
	s10 =	sld [smem:$0x3FB5];
	_ =	sdelay $0x3  }
0x37: {  	[smem:$0x3FB5] =	sst s10  }
0x38: {  	s10 =	sld [smem:$0x3FB6]  }
0x39: {  	_ = 	snop;
	(pc) =	sbr.ind lr, $3  }
0x3a: {  	_ = 	snop  }
0x3b: {  	_ = 	snop  }
0x3c: {  	p2 =	seq.s32 s10, $0x1;
	s10 =	sld [smem:$0x3FB5]  }
0x3d: {  	_ =	shalt  }
0x3e: {  	_ =	shalt  }
0x3f: {  	_ =	shalt  }
0x40: {  	_ =	shalt  }
0x41: {  	_ =	shalt  }
0x42: {  	_ =	shalt  }
0x43: {  	_ =	shalt  }
0x44: {  	_ =	shalt  }
0x45: {  	_ =	shalt  }
0x46: {  	_ =	shalt  }
0x47: {  	_ =	shalt  }
0x48: {  	_ =	shalt  }
0x49: {  	_ =	shalt  }
0x4a: {  	_ =	shalt  }
0x4b: {  	_ =	shalt  }
0x4c: {  	_ =	shalt  }
0x4d: {  	_ =	shalt  }
0x4e: {  	_ =	shalt  }
0x4f: {  	_ =	shalt  }
0x50: {  	_ =	shalt  }
0x51: {  	_ =	shalt  }
0x52: {  	_ =	shalt  }
0x53: {  	_ =	shalt  }
0x54: {  	_ =	shalt  }
0x55: {  	_ =	shalt  }
0x56: {  	_ =	shalt  }
0x57: {  	_ =	shalt  }
0x58: {  	_ =	shalt  }
0x59: {  	_ =	shalt  }
0x5a: {  	_ =	shalt  }
0x5b: {  	_ =	shalt  }
0x5c: {  	_ =	shalt  }
0x5d: {  	_ =	shalt  }
0x5e: {  	_ =	shalt  }
0x5f: {  	_ =	shalt  }
0x60: {  	_ =	shalt  }
0x61: {  	_ =	shalt  }
0x62: {  	_ =	shalt  }
0x63: {  	_ =	shalt  }
0x64: {  	_ =	shalt  }
0x65: {  	_ =	shalt  }
0x66: {  	_ =	shalt  }
0x67: {  	_ =	shalt  }
0x68: {  	_ =	shalt  }
0x69: {  	_ =	shalt  }
0x6a: {  	_ =	shalt  }
0x6b: {  	_ =	shalt  }
0x6c: {  	_ =	shalt  }
0x6d: {  	_ =	shalt  }
0x6e: {  	_ =	shalt  }
0x6f: {  	_ =	shalt  }
0x70: {  	_ =	shalt  }
0x71: {  	_ =	shalt  }
0x72: {  	_ =	shalt  }
0x73: {  	_ =	shalt  }
0x74: {  	_ =	shalt  }
0x75: {  	_ =	shalt  }
0x76: {  	_ =	shalt  }
0x77: {  	_ =	shalt  }
0x78: {  	_ =	shalt  }
0x79: {  	_ =	shalt  }
0x7a: {  	_ =	shalt  }
0x7b: {  	_ =	shalt  }
0x7c: {  	_ =	shalt  }
0x7d: {  	_ =	shalt  }
0x7e: {  	_ =	shalt  }
0x7f: {  	_ =	shalt  }
0x80: {  	_ =	shalt  }
0x81: {  	_ =	shalt  }
0x82: {  	_ =	shalt  }
0x83: {  	_ =	shalt  }
0x84: {  	_ =	shalt  }
0x85: {  	_ =	shalt  }
0x86: {  	_ =	shalt  }
0x87: {  	_ =	shalt  }
.Lfunc_end0:
.L_simem_size_0:
called_computation_lowered:
.L_overlay_start_0:
0x88: {  	s2 =	sld [smem:$0x3FD9]  }
0x89: {  	s3 =	sld [smem:$0x3FFE];
	_ =	sdelay $0x1  }
0x8a: {  	s1 =	srdreg.scid  }
0x8b: {  	s0 =	sand.u32 $0x1, s1  }
0x8c: {  	s17 =	sshll.u32 s0, $0xA;
	s2 =	sadd.s32 s3, s2  }
0x8d: {  	s2 =	sadd.s32 s2, s17  }
0x8e: {  	[smem:$0x3FC1] =	sst s2  }
0x8f: {  	_ = 	snop  }
0x90: {  	(tm) =	ssettm $0x1  }
0x91: {  	s18 =	sld [smem:$0x3FFB];
	_ =	sdelay $0x3  }
0x92: {  	_ =	strace s18  }
0x93: {  	s2 =	sld [smem:$0x3FFC];
	_ =	sdelay $0x3  }
0x94: {  	_ =	strace s2  }
0x95: {  	s2 =	sld [smem:$0x3FFD];
	_ =	sdelay $0x3  }
0x96: {  	_ =	strace s2  }
0x97: {  	_ =	strace $0x8FFFFFFF  }
0x98: {  	s19 =	sld [smem:$0x3FDB];
	_ =	sdelay $0x1  }
0x99: {  	s20 =	simm.s32 $_scs_section_size  }
0x9a: {  	s4 =	simm.s32 $_size__tile_overlayer_lowered;
	s5 =	simm.s32 $_tile_overlayer_lowered  }
0x9b: {  	s6 =	simm.s32 $0x1BFF;
	s21 =	sshll.u32 s5, $0x1;
	s3 =	sadd.s32 s20, s19  }
0x9c: {  	s22 =	simm.s32 $0x0;
	s4 =	sshll.u32 s4, $0x1;
	s5 =	sadd.s32 s21, s3  }
0x9d: {  	[timem:s22], [sflag:s6] =	dma.local [hbm:s5], s4  }
0x9e: {  	_ =	swait.ge [sflag:s6], s4  }
0x9f: {  	s4 =	ssub.s32 $0x0, s4;
	[sflag:s6] =	ssyncset.done $0x0  }
0xa0: {  	[sflag:s6] =	ssyncadd.s32 s4;
	_ =	sdelay $0x1  }
0xa1: {  	s23 =	simm.s32 $0x1B8B  }
0xa2: {  	_ =	swait.ge [sflag:s23], $0x1  }
0xa3: {  	[sflag:s23] =	ssyncset.done $0x0  }
0xa4: {  	[sflag:s23] =	ssyncadd.s32 $0xFFFFFFFF  }
0xa5: {  	s4 =	sld [smem:$0x0]  }
0xa6: {  	s5 =	sand.u32 $0xFFFFFFFE, s1  }
0xa7: {  	p0 =	sne.s32 s1, s5  }
0xa8: {  	s5 =	sshll.u32 @p0 s5, $0xE  }
0xa9: {  	s5 =	sadd.s32 @p0 $0x11B8D, s5;
	s6 =	sshll.u32 @p0 s4, $0x11  }
0xaa: {  	s5 =	sor.u32 @p0 s6, s5  }
0xab: {  	[sflag:s5] =	ssyncadd.remote.s32 @p0 $0x1;
	_ =	sdelay $0x1  }
0xac: {  	s5 =	simm.s32 @p0 $0x1B8D  }
0xad: {  	_ =	swait.eq @p0 [sflag:s5], $0x1  }
0xae: {  	[sflag:s5] =	ssyncadd.s32 @p0 $0xFFFFFFFF  }
0xaf: {  	s6 =	sshll.u32 @!p0 s1, $0xE  }
0xb0: {  	s6 =	sor.u32 @!p0 $0x4000, s6;
	s5 =	simm.s32 @!p0 $0x1B8D  }
0xb1: {  	s4 =	sshll.u32 @!p0 s4, $0x11;
	s6 =	sadd.s32 @!p0 $0x11B8D, s6;
	_ =	swait.eq @!p0 [sflag:s5], $0x1  }
0xb2: {  	s4 =	sor.u32 @!p0 s4, s6;
	[sflag:s5] =	ssyncadd.s32 @!p0 $0xFFFFFFFF  }
0xb3: {  	s25 =	simm.s32 $0x1B8E;
	s24 =	sld [smem:$0x3FFE];
	[sflag:s4] =	ssyncadd.remote.s32 @!p0 $0x1  }
0xb4: {  	s26 =	simm.s32 $execute0_lowered;
	[smem:$0x3FD2] =	sst s25  }
0xb5: {  	s5 =	sshll.u32 s26, $0x1;
	_ =	strace $0x80000049;
	[dreg:$0x1] =	wrdreg $0xFFFFFFFF  }
0xb6: {  	s28 =	simm.s32 $_size_execute0_lowered;
	s3 =	sadd.s32 s3, s5;
	[dreg:$0x0] =	wrdreg $0x0  }
0xb7: {  	s5 =	sshll.u32 s28, $0x1;
	[dreg:$0x2] =	wrdreg s3  }
0xb8: {  	[dreg:$0x3] =	wrdreg s5  }
0xb9: {  	[dreg:$0x4] =	wrdreg $0xC0  }
0xba: {  	_ =	task [dreg:s22], $0x5FFFF  }
0xbb: {  	[dreg:$0x1] =	wrdreg $0xFFFFFFFF  }
0xbc: {  	[dreg:$0x0] =	wrdreg $0x60  }
0xbd: {  	[dreg:$0x2] =	wrdreg s24  }
0xbe: {  	[dreg:$0x3] =	wrdreg $0x9  }
0xbf: {  	_ =	task.clear_ibuf [dreg:s22], $0x4FFFF;
	_ =	strace $0x90000049  }
0xc0: {  	s29 =	simm.s32 $0x9;
	_ =	strace $0x8000004B  }
0xc1: {  	_ =	swait.ge [sflag:s29], $0x1  }
0xc2: {  	[sflag:s29] =	ssyncadd.s32 $0xFFFFFFFF  }
0xc3: {  	_ =	strace $0x9000004B  }
0xc4: {  	_ =	sfence  }
0xc5: {  	s30 =	sld [smem:$0x0];
	_ =	sdelay $0x2  }
0xc6: {  	s31 =	sshll.u32 s1, $0xD;
	s1 =	sshrl.u32 s1, $0x2  }
0xc7: {  	s4 =	sand.u32 $0x4000, s31;
	s1 =	sadd.s32 s1, s30  }
0xc8: {  	s0 =	sor.u32 s4, s0;
	s1 =	sshll.u32 s1, $0x11  }
0xc9: {  	s0 =	sor.u32 s1, s0  }
0xca: {  	s0 =	sadd.s32 $0x8F2B, s0  }
0xcb: {  	[sflag:s0] =	ssyncadd.remote.s32 $0x1  }
0xcc: {  	_ =	sfence.sel $0xFFFF  }
0xcd: {  	[dreg:$0x0] =	wrdreg $0xFFFFFFFF;
	(pc) =	sbr.abs _section_cstart, $3  }
0xce: {  	[dreg:$0x1] =	wrdreg $0xFFFFFFFF  }
0xcf: {  	_ =	task.clear_ibuf [dreg:s22], $0x2FFFF;
	_ =	strace $0x9FFFFFFF  }
0xd0: {  	(tm) =	ssettm $0x7FFFFFFF  }
0xd1: {  	_ =	shalt  }
tec
execute0_lowered:
.L_overlay_start_1:
0x0: {  	(tag) =	ssettag $0x1  }
0x1: {  	s0 =	srdreg.scid;
	s1 =	stileid.u32  }
0x2: {  	s3 =	rddreg [dreg:$0x0];
	s4 =	sand.u32 $0x1, s0;
	s23 =	sshll.u32 s1, $0x1  }
0x3: {  	s2 =	simm.s32 $0x0;
	p0 =	por $0x0, $0x0;
	s0 =	sor.u32 s4, s23  }
0x4: {  	[smem:$0x7FF] =	sst s2;
	s6 =	sadd.s32 $0x1800, s3;
	s9 =	smul.u32 $0xD, s0  }
0x5: {  	_ =	strace $0x8000004A;
	s4 =	ssub.s32 $0x2, s4;
	s0 =	smul.u32 $0xD00, s0  }
0x6: {  	s5 =	sshrl.u32 s9, $0x4;
	s7 =	sshll.u32 s9, $0x4;
	s3 =	sadd.s32 $0xC, s9  }
0x7: {  	s12 =	sadd.s32 $0x1, s9;
	s19 =	sadd.s32 $0x2, s9;
	s21 =	sadd.s32 $0x3, s9  }
0x8: {  	s15 =	sadd.s32 $0x4, s9;
	s16 =	sadd.s32 $0x5, s9;
	s7 =	sand.u32 $0x1F00, s7  }
0x9: {  	s8 =	sshll.u32 s3, $0x4;
	s13 =	sshrl.u32 s12, $0x4;
	s12 =	sand.u32 $0xF, s12  }
0xa: {  	s22 =	sshrl.u32 s21, $0x4;
	s21 =	sand.u32 $0xF, s21;
	s12 =	smul.u32 $0x30D4, s12  }
0xb: {  	s24 =	sand.u32 $0x3F00, s8;
	s8 =	ssub.s32 s22, s5;
	s22 =	smul.u32 $0x30D40, s22  }
0xc: {  	s20 =	sshrl.u32 s19, $0x4;
	s23 =	sshrl.u32 s15, $0x4;
	s21 =	smul.u32 $0x30D4, s21  }
0xd: {  	s15 =	sand.u32 $0xF, s15;
	s11 =	ssub.s32 s23, s5;
	s23 =	smul.u32 $0x30D40, s23  }
0xe: {  	s7 =	sadd.s32 s6, s7;
	s25 =	ssub.s32 s13, s5;
	s15 =	smul.u32 $0x30D4, s15  }
0xf: {  	[dreg:$0x2] =	wrdreg s7;
	s6 =	sadd.s32 s6, s24;
	s26 =	sshll.u32 s25, $0xD  }
0x10: {  	s7 =	ssub.s32 s20, s5;
	s10 =	sshll.u32 s8, $0xD;
	s24 =	sshrl.u32 s16, $0x4  }
0x11: {  	s8 =	sadd.s32 $0x6, s9;
	s16 =	sand.u32 $0xF, s16;
	[dreg:$0x3] =	wrdreg s6  }
0x12: {  	s1 =	sshra.s32 s26, $0x2;
	s17 =	ssub.s32 s24, s5;
	s24 =	smul.u32 $0x30D40, s24  }
0x13: {  	s6 =	sshll.u32 s7, $0xD;
	s7 =	sshll.u32 s11, $0xD;
	s16 =	smul.u32 $0x30D4, s16  }
0x14: {  	[dreg:$0x4] =	wrdreg s1;
	s6 =	sshra.s32 s6, $0x2;
	s14 =	sshra.s32 s7, $0x2  }
0x15: {  	s18 =	sshll.u32 s17, $0xD;
	s17 =	sshrl.u32 s8, $0x4;
	[dreg:$0x5] =	wrdreg s6  }
0x16: {  	s8 =	sand.u32 $0xF, s8;
	s6 =	sshra.s32 s10, $0x2;
	[dreg:$0x7] =	wrdreg s14  }
0x17: {  	s7 =	sshra.s32 s18, $0x2;
	[dreg:$0x6] =	wrdreg s6;
	s6 =	sadd.s32 $0x7, s9  }
0x18: {  	s10 =	ssub.s32 s17, s5;
	s14 =	sand.u32 $0xF, s9;
	s18 =	sshrl.u32 s6, $0x4  }
0x19: {  	[dreg:$0x8] =	wrdreg s7;
	s25 =	sshll.u32 s10, $0xD;
	s26 =	ssub.s32 s18, s5  }
0x1a: {  	s7 =	sadd.s32 $0x8, s9;
	s14 =	smul.u32 $0x30D4, s14;
	s10 =	sshll.u32 s26, $0xD  }
0x1b: {  	s11 =	sshra.s32 s25, $0x2;
	s25 =	sshrl.u32 s7, $0x4;
	s10 =	sshra.s32 s10, $0x2  }
0x1c: {  	s1 =	ssub.s32 s25, s5;
	[dreg:$0xa] =	wrdreg s10;
	s10 =	sadd.s32 $0x9, s9  }
0x1d: {  	[dreg:$0x9] =	wrdreg s11;
	s11 =	sshll.u32 s1, $0xD;
	s26 =	sshrl.u32 s10, $0x4  }
0x1e: {  	[dreg:$0x12] =	wrdreg s14;
	s11 =	sshra.s32 s11, $0x2;
	s28 =	ssub.s32 s26, s5  }
0x1f: {  	s6 =	sand.u32 $0xF, s6;
	[dreg:$0xb] =	wrdreg s11;
	s11 =	sshll.u32 s28, $0xD  }
0x20: {  	s14 =	sshrl.u32 s4, $0x1;
	s25 =	smul.u32 $0x30D40, s25;
	s1 =	sshra.s32 s11, $0x2  }
0x21: {  	s10 =	sand.u32 $0xF, s10;
	[dreg:$0xc] =	wrdreg s1;
	s1 =	sadd.s32 $0xA, s9  }
0x22: {  	s11 =	sand.u32 $0xF, s19;
	s19 =	smul.u32 $0x30D40, s20;
	s20 =	sshrl.u32 s1, $0x4  }
0x23: {  	s26 =	smul.u32 $0x30D40, s26;
	s9 =	sadd.s32 $0xB, s9;
	s29 =	ssub.s32 s20, s5  }
0x24: {  	s28 =	smul.u32 $0x30D40, s13;
	s30 =	sshrl.u32 s9, $0x4;
	s29 =	sshll.u32 s29, $0xD  }
0x25: {  	s13 =	smul.u32 $0x30D4, s11;
	s31 =	ssub.s32 s30, s5;
	s29 =	sshra.s32 s29, $0x2  }
0x26: {  	s20 =	smul.u32 $0x30D40, s20;
	[dreg:$0xd] =	wrdreg s29;
	s29 =	sshll.u32 s31, $0xD  }
0x27: {  	s11 =	smov.u32 s3;
	s31 =	smul.u32 $0x30D40, s5;
	s29 =	sshra.s32 s29, $0x2  }
0x28: {  	[dreg:$0xe] =	wrdreg s29;
	s29 =	sshrl.u32 s3, $0x4;
	s3 =	ssub.s32 s4, s14  }
0x29: {  	s14 =	smul.u32 $0x30D40, s17;
	s17 =	rddreg [dreg:$0x0];
	s5 =	ssub.s32 s29, s5  }
0x2a: {  	s4 =	simm.s32 $0x1000;
	s0 =	sadd.s32 s0, s17;
	s5 =	sshll.u32 s5, $0xD  }
0x2b: {  	s29 =	smul.u32 $0x30D40, s29;
	s0 =	sadd.s32 $0x514C00, s0;
	s5 =	sshra.s32 s5, $0x2  }
0x2c: {  	[dreg:$0x10] =	wrdreg s0;
	s0 =	smax.u32 s3, $0x1;
	s3 =	simm.s32 $0x2  }
0x2d: {  	[dreg:$0xf] =	wrdreg s5;
	s5 =	sadd.s32 $0x5200, s17;
	s17 =	smul.u32 $0x30D40, s18  }
0x2e: {  	s18 =	sadd.s32 s5, s31;
	s28 =	sadd.s32 s5, s28;
	s19 =	sadd.s32 s5, s19  }
0x2f: {  	s22 =	sadd.s32 s5, s22;
	s23 =	sadd.s32 s5, s23;
	s24 =	sadd.s32 s5, s24  }
0x30: {  	s31 =	sadd.s32 s5, s14;
	s14 =	smul.u32 $0x30D40, s30;
	s25 =	sadd.s32 s5, s25  }
0x31: {  	s26 =	sadd.s32 s5, s26;
	s20 =	sadd.s32 s5, s20;
	s17 =	sadd.s32 s5, s17  }
0x32: {  	s30 =	sadd.s32 s5, s14;
	s5 =	sadd.s32 s5, s29;
	s29 =	smul.u32 $0x30D4, s8  }
0x33: {  	s8 =	sand.u32 $0xF, s7;
	[dreg:$0x14] =	wrdreg s5;
	s5 =	smul.u32 $0x30D4, s6  }
0x34: {  	p1 =	sne.s32 s0, $0x1;
	s14 =	smul.u32 $0x30D4, s8;
	s6 =	rddreg [dreg:$0x12]  }
0x35: {  	s8 =	sand.u32 $0xF, s1;
	s7 =	sadd.s32 s6, s18;
	s18 =	smul.u32 $0x30D4, s10  }
0x36: {  	s1 =	smul.u32 $0x30D4, s8;
	s10 =	sand.u32 $0xF, s9;
	s8 =	sadd.s32 s13, s19  }
0x37: {  	s9 =	sadd.s32 s21, s22;
	s6 =	simm.s32 $0x800;
	s21 =	simm.s32 $0x1800  }
0x38: {  	s22 =	simm.s32 $0x2000;
	[dreg:$0x11] =	wrdreg s7;
	s7 =	sadd.s32 s12, s28  }
0x39: {  	s12 =	sand.u32 $0xF, s11;
	s28 =	smul.u32 $0x30D4, s10;
	s10 =	sadd.s32 s15, s23  }
0x3a: {  	s11 =	sadd.s32 s16, s24;
	s13 =	sadd.s32 s5, s17;
	s14 =	sadd.s32 s14, s25  }
0x3b: {  	s23 =	simm.s32 $0x2800;
	s24 =	simm.s32 $0x3000;
	s25 =	simm.s32 $0x3800  }
0x3c: {  	s5 =	simm.s32 $0x1;
	s19 =	smul.u32 $0x30D4, s12;
	s12 =	sadd.s32 s29, s31  }
.Ltmp0:
0x3d: {  	s15 =	sadd.s32 s18, s26;
	s16 =	sadd.s32 s1, s20;
	(pc) =	sbr.rel @!p1 .LBB2_3-.Ltmp0, $4  }
0x3e: {  	s26 =	simm.s32 $0x4000;
	s20 =	rddreg [dreg:$0x14];
	s1 =	sadd.s32 $0xFFFFFFFF, s0  }
0x3f: {  	s31 =	simm.s32 $0x5000;
	s29 =	simm.s32 $0x6000;
	s0 =	rddreg [dreg:$0x2]  }
0x40: {  	s17 =	sadd.s32 s28, s30;
	s28 =	simm.s32 $0x4800;
	s30 =	simm.s32 $0x5800  }
0x41: {  	s18 =	sadd.s32 s19, s20;
	s19 =	simm.s32 $0x6800;
	s20 =	simm.s32 $0x7000  }
0x42: {  	[tilespmem:s2], [sflag:$0x2] =	stream.linear.gather [hbm4b:s0+s2], $0x800, $0x38;
	[tilespmem:$0x7800] =	vst v63  }
0x43: {  	_ =	swait.ge [sflag:s3], $0x800  }
0x44: {  	[sflag:s3] =	ssyncset.done $0x0  }
0x45: {  	s0 =	rddreg [dreg:$0x3];
	[sflag:s3] =	ssyncadd.s32 $0xFFFFF800  }
0x46: {  	[tilespmem:s6], [sflag:$0x2] =	stream.linear.gather [hbm4b:s0+s2], $0x800, $0x38;
	[tilespmem:$0x7800] =	vst v63  }
0x47: {  	_ =	swait.ge [sflag:s3], $0x800  }
0x48: {  	[dreg:$0x13] =	wrdreg s1;
	[sflag:s3] =	ssyncset.done $0x0  }
0x49: {  	s0 =	rddreg [dreg:$0x11];
	[sflag:s3] =	ssyncadd.s32 $0xFFFFF800  }
0x4a: {  	[tilespmem:s4], [sflag:$0x1] =	stream.indirect.gather [hbm4b:s0+s6], $0x1, s2, s6, $0xb8;
	[tilespmem:$0x7800] =	vst v63  }
0x4b: {  	s1 =	rddreg [dreg:$0x4]  }
0x4c: {  	[tilespmem:s21], [sflag:$0x1] =	stream.indirect.gather [hbm4b:s7+s6], $0x1, s1, s6, $0xb8;
	[tilespmem:$0x7800] =	vst v63  }
0x4d: {  	s0 =	rddreg [dreg:$0x5]  }
0x4e: {  	[tilespmem:s22], [sflag:$0x1] =	stream.indirect.gather [hbm4b:s8+s6], $0x1, s0, s6, $0xb8;
	[tilespmem:$0x7800] =	vst v63  }
0x4f: {  	s1 =	rddreg [dreg:$0x6]  }
0x50: {  	[tilespmem:s23], [sflag:$0x1] =	stream.indirect.gather [hbm4b:s9+s6], $0x1, s1, s6, $0xb8;
	[tilespmem:$0x7800] =	vst v63  }
0x51: {  	s0 =	rddreg [dreg:$0x7]  }
0x52: {  	[tilespmem:s24], [sflag:$0x1] =	stream.indirect.gather [hbm4b:s10+s6], $0x1, s0, s6, $0xb8;
	[tilespmem:$0x7800] =	vst v63  }
0x53: {  	s1 =	rddreg [dreg:$0x8]  }
0x54: {  	[tilespmem:s25], [sflag:$0x1] =	stream.indirect.gather [hbm4b:s11+s6], $0x1, s1, s6, $0xb8;
	[tilespmem:$0x7800] =	vst v63  }
0x55: {  	s0 =	rddreg [dreg:$0x9]  }
0x56: {  	[tilespmem:s26], [sflag:$0x1] =	stream.indirect.gather [hbm4b:s12+s6], $0x1, s0, s6, $0xb8;
	[tilespmem:$0x7800] =	vst v63  }
0x57: {  	s1 =	rddreg [dreg:$0xa]  }
0x58: {  	[tilespmem:s28], [sflag:$0x1] =	stream.indirect.gather [hbm4b:s13+s6], $0x1, s1, s6, $0xb8;
	[tilespmem:$0x7800] =	vst v63  }
0x59: {  	s0 =	rddreg [dreg:$0xb]  }
0x5a: {  	[tilespmem:s31], [sflag:$0x1] =	stream.indirect.gather [hbm4b:s14+s6], $0x1, s0, s6, $0xb8;
	[tilespmem:$0x7800] =	vst v63  }
0x5b: {  	s1 =	rddreg [dreg:$0xc]  }
0x5c: {  	[tilespmem:s30], [sflag:$0x1] =	stream.indirect.gather [hbm4b:s15+s6], $0x1, s1, s6, $0xb8;
	[tilespmem:$0x7800] =	vst v63  }
0x5d: {  	s0 =	rddreg [dreg:$0xd]  }
0x5e: {  	[tilespmem:s29], [sflag:$0x1] =	stream.indirect.gather [hbm4b:s16+s6], $0x1, s0, s6, $0xb8;
	[tilespmem:$0x7800] =	vst v63  }
0x5f: {  	s1 =	rddreg [dreg:$0xe]  }
0x60: {  	[tilespmem:s19], [sflag:$0x1] =	stream.indirect.gather [hbm4b:s17+s6], $0x1, s1, s6, $0xb8;
	[tilespmem:$0x7800] =	vst v63  }
0x61: {  	s0 =	rddreg [dreg:$0xf]  }
0x62: {  	[tilespmem:s20], [sflag:$0x1] =	stream.indirect.gather [hbm4b:s18+s6], $0x1, s0, s6, $0xb8;
	[tilespmem:$0x7800] =	vst v63  }
0x63: {  	_ =	swait.ge [sflag:s5], $0x800  }
0x64: {  	[sflag:s5] =	ssyncset.done $0x0  }
0x65: {  	[sflag:s5] =	ssyncadd.s32 $0xFFFFF800  }
0x66: {  	_ =	swait.ge [sflag:s5], $0x800  }
0x67: {  	[sflag:s5] =	ssyncset.done $0x0  }
0x68: {  	[sflag:s5] =	ssyncadd.s32 $0xFFFFF800  }
0x69: {  	_ =	swait.ge [sflag:s5], $0x800  }
0x6a: {  	[sflag:s5] =	ssyncset.done $0x0  }
0x6b: {  	[sflag:s5] =	ssyncadd.s32 $0xFFFFF800  }
0x6c: {  	_ =	swait.ge [sflag:s5], $0x800  }
0x6d: {  	[sflag:s5] =	ssyncset.done $0x0  }
0x6e: {  	[sflag:s5] =	ssyncadd.s32 $0xFFFFF800  }
0x6f: {  	_ =	swait.ge [sflag:s5], $0x800  }
0x70: {  	[sflag:s5] =	ssyncset.done $0x0  }
0x71: {  	[sflag:s5] =	ssyncadd.s32 $0xFFFFF800  }
0x72: {  	_ =	swait.ge [sflag:s5], $0x800  }
0x73: {  	[sflag:s5] =	ssyncset.done $0x0  }
0x74: {  	[sflag:s5] =	ssyncadd.s32 $0xFFFFF800  }
0x75: {  	_ =	swait.ge [sflag:s5], $0x800  }
0x76: {  	[sflag:s5] =	ssyncset.done $0x0  }
0x77: {  	[sflag:s5] =	ssyncadd.s32 $0xFFFFF800  }
0x78: {  	_ =	swait.ge [sflag:s5], $0x800  }
0x79: {  	[sflag:s5] =	ssyncset.done $0x0  }
0x7a: {  	[sflag:s5] =	ssyncadd.s32 $0xFFFFF800  }
0x7b: {  	_ =	swait.ge [sflag:s5], $0x800  }
0x7c: {  	[sflag:s5] =	ssyncset.done $0x0  }
0x7d: {  	[sflag:s5] =	ssyncadd.s32 $0xFFFFF800  }
0x7e: {  	_ =	swait.ge [sflag:s5], $0x800  }
0x7f: {  	[sflag:s5] =	ssyncset.done $0x0  }
0x80: {  	[sflag:s5] =	ssyncadd.s32 $0xFFFFF800  }
0x81: {  	_ =	swait.ge [sflag:s5], $0x800  }
0x82: {  	[sflag:s5] =	ssyncset.done $0x0  }
0x83: {  	[sflag:s5] =	ssyncadd.s32 $0xFFFFF800  }
0x84: {  	_ =	swait.ge [sflag:s5], $0x800  }
0x85: {  	[sflag:s5] =	ssyncset.done $0x0  }
0x86: {  	[sflag:s5] =	ssyncadd.s32 $0xFFFFF800  }
0x87: {  	_ =	swait.ge [sflag:s5], $0x800  }
0x88: {  	[sflag:s5] =	ssyncset.done $0x0  }
0x89: {  	s1 =	rddreg [dreg:$0x10];
	[sflag:s5] =	ssyncadd.s32 $0xFFFFF800  }
0x8a: {  	[hbm4b:s1+s2] =	stream.linear.scatter [tilespmem:s4], [sflag:$0x2], $0x6800, $0x38;
	[tilespmem:$0x7800] =	vst v63  }
0x8b: {  	s1 =	rddreg [dreg:$0x13]  }
0x8c: {  	p1 =	sne.s32 s1, $0x1  }
.Ltmp1:
0x8d: {  	_ = 	snop;
	(pc) =	sbr.rel @!p1 .LBB2_3-.Ltmp1, $3  }
0x8e: {  	_ =	sdelay $0x1  }
0x8f: {  	p0 =	por $0x1, $0x1;
	_ =	swait.ge [sflag:s3], $0x6800  }
0x90: {  	s1 =	sadd.s32 $0xFFFFFFFF, s1;
	s0 =	rddreg [dreg:$0x2];
	[sflag:s3] =	ssyncset.done $0x0  }
.LBB2_2:
0x91: {  	[sflag:s3] =	ssyncadd.s32 $0xFFFF9800  }
0x92: {  	[tilespmem:s2], [sflag:$0x2] =	stream.linear.gather [hbm4b:s0+s2], $0x800, $0x38;
	[tilespmem:$0x7800] =	vst v63  }
0x93: {  	_ =	swait.ge [sflag:s3], $0x800  }
0x94: {  	[sflag:s3] =	ssyncset.done $0x0  }
0x95: {  	s20 =	rddreg [dreg:$0x3];
	[sflag:s3] =	ssyncadd.s32 $0xFFFFF800  }
0x96: {  	[tilespmem:s6], [sflag:$0x2] =	stream.linear.gather [hbm4b:s20+s2], $0x800, $0x38;
	[tilespmem:$0x7800] =	vst v63  }
0x97: {  	_ =	swait.ge [sflag:s3], $0x800  }
0x98: {  	[sflag:s3] =	ssyncset.done $0x0  }
0x99: {  	s0 =	rddreg [dreg:$0x11];
	[sflag:s3] =	ssyncadd.s32 $0xFFFFF800  }
0x9a: {  	[tilespmem:s4], [sflag:$0x1] =	stream.indirect.gather [hbm4b:s0+s6], $0x1, s2, s6, $0xb8;
	[tilespmem:$0x7800] =	vst v63  }
0x9b: {  	s19 =	rddreg [dreg:$0x4]  }
0x9c: {  	[tilespmem:s21], [sflag:$0x1] =	stream.indirect.gather [hbm4b:s7+s6], $0x1, s19, s6, $0xb8;
	[tilespmem:$0x7800] =	vst v63  }
0x9d: {  	s0 =	rddreg [dreg:$0x5]  }
0x9e: {  	[tilespmem:s22], [sflag:$0x1] =	stream.indirect.gather [hbm4b:s8+s6], $0x1, s0, s6, $0xb8;
	[tilespmem:$0x7800] =	vst v63  }
0x9f: {  	s19 =	rddreg [dreg:$0x6]  }
0xa0: {  	[tilespmem:s23], [sflag:$0x1] =	stream.indirect.gather [hbm4b:s9+s6], $0x1, s19, s6, $0xb8;
	[tilespmem:$0x7800] =	vst v63  }
0xa1: {  	s0 =	rddreg [dreg:$0x7]  }
0xa2: {  	[tilespmem:s24], [sflag:$0x1] =	stream.indirect.gather [hbm4b:s10+s6], $0x1, s0, s6, $0xb8;
	[tilespmem:$0x7800] =	vst v63  }
0xa3: {  	s19 =	rddreg [dreg:$0x8]  }
0xa4: {  	[tilespmem:s25], [sflag:$0x1] =	stream.indirect.gather [hbm4b:s11+s6], $0x1, s19, s6, $0xb8;
	[tilespmem:$0x7800] =	vst v63  }
0xa5: {  	s0 =	rddreg [dreg:$0x9]  }
0xa6: {  	[tilespmem:s26], [sflag:$0x1] =	stream.indirect.gather [hbm4b:s12+s6], $0x1, s0, s6, $0xb8;
	[tilespmem:$0x7800] =	vst v63  }
0xa7: {  	s19 =	rddreg [dreg:$0xa]  }
0xa8: {  	[tilespmem:s28], [sflag:$0x1] =	stream.indirect.gather [hbm4b:s13+s6], $0x1, s19, s6, $0xb8;
	[tilespmem:$0x7800] =	vst v63  }
0xa9: {  	s0 =	rddreg [dreg:$0xb]  }
0xaa: {  	[tilespmem:s31], [sflag:$0x1] =	stream.indirect.gather [hbm4b:s14+s6], $0x1, s0, s6, $0xb8;
	[tilespmem:$0x7800] =	vst v63  }
0xab: {  	s19 =	rddreg [dreg:$0xc]  }
0xac: {  	[tilespmem:s30], [sflag:$0x1] =	stream.indirect.gather [hbm4b:s15+s6], $0x1, s19, s6, $0xb8;
	[tilespmem:$0x7800] =	vst v63  }
0xad: {  	s0 =	rddreg [dreg:$0xd]  }
0xae: {  	[tilespmem:s29], [sflag:$0x1] =	stream.indirect.gather [hbm4b:s16+s6], $0x1, s0, s6, $0xb8;
	[tilespmem:$0x7800] =	vst v63  }
0xaf: {  	s20 =	simm.s32 $0x6800;
	s19 =	rddreg [dreg:$0xe]  }
0xb0: {  	[tilespmem:s20], [sflag:$0x1] =	stream.indirect.gather [hbm4b:s17+s6], $0x1, s19, s6, $0xb8;
	[tilespmem:$0x7800] =	vst v63  }
0xb1: {  	s0 =	rddreg [dreg:$0xf];
	s20 =	simm.s32 $0x7000  }
0xb2: {  	[tilespmem:s20], [sflag:$0x1] =	stream.indirect.gather [hbm4b:s18+s6], $0x1, s0, s6, $0xb8;
	[tilespmem:$0x7800] =	vst v63  }
0xb3: {  	_ =	swait.ge [sflag:s5], $0x800  }
0xb4: {  	[sflag:s5] =	ssyncset.done $0x0  }
0xb5: {  	[sflag:s5] =	ssyncadd.s32 $0xFFFFF800  }
0xb6: {  	_ =	swait.ge [sflag:s5], $0x800  }
0xb7: {  	[sflag:s5] =	ssyncset.done $0x0  }
0xb8: {  	[sflag:s5] =	ssyncadd.s32 $0xFFFFF800  }
0xb9: {  	_ =	swait.ge [sflag:s5], $0x800  }
0xba: {  	[sflag:s5] =	ssyncset.done $0x0  }
0xbb: {  	[sflag:s5] =	ssyncadd.s32 $0xFFFFF800  }
0xbc: {  	_ =	swait.ge [sflag:s5], $0x800  }
0xbd: {  	[sflag:s5] =	ssyncset.done $0x0  }
0xbe: {  	[sflag:s5] =	ssyncadd.s32 $0xFFFFF800  }
0xbf: {  	_ =	swait.ge [sflag:s5], $0x800  }
0xc0: {  	[sflag:s5] =	ssyncset.done $0x0  }
0xc1: {  	[sflag:s5] =	ssyncadd.s32 $0xFFFFF800  }
0xc2: {  	_ =	swait.ge [sflag:s5], $0x800  }
0xc3: {  	[sflag:s5] =	ssyncset.done $0x0  }
0xc4: {  	[sflag:s5] =	ssyncadd.s32 $0xFFFFF800  }
0xc5: {  	_ =	swait.ge [sflag:s5], $0x800  }
0xc6: {  	[sflag:s5] =	ssyncset.done $0x0  }
0xc7: {  	[sflag:s5] =	ssyncadd.s32 $0xFFFFF800  }
0xc8: {  	_ =	swait.ge [sflag:s5], $0x800  }
0xc9: {  	[sflag:s5] =	ssyncset.done $0x0  }
0xca: {  	[sflag:s5] =	ssyncadd.s32 $0xFFFFF800  }
0xcb: {  	_ =	swait.ge [sflag:s5], $0x800  }
0xcc: {  	[sflag:s5] =	ssyncset.done $0x0  }
0xcd: {  	[sflag:s5] =	ssyncadd.s32 $0xFFFFF800  }
0xce: {  	_ =	swait.ge [sflag:s5], $0x800  }
0xcf: {  	[sflag:s5] =	ssyncset.done $0x0  }
0xd0: {  	[sflag:s5] =	ssyncadd.s32 $0xFFFFF800  }
0xd1: {  	_ =	swait.ge [sflag:s5], $0x800  }
0xd2: {  	[sflag:s5] =	ssyncset.done $0x0  }
0xd3: {  	[sflag:s5] =	ssyncadd.s32 $0xFFFFF800  }
0xd4: {  	_ =	swait.ge [sflag:s5], $0x800  }
0xd5: {  	[sflag:s5] =	ssyncset.done $0x0  }
0xd6: {  	[sflag:s5] =	ssyncadd.s32 $0xFFFFF800  }
0xd7: {  	p1 =	sne.s32 s1, $0x1;
	_ =	swait.ge [sflag:s5], $0x800  }
.Ltmp2:
0xd8: {  	[sflag:s5] =	ssyncset.done $0x0;
	(pc) =	sbr.rel @p1 .LBB2_2-.Ltmp2, $4  }
0xd9: {  	s0 =	rddreg [dreg:$0x10];
	[sflag:s5] =	ssyncadd.s32 $0xFFFFF800  }
0xda: {  	[hbm4b:s0+s2] =	stream.linear.scatter [tilespmem:s4], [sflag:$0x2], $0x6800, $0x38;
	[tilespmem:$0x7800] =	vst v63  }
0xdb: {  	s1 =	sadd.s32 $0xFFFFFFFF, s1;
	_ =	swait.ge [sflag:s3], $0x6800  }
0xdc: {  	s19 =	simm.s32 $0x6800;
	s0 =	rddreg [dreg:$0x2];
	[sflag:s3] =	ssyncset.done $0x0  }
.LBB2_3:
0xdd: {  	[sflag:s3] =	ssyncadd.s32 @p0 $0xFFFF9800  }
0xde: {  	[tilespmem:s2], [sflag:$0x2] =	stream.linear.gather [hbm4b:s0+s2], $0x800, $0x38;
	[tilespmem:$0x7800] =	vst v63  }
0xdf: {  	_ =	swait.ge [sflag:s3], $0x800  }
0xe0: {  	[sflag:s3] =	ssyncset.done $0x0  }
0xe1: {  	s1 =	rddreg [dreg:$0x3];
	[sflag:s3] =	ssyncadd.s32 $0xFFFFF800  }
0xe2: {  	[tilespmem:s6], [sflag:$0x2] =	stream.linear.gather [hbm4b:s1+s2], $0x800, $0x38;
	[tilespmem:$0x7800] =	vst v63  }
0xe3: {  	_ =	swait.ge [sflag:s3], $0x800  }
0xe4: {  	[sflag:s3] =	ssyncset.done $0x0  }
0xe5: {  	s0 =	rddreg [dreg:$0x11];
	[sflag:s3] =	ssyncadd.s32 $0xFFFFF800  }
0xe6: {  	[tilespmem:s4], [sflag:$0x1] =	stream.indirect.gather [hbm4b:s0+s6], $0x1, s2, s6, $0xb8;
	[tilespmem:$0x7800] =	vst v63  }
0xe7: {  	s1 =	rddreg [dreg:$0x4]  }
0xe8: {  	[tilespmem:s21], [sflag:$0x1] =	stream.indirect.gather [hbm4b:s7+s6], $0x1, s1, s6, $0xb8;
	[tilespmem:$0x7800] =	vst v63  }
0xe9: {  	s0 =	rddreg [dreg:$0x5]  }
0xea: {  	[tilespmem:s22], [sflag:$0x1] =	stream.indirect.gather [hbm4b:s8+s6], $0x1, s0, s6, $0xb8;
	[tilespmem:$0x7800] =	vst v63  }
0xeb: {  	s7 =	rddreg [dreg:$0x6]  }
0xec: {  	[tilespmem:s23], [sflag:$0x1] =	stream.indirect.gather [hbm4b:s9+s6], $0x1, s7, s6, $0xb8;
	[tilespmem:$0x7800] =	vst v63  }
0xed: {  	s8 =	rddreg [dreg:$0x7]  }
0xee: {  	[tilespmem:s24], [sflag:$0x1] =	stream.indirect.gather [hbm4b:s10+s6], $0x1, s8, s6, $0xb8;
	[tilespmem:$0x7800] =	vst v63  }
0xef: {  	s21 =	rddreg [dreg:$0x8]  }
0xf0: {  	[tilespmem:s25], [sflag:$0x1] =	stream.indirect.gather [hbm4b:s11+s6], $0x1, s21, s6, $0xb8;
	[tilespmem:$0x7800] =	vst v63  }
0xf1: {  	s22 =	rddreg [dreg:$0x9]  }
0xf2: {  	[tilespmem:s26], [sflag:$0x1] =	stream.indirect.gather [hbm4b:s12+s6], $0x1, s22, s6, $0xb8;
	[tilespmem:$0x7800] =	vst v63  }
0xf3: {  	s23 =	rddreg [dreg:$0xa]  }
0xf4: {  	[tilespmem:s28], [sflag:$0x1] =	stream.indirect.gather [hbm4b:s13+s6], $0x1, s23, s6, $0xb8;
	[tilespmem:$0x7800] =	vst v63  }
0xf5: {  	s24 =	rddreg [dreg:$0xb]  }
0xf6: {  	[tilespmem:s31], [sflag:$0x1] =	stream.indirect.gather [hbm4b:s14+s6], $0x1, s24, s6, $0xb8;
	[tilespmem:$0x7800] =	vst v63  }
0xf7: {  	s25 =	rddreg [dreg:$0xc]  }
0xf8: {  	[tilespmem:s30], [sflag:$0x1] =	stream.indirect.gather [hbm4b:s15+s6], $0x1, s25, s6, $0xb8;
	[tilespmem:$0x7800] =	vst v63  }
0xf9: {  	s26 =	rddreg [dreg:$0xd]  }
0xfa: {  	[tilespmem:s29], [sflag:$0x1] =	stream.indirect.gather [hbm4b:s16+s6], $0x1, s26, s6, $0xb8;
	[tilespmem:$0x7800] =	vst v63  }
0xfb: {  	s28 =	rddreg [dreg:$0xe]  }
0xfc: {  	[tilespmem:s19], [sflag:$0x1] =	stream.indirect.gather [hbm4b:s17+s6], $0x1, s28, s6, $0xb8;
	[tilespmem:$0x7800] =	vst v63  }
0xfd: {  	s29 =	rddreg [dreg:$0xf]  }
0xfe: {  	[tilespmem:s20], [sflag:$0x1] =	stream.indirect.gather [hbm4b:s18+s6], $0x1, s29, s6, $0xb8;
	[tilespmem:$0x7800] =	vst v63  }
0xff: {  	_ =	swait.ge [sflag:s5], $0x800  }
0x100: {  	[sflag:s5] =	ssyncset.done $0x0  }
0x101: {  	[sflag:s5] =	ssyncadd.s32 $0xFFFFF800  }
0x102: {  	_ =	swait.ge [sflag:s5], $0x800  }
0x103: {  	[sflag:s5] =	ssyncset.done $0x0  }
0x104: {  	[sflag:s5] =	ssyncadd.s32 $0xFFFFF800  }
0x105: {  	_ =	swait.ge [sflag:s5], $0x800  }
0x106: {  	[sflag:s5] =	ssyncset.done $0x0  }
0x107: {  	[sflag:s5] =	ssyncadd.s32 $0xFFFFF800  }
0x108: {  	_ =	swait.ge [sflag:s5], $0x800  }
0x109: {  	[sflag:s5] =	ssyncset.done $0x0  }
0x10a: {  	[sflag:s5] =	ssyncadd.s32 $0xFFFFF800  }
0x10b: {  	_ =	swait.ge [sflag:s5], $0x800  }
0x10c: {  	[sflag:s5] =	ssyncset.done $0x0  }
0x10d: {  	[sflag:s5] =	ssyncadd.s32 $0xFFFFF800  }
0x10e: {  	_ =	swait.ge [sflag:s5], $0x800  }
0x10f: {  	[sflag:s5] =	ssyncset.done $0x0  }
0x110: {  	[sflag:s5] =	ssyncadd.s32 $0xFFFFF800  }
0x111: {  	_ =	swait.ge [sflag:s5], $0x800  }
0x112: {  	[sflag:s5] =	ssyncset.done $0x0  }
0x113: {  	[sflag:s5] =	ssyncadd.s32 $0xFFFFF800  }
0x114: {  	_ =	swait.ge [sflag:s5], $0x800  }
0x115: {  	[sflag:s5] =	ssyncset.done $0x0  }
0x116: {  	[sflag:s5] =	ssyncadd.s32 $0xFFFFF800  }
0x117: {  	_ =	swait.ge [sflag:s5], $0x800  }
0x118: {  	[sflag:s5] =	ssyncset.done $0x0  }
0x119: {  	[sflag:s5] =	ssyncadd.s32 $0xFFFFF800  }
0x11a: {  	_ =	swait.ge [sflag:s5], $0x800  }
0x11b: {  	[sflag:s5] =	ssyncset.done $0x0  }
0x11c: {  	[sflag:s5] =	ssyncadd.s32 $0xFFFFF800  }
0x11d: {  	_ =	swait.ge [sflag:s5], $0x800  }
0x11e: {  	[sflag:s5] =	ssyncset.done $0x0  }
0x11f: {  	[sflag:s5] =	ssyncadd.s32 $0xFFFFF800  }
0x120: {  	_ =	swait.ge [sflag:s5], $0x800  }
0x121: {  	[sflag:s5] =	ssyncset.done $0x0  }
0x122: {  	[sflag:s5] =	ssyncadd.s32 $0xFFFFF800  }
0x123: {  	_ =	swait.ge [sflag:s5], $0x800  }
0x124: {  	[sflag:s5] =	ssyncset.done $0x0  }
0x125: {  	s30 =	rddreg [dreg:$0x10];
	[sflag:s5] =	ssyncadd.s32 $0xFFFFF800  }
0x126: {  	[hbm4b:s30+s2] =	stream.linear.scatter [tilespmem:s4], [sflag:$0x2], $0x6800, $0x38;
	[tilespmem:$0x7800] =	vst v63  }
0x127: {  	_ =	swait.ge [sflag:s3], $0x6800  }
0x128: {  	[sflag:s3] =	ssyncset.done $0x0  }
0x129: {  	[sflag:s3] =	ssyncadd.s32 $0xFFFF9800  }
0x12a: {  	_ =	sfence.sel $0x180000  }
0x12b: {  	[bflag:$0x0] =	sbarrier.arrive $0xFFFF  }
0x12c: {  	_ =	strace $0x9000004A  }
0x12d: {  	s31 =	stileid.u32;
	[bflag:$0x2] =	sbarrier.arrive $0xFFFF  }
0x12e: {  	p0 =	sne.s32 s31, $0x0;
	s0 =	rddreg [dreg:$0x1]  }
0x12f: {  	s0 =	sadd.s32 @!p0 $0x100000, s0  }
0x130: {  	[sflag:s0] =	ssyncadd.tile.s32 @!p0 $0x1;
	_ =	shalt  }
.Lfunc_end2:
_tile_overlayer_lowered:
.L_overlay_start_2:
0x131: {  	(tag) =	ssettag $0x2  }
0x132: {  	s0 =	rddreg [dreg:$0x0];
	s2 =	stileid.u32  }
0x133: {  	s1 =	rddreg [dreg:$0x1];
	p0 =	sne.s32 s2, $0x0  }
0x134: {  	s3 =	rddreg [dreg:$0x2];
	[bflag:$0x3] =	sbarrier.arrive $0xFFFF;
	s2 =	simm.s32 @!p0 $0x1C02  }
0x135: {  	[timem:s3], [sflag:s2] =	dma.local @!p0 [hbm:s0], s1  }
0x136: {  	s0 =	simm.s32 @!p0 $0x2  }
0x137: {  	_ =	swait.ge @!p0 [sflag:s0], s1  }
0x138: {  	s1 =	ssub.s32 @!p0 $0x0, s1;
	[sflag:s0] =	ssyncset.done @!p0 $0x0  }
0x139: {  	[sflag:s0] =	ssyncadd.s32 @!p0 s1  }
0x13a: {  	[bflag:$0x3] =	sbarrier.arrive $0xFFFF  }
0x13b: {  	_ =	shalt  }

// kernel: kernel.9.cloned.1.call-start
scs
__scs_entry_jumppad:
0x0: {  	(pc) =	sbr.rel $0x88, $3  }
0x1: {  	(tag) =	ssettag $0x0;
	lr =	simm.s32 $0x1  }
0x2: {  	[smem:$0x3F9A] =	sst lr;
	_ =	strace $0xD0000000  }
0x3: {  	_ = 	snop  }
0x4: {  	_ = 	snop  }
0x5: {  	_ = 	snop  }
0x6: {  	_ = 	snop  }
0x7: {  	_ = 	snop  }
__scs_overlays_trampoline_lowered:
0x8: {  	[smem:$0x3FA9] =	sst s0  }
0x9: {  	[smem:$0x3FAA] =	sst s1  }
0xa: {  	[smem:$0x3FAB] =	sst s2  }
0xb: {  	[smem:$0x3FAC] =	sst s3  }
0xc: {  	[smem:$0x3FAD] =	sst s4  }
0xd: {  	[smem:$0x3FAE] =	sst s5  }
0xe: {  	[smem:$0x3FAF] =	sst s6  }
0xf: {  	[smem:$0x3FB0] =	sst s7  }
0x10: {  	[smem:$0x3FB1] =	sst s8  }
0x11: {  	[smem:$0x3FB2] =	sst s9;
	s0 =	simm.s32 @!p0 $0x0  }
0x12: {  	s1 =	sld [smem:$0x3F98];
	s0 =	simm.s32 @p0 $0x1  }
0x13: {  	[smem:$0x3FB3] =	sst s0;
	s0 =	simm.s32 @!p1 $0x0  }
0x14: {  	s2 =	sld [smem:$0x3F97];
	s0 =	simm.s32 @p1 $0x1  }
0x15: {  	[smem:$0x3FB4] =	sst s0;
	s0 =	simm.s32 @!p2 $0x0  }
0x16: {  	s3 =	sld [smem:$0x3FDB];
	s0 =	simm.s32 @p2 $0x1  }
0x17: {  	s4 =	simm.s32 $0x1BF5;
	[smem:$0x3FB6] =	sst s0  }
0x18: {  	s0 =	sld [smem:$0x3F99];
	_ =	swait.ge [sflag:s4], $0x0  }
0x19: {  	s7 =	sld [smem:$0x3F9A]  }
0x1a: {  	s8 =	sadd.s32 $0xFFFFE003, lr  }
0x1b: {  	s9 =	sadd.s32 $0xFFFFFEF7, lr;
	s5 =	simm.s32 $0xFFFFFFFF;
	p2 =	slt.u32 s8, $0xFFFFF086  }
0x1c: {  	p1 =	slt.u32 s9, $0xF7A;
	s5 =	simm.s32 @!p2 $0x0  }
0x1d: {  	s5 =	simm.s32 @p1 $0x1;
	p0 =	seq.s32 s7, s2  }
0x1e: {  	s7 =	smul.u32 @!p0 $0xF7A, s2;
	p2 =	seq.s32 @!p0 s5, $0x0  }
0x1f: {  	s9 =	smul.u32 $0xF7A, s1;
	s8 =	simm.s32 @!p0 $0x1BF5;
	p2 =	por !p2, p0  }
0x20: {  	[sflag:s8] =	ssyncset.s32 @!p0 $0xFFFFF086;
	s6 =	sadd.s32 @!p0 s3, s7;
	s7 =	simm.s32 @!p0 $0x108  }
0x21: {  	s3 =	sadd.s32 s3, s9;
	s6 =	sadd.s32 @!p0 $0x88, s6;
	s7 =	simm.s32 @p2 $0x1082  }
0x22: {  	[simem:s7], [sflag:s8] =	dma.local @!p0 [hbm:s6], $0xF7A  }
0x23: {  	s9 =	sor.u32 $0xD0000000, s2;
	s6 =	simm.s32 $0x108;
	_ =	swait.ge @!p0 [sflag:s8], $0x0  }
0x24: {  	s3 =	sadd.s32 $0x88, s3;
	s6 =	simm.s32 @!p1 $0x1082;
	[sflag:s4] =	ssyncset.s32 $0xFFFFF086  }
0x25: {  	[simem:s6], [sflag:s4] =	dma.local [hbm:s3], $0xF7A  }
0x26: {  	[smem:$0x3F9A] =	sst s1;
	(tag) =	ssettag s2;
	_ =	strace s9  }
0x27: {  	s1 =	sld [smem:$0x3FAA]  }
0x28: {  	s2 =	sld [smem:$0x3FAB]  }
0x29: {  	s4 =	sld [smem:$0x3FAD]  }
0x2a: {  	p0 =	seq.s32 s5, $0x0;
	s5 =	sld [smem:$0x3FAE]  }
0x2b: {  	s6 =	sld [smem:$0x3FAF]  }
0x2c: {  	s7 =	sld [smem:$0x3FB0]  }
0x2d: {  	s3 =	simm.s32 $0x108;
	s8 =	sld [smem:$0x3FB1]  }
0x2e: {  	s3 =	simm.s32 @!p0 $0x1082;
	s9 =	sld [smem:$0x3FB2]  }
0x2f: {  	lr =	sadd.s32 s0, s3;
	s0 =	sld [smem:$0x3FA9]  }
0x30: {  	s3 =	sld [smem:$0x3FAC]  }
0x31: {  	[smem:$0x3FB5] =	sst s10  }
0x32: {  	s10 =	sld [smem:$0x3FB3];
	_ =	sdelay $0x3  }
0x33: {  	p0 =	seq.s32 s10, $0x1;
	s10 =	sld [smem:$0x3FB5];
	_ =	sdelay $0x3  }
0x34: {  	[smem:$0x3FB5] =	sst s10  }
0x35: {  	s10 =	sld [smem:$0x3FB4];
	_ =	sdelay $0x3  }
0x36: {  	p1 =	seq.s32 s10, $0x1;
	s10 =	sld [smem:$0x3FB5];
	_ =	sdelay $0x3  }
0x37: {  	[smem:$0x3FB5] =	sst s10  }
0x38: {  	s10 =	sld [smem:$0x3FB6]  }
0x39: {  	_ = 	snop;
	(pc) =	sbr.ind lr, $3  }
0x3a: {  	_ = 	snop  }
0x3b: {  	_ = 	snop  }
0x3c: {  	p2 =	seq.s32 s10, $0x1;
	s10 =	sld [smem:$0x3FB5]  }
0x3d: {  	_ =	shalt  }
0x3e: {  	_ =	shalt  }
0x3f: {  	_ =	shalt  }
0x40: {  	_ =	shalt  }
0x41: {  	_ =	shalt  }
0x42: {  	_ =	shalt  }
0x43: {  	_ =	shalt  }
0x44: {  	_ =	shalt  }
0x45: {  	_ =	shalt  }
0x46: {  	_ =	shalt  }
0x47: {  	_ =	shalt  }
0x48: {  	_ =	shalt  }
0x49: {  	_ =	shalt  }
0x4a: {  	_ =	shalt  }
0x4b: {  	_ =	shalt  }
0x4c: {  	_ =	shalt  }
0x4d: {  	_ =	shalt  }
0x4e: {  	_ =	shalt  }
0x4f: {  	_ =	shalt  }
0x50: {  	_ =	shalt  }
0x51: {  	_ =	shalt  }
0x52: {  	_ =	shalt  }
0x53: {  	_ =	shalt  }
0x54: {  	_ =	shalt  }
0x55: {  	_ =	shalt  }
0x56: {  	_ =	shalt  }
0x57: {  	_ =	shalt  }
0x58: {  	_ =	shalt  }
0x59: {  	_ =	shalt  }
0x5a: {  	_ =	shalt  }
0x5b: {  	_ =	shalt  }
0x5c: {  	_ =	shalt  }
0x5d: {  	_ =	shalt  }
0x5e: {  	_ =	shalt  }
0x5f: {  	_ =	shalt  }
0x60: {  	_ =	shalt  }
0x61: {  	_ =	shalt  }
0x62: {  	_ =	shalt  }
0x63: {  	_ =	shalt  }
0x64: {  	_ =	shalt  }
0x65: {  	_ =	shalt  }
0x66: {  	_ =	shalt  }
0x67: {  	_ =	shalt  }
0x68: {  	_ =	shalt  }
0x69: {  	_ =	shalt  }
0x6a: {  	_ =	shalt  }
0x6b: {  	_ =	shalt  }
0x6c: {  	_ =	shalt  }
0x6d: {  	_ =	shalt  }
0x6e: {  	_ =	shalt  }
0x6f: {  	_ =	shalt  }
0x70: {  	_ =	shalt  }
0x71: {  	_ =	shalt  }
0x72: {  	_ =	shalt  }
0x73: {  	_ =	shalt  }
0x74: {  	_ =	shalt  }
0x75: {  	_ =	shalt  }
0x76: {  	_ =	shalt  }
0x77: {  	_ =	shalt  }
0x78: {  	_ =	shalt  }
0x79: {  	_ =	shalt  }
0x7a: {  	_ =	shalt  }
0x7b: {  	_ =	shalt  }
0x7c: {  	_ =	shalt  }
0x7d: {  	_ =	shalt  }
0x7e: {  	_ =	shalt  }
0x7f: {  	_ =	shalt  }
0x80: {  	_ =	shalt  }
0x81: {  	_ =	shalt  }
0x82: {  	_ =	shalt  }
0x83: {  	_ =	shalt  }
0x84: {  	_ =	shalt  }
0x85: {  	_ =	shalt  }
0x86: {  	_ =	shalt  }
0x87: {  	_ =	shalt  }
.Lfunc_end0:
.L_simem_size_0:
called_computation.1_lowered:
.L_overlay_start_0:
0x88: {  	s2 =	sld [smem:$0x3FD9]  }
0x89: {  	s3 =	sld [smem:$0x3FFE];
	_ =	sdelay $0x1  }
0x8a: {  	s1 =	srdreg.scid  }
0x8b: {  	s0 =	sand.u32 $0x1, s1  }
0x8c: {  	s16 =	sshll.u32 s0, $0xA;
	s2 =	sadd.s32 s3, s2  }
0x8d: {  	s2 =	sadd.s32 s2, s16  }
0x8e: {  	[smem:$0x3FC1] =	sst s2  }
0x8f: {  	_ = 	snop  }
0x90: {  	(tm) =	ssettm $0x1  }
0x91: {  	s17 =	sld [smem:$0x3FFB];
	_ =	sdelay $0x3  }
0x92: {  	_ =	strace s17  }
0x93: {  	s2 =	sld [smem:$0x3FFC];
	_ =	sdelay $0x3  }
0x94: {  	_ =	strace s2  }
0x95: {  	s2 =	sld [smem:$0x3FFD];
	_ =	sdelay $0x3  }
0x96: {  	_ =	strace s2  }
0x97: {  	_ =	strace $0x8FFFFFFF  }
0x98: {  	s18 =	sld [smem:$0x3FDB];
	_ =	sdelay $0x1  }
0x99: {  	s19 =	simm.s32 $_scs_section_size  }
0x9a: {  	s4 =	simm.s32 $_size__tile_overlayer_lowered;
	s5 =	simm.s32 $_tile_overlayer_lowered  }
0x9b: {  	s22 =	simm.s32 $0x1BFF;
	s21 =	sshll.u32 s5, $0x1;
	s2 =	sadd.s32 s19, s18  }
0x9c: {  	s6 =	simm.s32 $0x0;
	s20 =	sshll.u32 s4, $0x1;
	s4 =	sadd.s32 s21, s2  }
0x9d: {  	[timem:s6], [sflag:s22] =	dma.local [hbm:s4], s20  }
0x9e: {  	_ =	swait.ge [sflag:s22], s20  }
0x9f: {  	s3 =	ssub.s32 $0x0, s20;
	[sflag:s22] =	ssyncset.done $0x0  }
0xa0: {  	[sflag:s22] =	ssyncadd.s32 s3;
	_ =	sdelay $0x1  }
0xa1: {  	s23 =	simm.s32 $0x1B8B  }
0xa2: {  	_ =	swait.ge [sflag:s23], $0x1  }
0xa3: {  	[sflag:s23] =	ssyncset.done $0x0  }
0xa4: {  	s25 =	simm.s32 $0x1B8E;
	s24 =	sld [smem:$0x3FFE];
	[sflag:s23] =	ssyncadd.s32 $0xFFFFFFFF  }
0xa5: {  	s26 =	simm.s32 $execute0_lowered;
	[smem:$0x3FD2] =	sst s25  }
0xa6: {  	s4 =	sshll.u32 s26, $0x1;
	_ =	strace $0x80000046;
	[dreg:$0x1] =	wrdreg $0xFFFFFFFF  }
0xa7: {  	s28 =	simm.s32 $_size_execute0_lowered;
	s2 =	sadd.s32 s2, s4;
	[dreg:$0x0] =	wrdreg $0x0  }
0xa8: {  	s4 =	sshll.u32 s28, $0x1;
	[dreg:$0x2] =	wrdreg s2  }
0xa9: {  	[dreg:$0x3] =	wrdreg s4  }
0xaa: {  	[dreg:$0x4] =	wrdreg $0xC0  }
0xab: {  	_ =	task [dreg:s6], $0x5FFFF  }
0xac: {  	[dreg:$0x1] =	wrdreg $0xFFFFFFFF  }
0xad: {  	[dreg:$0x0] =	wrdreg $0x60  }
0xae: {  	[dreg:$0x2] =	wrdreg s24  }
0xaf: {  	[dreg:$0x3] =	wrdreg $0xA  }
0xb0: {  	_ =	task.clear_ibuf [dreg:s6], $0x4FFFF;
	_ =	strace $0x90000046  }
0xb1: {  	s29 =	simm.s32 $0xA;
	_ =	strace $0x80000048  }
0xb2: {  	_ =	swait.ge [sflag:s29], $0x1  }
0xb3: {  	[sflag:s29] =	ssyncadd.s32 $0xFFFFFFFF  }
0xb4: {  	_ =	strace $0x90000048  }
0xb5: {  	_ =	sfence  }
0xb6: {  	s30 =	sld [smem:$0x0];
	_ =	sdelay $0x2  }
0xb7: {  	s31 =	sshll.u32 s1, $0xD;
	s1 =	sshrl.u32 s1, $0x2  }
0xb8: {  	s3 =	sand.u32 $0x4000, s31;
	s1 =	sadd.s32 s1, s30  }
0xb9: {  	s0 =	sor.u32 s3, s0;
	s1 =	sshll.u32 s1, $0x11  }
0xba: {  	s0 =	sor.u32 s1, s0  }
0xbb: {  	s0 =	sadd.s32 $0x8F2B, s0  }
0xbc: {  	[sflag:s0] =	ssyncadd.remote.s32 $0x1  }
0xbd: {  	_ =	sfence.sel $0xFFFF  }
0xbe: {  	[dreg:$0x0] =	wrdreg $0xFFFFFFFF;
	(pc) =	sbr.abs _section_cstart, $3  }
0xbf: {  	[dreg:$0x1] =	wrdreg $0xFFFFFFFF  }
0xc0: {  	_ =	task.clear_ibuf [dreg:s6], $0x2FFFF;
	_ =	strace $0x9FFFFFFF  }
0xc1: {  	(tm) =	ssettm $0x7FFFFFFF  }
tec
execute0_lowered:
.L_overlay_start_1:
0x0: {  	(tag) =	ssettag $0x1  }
0x1: {  	s0 =	srdreg.scid;
	s1 =	stileid.u32  }
0x2: {  	s3 =	rddreg [dreg:$0x0];
	s4 =	sand.u32 $0x1, s0;
	s23 =	sshll.u32 s1, $0x1  }
0x3: {  	s2 =	simm.s32 $0x0;
	p0 =	por $0x0, $0x0;
	s0 =	sor.u32 s4, s23  }
0x4: {  	[smem:$0x7FF] =	sst s2;
	s6 =	sadd.s32 $0x3800, s3;
	s9 =	smul.u32 $0xD, s0  }
0x5: {  	_ =	strace $0x80000047;
	s4 =	ssub.s32 $0x2, s4;
	s0 =	smul.u32 $0xD00, s0  }
0x6: {  	s5 =	sshrl.u32 s9, $0x4;
	s7 =	sshll.u32 s9, $0x4;
	s3 =	sadd.s32 $0xC, s9  }
0x7: {  	s12 =	sadd.s32 $0x1, s9;
	s19 =	sadd.s32 $0x2, s9;
	s21 =	sadd.s32 $0x3, s9  }
0x8: {  	s15 =	sadd.s32 $0x4, s9;
	s16 =	sadd.s32 $0x5, s9;
	s7 =	sand.u32 $0x1F00, s7  }
0x9: {  	s8 =	sshll.u32 s3, $0x4;
	s13 =	sshrl.u32 s12, $0x4;
	s12 =	sand.u32 $0xF, s12  }
0xa: {  	s22 =	sshrl.u32 s21, $0x4;
	s21 =	sand.u32 $0xF, s21;
	s12 =	smul.u32 $0x30D4, s12  }
0xb: {  	s24 =	sand.u32 $0x3F00, s8;
	s8 =	ssub.s32 s22, s5;
	s22 =	smul.u32 $0x30D40, s22  }
0xc: {  	s20 =	sshrl.u32 s19, $0x4;
	s23 =	sshrl.u32 s15, $0x4;
	s21 =	smul.u32 $0x30D4, s21  }
0xd: {  	s15 =	sand.u32 $0xF, s15;
	s11 =	ssub.s32 s23, s5;
	s23 =	smul.u32 $0x30D40, s23  }
0xe: {  	s7 =	sadd.s32 s6, s7;
	s25 =	ssub.s32 s13, s5;
	s15 =	smul.u32 $0x30D4, s15  }
0xf: {  	[dreg:$0x2] =	wrdreg s7;
	s6 =	sadd.s32 s6, s24;
	s26 =	sshll.u32 s25, $0xD  }
0x10: {  	s7 =	ssub.s32 s20, s5;
	s10 =	sshll.u32 s8, $0xD;
	s24 =	sshrl.u32 s16, $0x4  }
0x11: {  	s8 =	sadd.s32 $0x6, s9;
	s16 =	sand.u32 $0xF, s16;
	[dreg:$0x3] =	wrdreg s6  }
0x12: {  	s1 =	sshra.s32 s26, $0x2;
	s17 =	ssub.s32 s24, s5;
	s24 =	smul.u32 $0x30D40, s24  }
0x13: {  	s6 =	sshll.u32 s7, $0xD;
	s7 =	sshll.u32 s11, $0xD;
	s16 =	smul.u32 $0x30D4, s16  }
0x14: {  	[dreg:$0x4] =	wrdreg s1;
	s6 =	sshra.s32 s6, $0x2;
	s14 =	sshra.s32 s7, $0x2  }
0x15: {  	s18 =	sshll.u32 s17, $0xD;
	s17 =	sshrl.u32 s8, $0x4;
	[dreg:$0x5] =	wrdreg s6  }
0x16: {  	s8 =	sand.u32 $0xF, s8;
	s6 =	sshra.s32 s10, $0x2;
	[dreg:$0x7] =	wrdreg s14  }
0x17: {  	s7 =	sshra.s32 s18, $0x2;
	[dreg:$0x6] =	wrdreg s6;
	s6 =	sadd.s32 $0x7, s9  }
0x18: {  	s10 =	ssub.s32 s17, s5;
	s14 =	sand.u32 $0xF, s9;
	s18 =	sshrl.u32 s6, $0x4  }
0x19: {  	[dreg:$0x8] =	wrdreg s7;
	s25 =	sshll.u32 s10, $0xD;
	s26 =	ssub.s32 s18, s5  }
0x1a: {  	s7 =	sadd.s32 $0x8, s9;
	s14 =	smul.u32 $0x30D4, s14;
	s10 =	sshll.u32 s26, $0xD  }
0x1b: {  	s11 =	sshra.s32 s25, $0x2;
	s25 =	sshrl.u32 s7, $0x4;
	s10 =	sshra.s32 s10, $0x2  }
0x1c: {  	s1 =	ssub.s32 s25, s5;
	[dreg:$0xa] =	wrdreg s10;
	s10 =	sadd.s32 $0x9, s9  }
0x1d: {  	[dreg:$0x9] =	wrdreg s11;
	s11 =	sshll.u32 s1, $0xD;
	s26 =	sshrl.u32 s10, $0x4  }
0x1e: {  	[dreg:$0x12] =	wrdreg s14;
	s11 =	sshra.s32 s11, $0x2;
	s28 =	ssub.s32 s26, s5  }
0x1f: {  	s6 =	sand.u32 $0xF, s6;
	[dreg:$0xb] =	wrdreg s11;
	s11 =	sshll.u32 s28, $0xD  }
0x20: {  	s14 =	sshrl.u32 s4, $0x1;
	s25 =	smul.u32 $0x30D40, s25;
	s1 =	sshra.s32 s11, $0x2  }
0x21: {  	s10 =	sand.u32 $0xF, s10;
	[dreg:$0xc] =	wrdreg s1;
	s1 =	sadd.s32 $0xA, s9  }
0x22: {  	s11 =	sand.u32 $0xF, s19;
	s19 =	smul.u32 $0x30D40, s20;
	s20 =	sshrl.u32 s1, $0x4  }
0x23: {  	s26 =	smul.u32 $0x30D40, s26;
	s9 =	sadd.s32 $0xB, s9;
	s29 =	ssub.s32 s20, s5  }
0x24: {  	s28 =	smul.u32 $0x30D40, s13;
	s30 =	sshrl.u32 s9, $0x4;
	s29 =	sshll.u32 s29, $0xD  }
0x25: {  	s13 =	smul.u32 $0x30D4, s11;
	s31 =	ssub.s32 s30, s5;
	s29 =	sshra.s32 s29, $0x2  }
0x26: {  	s20 =	smul.u32 $0x30D40, s20;
	[dreg:$0xd] =	wrdreg s29;
	s29 =	sshll.u32 s31, $0xD  }
0x27: {  	s11 =	smov.u32 s3;
	s31 =	smul.u32 $0x30D40, s5;
	s29 =	sshra.s32 s29, $0x2  }
0x28: {  	[dreg:$0xe] =	wrdreg s29;
	s29 =	sshrl.u32 s3, $0x4;
	s3 =	ssub.s32 s4, s14  }
0x29: {  	s14 =	smul.u32 $0x30D40, s17;
	s17 =	rddreg [dreg:$0x0];
	s5 =	ssub.s32 s29, s5  }
0x2a: {  	s4 =	simm.s32 $0x1000;
	s0 =	sadd.s32 s0, s17;
	s5 =	sshll.u32 s5, $0xD  }
0x2b: {  	s29 =	smul.u32 $0x30D40, s29;
	s0 =	sadd.s32 $0x4FAC00, s0;
	s5 =	sshra.s32 s5, $0x2  }
0x2c: {  	[dreg:$0x10] =	wrdreg s0;
	s0 =	smax.u32 s3, $0x1;
	s3 =	simm.s32 $0x2  }
0x2d: {  	[dreg:$0xf] =	wrdreg s5;
	s5 =	sadd.s32 $0x5200, s17;
	s17 =	smul.u32 $0x30D40, s18  }
0x2e: {  	s18 =	sadd.s32 s5, s31;
	s28 =	sadd.s32 s5, s28;
	s19 =	sadd.s32 s5, s19  }
0x2f: {  	s22 =	sadd.s32 s5, s22;
	s23 =	sadd.s32 s5, s23;
	s24 =	sadd.s32 s5, s24  }
0x30: {  	s31 =	sadd.s32 s5, s14;
	s14 =	smul.u32 $0x30D40, s30;
	s25 =	sadd.s32 s5, s25  }
0x31: {  	s26 =	sadd.s32 s5, s26;
	s20 =	sadd.s32 s5, s20;
	s17 =	sadd.s32 s5, s17  }
0x32: {  	s30 =	sadd.s32 s5, s14;
	s5 =	sadd.s32 s5, s29;
	s29 =	smul.u32 $0x30D4, s8  }
0x33: {  	s8 =	sand.u32 $0xF, s7;
	[dreg:$0x14] =	wrdreg s5;
	s5 =	smul.u32 $0x30D4, s6  }
0x34: {  	p1 =	sne.s32 s0, $0x1;
	s14 =	smul.u32 $0x30D4, s8;
	s6 =	rddreg [dreg:$0x12]  }
0x35: {  	s8 =	sand.u32 $0xF, s1;
	s7 =	sadd.s32 s6, s18;
	s18 =	smul.u32 $0x30D4, s10  }
0x36: {  	s1 =	smul.u32 $0x30D4, s8;
	s10 =	sand.u32 $0xF, s9;
	s8 =	sadd.s32 s13, s19  }
0x37: {  	s9 =	sadd.s32 s21, s22;
	s6 =	simm.s32 $0x800;
	s21 =	simm.s32 $0x1800  }
0x38: {  	s22 =	simm.s32 $0x2000;
	[dreg:$0x11] =	wrdreg s7;
	s7 =	sadd.s32 s12, s28  }
0x39: {  	s12 =	sand.u32 $0xF, s11;
	s28 =	smul.u32 $0x30D4, s10;
	s10 =	sadd.s32 s15, s23  }
0x3a: {  	s11 =	sadd.s32 s16, s24;
	s13 =	sadd.s32 s5, s17;
	s14 =	sadd.s32 s14, s25  }
0x3b: {  	s23 =	simm.s32 $0x2800;
	s24 =	simm.s32 $0x3000;
	s25 =	simm.s32 $0x3800  }
0x3c: {  	s5 =	simm.s32 $0x1;
	s19 =	smul.u32 $0x30D4, s12;
	s12 =	sadd.s32 s29, s31  }
.Ltmp0:
0x3d: {  	s15 =	sadd.s32 s18, s26;
	s16 =	sadd.s32 s1, s20;
	(pc) =	sbr.rel @!p1 .LBB2_3-.Ltmp0, $4  }
0x3e: {  	s26 =	simm.s32 $0x4000;
	s20 =	rddreg [dreg:$0x14];
	s1 =	sadd.s32 $0xFFFFFFFF, s0  }
0x3f: {  	s31 =	simm.s32 $0x5000;
	s29 =	simm.s32 $0x6000;
	s0 =	rddreg [dreg:$0x2]  }
0x40: {  	s17 =	sadd.s32 s28, s30;
	s28 =	simm.s32 $0x4800;
	s30 =	simm.s32 $0x5800  }
0x41: {  	s18 =	sadd.s32 s19, s20;
	s19 =	simm.s32 $0x6800;
	s20 =	simm.s32 $0x7000  }
0x42: {  	[tilespmem:s2], [sflag:$0x2] =	stream.linear.gather [hbm4b:s0+s2], $0x800, $0x38;
	[tilespmem:$0x7800] =	vst v63  }
0x43: {  	_ =	swait.ge [sflag:s3], $0x800  }
0x44: {  	[sflag:s3] =	ssyncset.done $0x0  }
0x45: {  	s0 =	rddreg [dreg:$0x3];
	[sflag:s3] =	ssyncadd.s32 $0xFFFFF800  }
0x46: {  	[tilespmem:s6], [sflag:$0x2] =	stream.linear.gather [hbm4b:s0+s2], $0x800, $0x38;
	[tilespmem:$0x7800] =	vst v63  }
0x47: {  	_ =	swait.ge [sflag:s3], $0x800  }
0x48: {  	[dreg:$0x13] =	wrdreg s1;
	[sflag:s3] =	ssyncset.done $0x0  }
0x49: {  	s0 =	rddreg [dreg:$0x11];
	[sflag:s3] =	ssyncadd.s32 $0xFFFFF800  }
0x4a: {  	[tilespmem:s4], [sflag:$0x1] =	stream.indirect.gather [hbm4b:s0+s6], $0x1, s2, s6, $0xb8;
	[tilespmem:$0x7800] =	vst v63  }
0x4b: {  	s1 =	rddreg [dreg:$0x4]  }
0x4c: {  	[tilespmem:s21], [sflag:$0x1] =	stream.indirect.gather [hbm4b:s7+s6], $0x1, s1, s6, $0xb8;
	[tilespmem:$0x7800] =	vst v63  }
0x4d: {  	s0 =	rddreg [dreg:$0x5]  }
0x4e: {  	[tilespmem:s22], [sflag:$0x1] =	stream.indirect.gather [hbm4b:s8+s6], $0x1, s0, s6, $0xb8;
	[tilespmem:$0x7800] =	vst v63  }
0x4f: {  	s1 =	rddreg [dreg:$0x6]  }
0x50: {  	[tilespmem:s23], [sflag:$0x1] =	stream.indirect.gather [hbm4b:s9+s6], $0x1, s1, s6, $0xb8;
	[tilespmem:$0x7800] =	vst v63  }
0x51: {  	s0 =	rddreg [dreg:$0x7]  }
0x52: {  	[tilespmem:s24], [sflag:$0x1] =	stream.indirect.gather [hbm4b:s10+s6], $0x1, s0, s6, $0xb8;
	[tilespmem:$0x7800] =	vst v63  }
0x53: {  	s1 =	rddreg [dreg:$0x8]  }
0x54: {  	[tilespmem:s25], [sflag:$0x1] =	stream.indirect.gather [hbm4b:s11+s6], $0x1, s1, s6, $0xb8;
	[tilespmem:$0x7800] =	vst v63  }
0x55: {  	s0 =	rddreg [dreg:$0x9]  }
0x56: {  	[tilespmem:s26], [sflag:$0x1] =	stream.indirect.gather [hbm4b:s12+s6], $0x1, s0, s6, $0xb8;
	[tilespmem:$0x7800] =	vst v63  }
0x57: {  	s1 =	rddreg [dreg:$0xa]  }
0x58: {  	[tilespmem:s28], [sflag:$0x1] =	stream.indirect.gather [hbm4b:s13+s6], $0x1, s1, s6, $0xb8;
	[tilespmem:$0x7800] =	vst v63  }
0x59: {  	s0 =	rddreg [dreg:$0xb]  }
0x5a: {  	[tilespmem:s31], [sflag:$0x1] =	stream.indirect.gather [hbm4b:s14+s6], $0x1, s0, s6, $0xb8;
	[tilespmem:$0x7800] =	vst v63  }
0x5b: {  	s1 =	rddreg [dreg:$0xc]  }
0x5c: {  	[tilespmem:s30], [sflag:$0x1] =	stream.indirect.gather [hbm4b:s15+s6], $0x1, s1, s6, $0xb8;
	[tilespmem:$0x7800] =	vst v63  }
0x5d: {  	s0 =	rddreg [dreg:$0xd]  }
0x5e: {  	[tilespmem:s29], [sflag:$0x1] =	stream.indirect.gather [hbm4b:s16+s6], $0x1, s0, s6, $0xb8;
	[tilespmem:$0x7800] =	vst v63  }
0x5f: {  	s1 =	rddreg [dreg:$0xe]  }
0x60: {  	[tilespmem:s19], [sflag:$0x1] =	stream.indirect.gather [hbm4b:s17+s6], $0x1, s1, s6, $0xb8;
	[tilespmem:$0x7800] =	vst v63  }
0x61: {  	s0 =	rddreg [dreg:$0xf]  }
0x62: {  	[tilespmem:s20], [sflag:$0x1] =	stream.indirect.gather [hbm4b:s18+s6], $0x1, s0, s6, $0xb8;
	[tilespmem:$0x7800] =	vst v63  }
0x63: {  	_ =	swait.ge [sflag:s5], $0x800  }
0x64: {  	[sflag:s5] =	ssyncset.done $0x0  }
0x65: {  	[sflag:s5] =	ssyncadd.s32 $0xFFFFF800  }
0x66: {  	_ =	swait.ge [sflag:s5], $0x800  }
0x67: {  	[sflag:s5] =	ssyncset.done $0x0  }
0x68: {  	[sflag:s5] =	ssyncadd.s32 $0xFFFFF800  }
0x69: {  	_ =	swait.ge [sflag:s5], $0x800  }
0x6a: {  	[sflag:s5] =	ssyncset.done $0x0  }
0x6b: {  	[sflag:s5] =	ssyncadd.s32 $0xFFFFF800  }
0x6c: {  	_ =	swait.ge [sflag:s5], $0x800  }
0x6d: {  	[sflag:s5] =	ssyncset.done $0x0  }
0x6e: {  	[sflag:s5] =	ssyncadd.s32 $0xFFFFF800  }
0x6f: {  	_ =	swait.ge [sflag:s5], $0x800  }
0x70: {  	[sflag:s5] =	ssyncset.done $0x0  }
0x71: {  	[sflag:s5] =	ssyncadd.s32 $0xFFFFF800  }
0x72: {  	_ =	swait.ge [sflag:s5], $0x800  }
0x73: {  	[sflag:s5] =	ssyncset.done $0x0  }
0x74: {  	[sflag:s5] =	ssyncadd.s32 $0xFFFFF800  }
0x75: {  	_ =	swait.ge [sflag:s5], $0x800  }
0x76: {  	[sflag:s5] =	ssyncset.done $0x0  }
0x77: {  	[sflag:s5] =	ssyncadd.s32 $0xFFFFF800  }
0x78: {  	_ =	swait.ge [sflag:s5], $0x800  }
0x79: {  	[sflag:s5] =	ssyncset.done $0x0  }
0x7a: {  	[sflag:s5] =	ssyncadd.s32 $0xFFFFF800  }
0x7b: {  	_ =	swait.ge [sflag:s5], $0x800  }
0x7c: {  	[sflag:s5] =	ssyncset.done $0x0  }
0x7d: {  	[sflag:s5] =	ssyncadd.s32 $0xFFFFF800  }
0x7e: {  	_ =	swait.ge [sflag:s5], $0x800  }
0x7f: {  	[sflag:s5] =	ssyncset.done $0x0  }
0x80: {  	[sflag:s5] =	ssyncadd.s32 $0xFFFFF800  }
0x81: {  	_ =	swait.ge [sflag:s5], $0x800  }
0x82: {  	[sflag:s5] =	ssyncset.done $0x0  }
0x83: {  	[sflag:s5] =	ssyncadd.s32 $0xFFFFF800  }
0x84: {  	_ =	swait.ge [sflag:s5], $0x800  }
0x85: {  	[sflag:s5] =	ssyncset.done $0x0  }
0x86: {  	[sflag:s5] =	ssyncadd.s32 $0xFFFFF800  }
0x87: {  	_ =	swait.ge [sflag:s5], $0x800  }
0x88: {  	[sflag:s5] =	ssyncset.done $0x0  }
0x89: {  	s1 =	rddreg [dreg:$0x10];
	[sflag:s5] =	ssyncadd.s32 $0xFFFFF800  }
0x8a: {  	[hbm4b:s1+s2] =	stream.linear.scatter [tilespmem:s4], [sflag:$0x2], $0x6800, $0x38;
	[tilespmem:$0x7800] =	vst v63  }
0x8b: {  	s1 =	rddreg [dreg:$0x13]  }
0x8c: {  	p1 =	sne.s32 s1, $0x1  }
.Ltmp1:
0x8d: {  	_ = 	snop;
	(pc) =	sbr.rel @!p1 .LBB2_3-.Ltmp1, $3  }
0x8e: {  	_ =	sdelay $0x1  }
0x8f: {  	p0 =	por $0x1, $0x1;
	_ =	swait.ge [sflag:s3], $0x6800  }
0x90: {  	s1 =	sadd.s32 $0xFFFFFFFF, s1;
	s0 =	rddreg [dreg:$0x2];
	[sflag:s3] =	ssyncset.done $0x0  }
.LBB2_2:
0x91: {  	[sflag:s3] =	ssyncadd.s32 $0xFFFF9800  }
0x92: {  	[tilespmem:s2], [sflag:$0x2] =	stream.linear.gather [hbm4b:s0+s2], $0x800, $0x38;
	[tilespmem:$0x7800] =	vst v63  }
0x93: {  	_ =	swait.ge [sflag:s3], $0x800  }
0x94: {  	[sflag:s3] =	ssyncset.done $0x0  }
0x95: {  	s20 =	rddreg [dreg:$0x3];
	[sflag:s3] =	ssyncadd.s32 $0xFFFFF800  }
0x96: {  	[tilespmem:s6], [sflag:$0x2] =	stream.linear.gather [hbm4b:s20+s2], $0x800, $0x38;
	[tilespmem:$0x7800] =	vst v63  }
0x97: {  	_ =	swait.ge [sflag:s3], $0x800  }
0x98: {  	[sflag:s3] =	ssyncset.done $0x0  }
0x99: {  	s0 =	rddreg [dreg:$0x11];
	[sflag:s3] =	ssyncadd.s32 $0xFFFFF800  }
0x9a: {  	[tilespmem:s4], [sflag:$0x1] =	stream.indirect.gather [hbm4b:s0+s6], $0x1, s2, s6, $0xb8;
	[tilespmem:$0x7800] =	vst v63  }
0x9b: {  	s19 =	rddreg [dreg:$0x4]  }
0x9c: {  	[tilespmem:s21], [sflag:$0x1] =	stream.indirect.gather [hbm4b:s7+s6], $0x1, s19, s6, $0xb8;
	[tilespmem:$0x7800] =	vst v63  }
0x9d: {  	s0 =	rddreg [dreg:$0x5]  }
0x9e: {  	[tilespmem:s22], [sflag:$0x1] =	stream.indirect.gather [hbm4b:s8+s6], $0x1, s0, s6, $0xb8;
	[tilespmem:$0x7800] =	vst v63  }
0x9f: {  	s19 =	rddreg [dreg:$0x6]  }
0xa0: {  	[tilespmem:s23], [sflag:$0x1] =	stream.indirect.gather [hbm4b:s9+s6], $0x1, s19, s6, $0xb8;
	[tilespmem:$0x7800] =	vst v63  }
0xa1: {  	s0 =	rddreg [dreg:$0x7]  }
0xa2: {  	[tilespmem:s24], [sflag:$0x1] =	stream.indirect.gather [hbm4b:s10+s6], $0x1, s0, s6, $0xb8;
	[tilespmem:$0x7800] =	vst v63  }
0xa3: {  	s19 =	rddreg [dreg:$0x8]  }
0xa4: {  	[tilespmem:s25], [sflag:$0x1] =	stream.indirect.gather [hbm4b:s11+s6], $0x1, s19, s6, $0xb8;
	[tilespmem:$0x7800] =	vst v63  }
0xa5: {  	s0 =	rddreg [dreg:$0x9]  }
0xa6: {  	[tilespmem:s26], [sflag:$0x1] =	stream.indirect.gather [hbm4b:s12+s6], $0x1, s0, s6, $0xb8;
	[tilespmem:$0x7800] =	vst v63  }
0xa7: {  	s19 =	rddreg [dreg:$0xa]  }
0xa8: {  	[tilespmem:s28], [sflag:$0x1] =	stream.indirect.gather [hbm4b:s13+s6], $0x1, s19, s6, $0xb8;
	[tilespmem:$0x7800] =	vst v63  }
0xa9: {  	s0 =	rddreg [dreg:$0xb]  }
0xaa: {  	[tilespmem:s31], [sflag:$0x1] =	stream.indirect.gather [hbm4b:s14+s6], $0x1, s0, s6, $0xb8;
	[tilespmem:$0x7800] =	vst v63  }
0xab: {  	s19 =	rddreg [dreg:$0xc]  }
0xac: {  	[tilespmem:s30], [sflag:$0x1] =	stream.indirect.gather [hbm4b:s15+s6], $0x1, s19, s6, $0xb8;
	[tilespmem:$0x7800] =	vst v63  }
0xad: {  	s0 =	rddreg [dreg:$0xd]  }
0xae: {  	[tilespmem:s29], [sflag:$0x1] =	stream.indirect.gather [hbm4b:s16+s6], $0x1, s0, s6, $0xb8;
	[tilespmem:$0x7800] =	vst v63  }
0xaf: {  	s20 =	simm.s32 $0x6800;
	s19 =	rddreg [dreg:$0xe]  }
0xb0: {  	[tilespmem:s20], [sflag:$0x1] =	stream.indirect.gather [hbm4b:s17+s6], $0x1, s19, s6, $0xb8;
	[tilespmem:$0x7800] =	vst v63  }
0xb1: {  	s0 =	rddreg [dreg:$0xf];
	s20 =	simm.s32 $0x7000  }
0xb2: {  	[tilespmem:s20], [sflag:$0x1] =	stream.indirect.gather [hbm4b:s18+s6], $0x1, s0, s6, $0xb8;
	[tilespmem:$0x7800] =	vst v63  }
0xb3: {  	_ =	swait.ge [sflag:s5], $0x800  }
0xb4: {  	[sflag:s5] =	ssyncset.done $0x0  }
0xb5: {  	[sflag:s5] =	ssyncadd.s32 $0xFFFFF800  }
0xb6: {  	_ =	swait.ge [sflag:s5], $0x800  }
0xb7: {  	[sflag:s5] =	ssyncset.done $0x0  }
0xb8: {  	[sflag:s5] =	ssyncadd.s32 $0xFFFFF800  }
0xb9: {  	_ =	swait.ge [sflag:s5], $0x800  }
0xba: {  	[sflag:s5] =	ssyncset.done $0x0  }
0xbb: {  	[sflag:s5] =	ssyncadd.s32 $0xFFFFF800  }
0xbc: {  	_ =	swait.ge [sflag:s5], $0x800  }
0xbd: {  	[sflag:s5] =	ssyncset.done $0x0  }
0xbe: {  	[sflag:s5] =	ssyncadd.s32 $0xFFFFF800  }
0xbf: {  	_ =	swait.ge [sflag:s5], $0x800  }
0xc0: {  	[sflag:s5] =	ssyncset.done $0x0  }
0xc1: {  	[sflag:s5] =	ssyncadd.s32 $0xFFFFF800  }
0xc2: {  	_ =	swait.ge [sflag:s5], $0x800  }
0xc3: {  	[sflag:s5] =	ssyncset.done $0x0  }
0xc4: {  	[sflag:s5] =	ssyncadd.s32 $0xFFFFF800  }
0xc5: {  	_ =	swait.ge [sflag:s5], $0x800  }
0xc6: {  	[sflag:s5] =	ssyncset.done $0x0  }
0xc7: {  	[sflag:s5] =	ssyncadd.s32 $0xFFFFF800  }
0xc8: {  	_ =	swait.ge [sflag:s5], $0x800  }
0xc9: {  	[sflag:s5] =	ssyncset.done $0x0  }
0xca: {  	[sflag:s5] =	ssyncadd.s32 $0xFFFFF800  }
0xcb: {  	_ =	swait.ge [sflag:s5], $0x800  }
0xcc: {  	[sflag:s5] =	ssyncset.done $0x0  }
0xcd: {  	[sflag:s5] =	ssyncadd.s32 $0xFFFFF800  }
0xce: {  	_ =	swait.ge [sflag:s5], $0x800  }
0xcf: {  	[sflag:s5] =	ssyncset.done $0x0  }
0xd0: {  	[sflag:s5] =	ssyncadd.s32 $0xFFFFF800  }
0xd1: {  	_ =	swait.ge [sflag:s5], $0x800  }
0xd2: {  	[sflag:s5] =	ssyncset.done $0x0  }
0xd3: {  	[sflag:s5] =	ssyncadd.s32 $0xFFFFF800  }
0xd4: {  	_ =	swait.ge [sflag:s5], $0x800  }
0xd5: {  	[sflag:s5] =	ssyncset.done $0x0  }
0xd6: {  	[sflag:s5] =	ssyncadd.s32 $0xFFFFF800  }
0xd7: {  	p1 =	sne.s32 s1, $0x1;
	_ =	swait.ge [sflag:s5], $0x800  }
.Ltmp2:
0xd8: {  	[sflag:s5] =	ssyncset.done $0x0;
	(pc) =	sbr.rel @p1 .LBB2_2-.Ltmp2, $4  }
0xd9: {  	s0 =	rddreg [dreg:$0x10];
	[sflag:s5] =	ssyncadd.s32 $0xFFFFF800  }
0xda: {  	[hbm4b:s0+s2] =	stream.linear.scatter [tilespmem:s4], [sflag:$0x2], $0x6800, $0x38;
	[tilespmem:$0x7800] =	vst v63  }
0xdb: {  	s1 =	sadd.s32 $0xFFFFFFFF, s1;
	_ =	swait.ge [sflag:s3], $0x6800  }
0xdc: {  	s19 =	simm.s32 $0x6800;
	s0 =	rddreg [dreg:$0x2];
	[sflag:s3] =	ssyncset.done $0x0  }
.LBB2_3:
0xdd: {  	[sflag:s3] =	ssyncadd.s32 @p0 $0xFFFF9800  }
0xde: {  	[tilespmem:s2], [sflag:$0x2] =	stream.linear.gather [hbm4b:s0+s2], $0x800, $0x38;
	[tilespmem:$0x7800] =	vst v63  }
0xdf: {  	_ =	swait.ge [sflag:s3], $0x800  }
0xe0: {  	[sflag:s3] =	ssyncset.done $0x0  }
0xe1: {  	s1 =	rddreg [dreg:$0x3];
	[sflag:s3] =	ssyncadd.s32 $0xFFFFF800  }
0xe2: {  	[tilespmem:s6], [sflag:$0x2] =	stream.linear.gather [hbm4b:s1+s2], $0x800, $0x38;
	[tilespmem:$0x7800] =	vst v63  }
0xe3: {  	_ =	swait.ge [sflag:s3], $0x800  }
0xe4: {  	[sflag:s3] =	ssyncset.done $0x0  }
0xe5: {  	s0 =	rddreg [dreg:$0x11];
	[sflag:s3] =	ssyncadd.s32 $0xFFFFF800  }
0xe6: {  	[tilespmem:s4], [sflag:$0x1] =	stream.indirect.gather [hbm4b:s0+s6], $0x1, s2, s6, $0xb8;
	[tilespmem:$0x7800] =	vst v63  }
0xe7: {  	s1 =	rddreg [dreg:$0x4]  }
0xe8: {  	[tilespmem:s21], [sflag:$0x1] =	stream.indirect.gather [hbm4b:s7+s6], $0x1, s1, s6, $0xb8;
	[tilespmem:$0x7800] =	vst v63  }
0xe9: {  	s0 =	rddreg [dreg:$0x5]  }
0xea: {  	[tilespmem:s22], [sflag:$0x1] =	stream.indirect.gather [hbm4b:s8+s6], $0x1, s0, s6, $0xb8;
	[tilespmem:$0x7800] =	vst v63  }
0xeb: {  	s7 =	rddreg [dreg:$0x6]  }
0xec: {  	[tilespmem:s23], [sflag:$0x1] =	stream.indirect.gather [hbm4b:s9+s6], $0x1, s7, s6, $0xb8;
	[tilespmem:$0x7800] =	vst v63  }
0xed: {  	s8 =	rddreg [dreg:$0x7]  }
0xee: {  	[tilespmem:s24], [sflag:$0x1] =	stream.indirect.gather [hbm4b:s10+s6], $0x1, s8, s6, $0xb8;
	[tilespmem:$0x7800] =	vst v63  }
0xef: {  	s21 =	rddreg [dreg:$0x8]  }
0xf0: {  	[tilespmem:s25], [sflag:$0x1] =	stream.indirect.gather [hbm4b:s11+s6], $0x1, s21, s6, $0xb8;
	[tilespmem:$0x7800] =	vst v63  }
0xf1: {  	s22 =	rddreg [dreg:$0x9]  }
0xf2: {  	[tilespmem:s26], [sflag:$0x1] =	stream.indirect.gather [hbm4b:s12+s6], $0x1, s22, s6, $0xb8;
	[tilespmem:$0x7800] =	vst v63  }
0xf3: {  	s23 =	rddreg [dreg:$0xa]  }
0xf4: {  	[tilespmem:s28], [sflag:$0x1] =	stream.indirect.gather [hbm4b:s13+s6], $0x1, s23, s6, $0xb8;
	[tilespmem:$0x7800] =	vst v63  }
0xf5: {  	s24 =	rddreg [dreg:$0xb]  }
0xf6: {  	[tilespmem:s31], [sflag:$0x1] =	stream.indirect.gather [hbm4b:s14+s6], $0x1, s24, s6, $0xb8;
	[tilespmem:$0x7800] =	vst v63  }
0xf7: {  	s25 =	rddreg [dreg:$0xc]  }
0xf8: {  	[tilespmem:s30], [sflag:$0x1] =	stream.indirect.gather [hbm4b:s15+s6], $0x1, s25, s6, $0xb8;
	[tilespmem:$0x7800] =	vst v63  }
0xf9: {  	s26 =	rddreg [dreg:$0xd]  }
0xfa: {  	[tilespmem:s29], [sflag:$0x1] =	stream.indirect.gather [hbm4b:s16+s6], $0x1, s26, s6, $0xb8;
	[tilespmem:$0x7800] =	vst v63  }
0xfb: {  	s28 =	rddreg [dreg:$0xe]  }
0xfc: {  	[tilespmem:s19], [sflag:$0x1] =	stream.indirect.gather [hbm4b:s17+s6], $0x1, s28, s6, $0xb8;
	[tilespmem:$0x7800] =	vst v63  }
0xfd: {  	s29 =	rddreg [dreg:$0xf]  }
0xfe: {  	[tilespmem:s20], [sflag:$0x1] =	stream.indirect.gather [hbm4b:s18+s6], $0x1, s29, s6, $0xb8;
	[tilespmem:$0x7800] =	vst v63  }
0xff: {  	_ =	swait.ge [sflag:s5], $0x800  }
0x100: {  	[sflag:s5] =	ssyncset.done $0x0  }
0x101: {  	[sflag:s5] =	ssyncadd.s32 $0xFFFFF800  }
0x102: {  	_ =	swait.ge [sflag:s5], $0x800  }
0x103: {  	[sflag:s5] =	ssyncset.done $0x0  }
0x104: {  	[sflag:s5] =	ssyncadd.s32 $0xFFFFF800  }
0x105: {  	_ =	swait.ge [sflag:s5], $0x800  }
0x106: {  	[sflag:s5] =	ssyncset.done $0x0  }
0x107: {  	[sflag:s5] =	ssyncadd.s32 $0xFFFFF800  }
0x108: {  	_ =	swait.ge [sflag:s5], $0x800  }
0x109: {  	[sflag:s5] =	ssyncset.done $0x0  }
0x10a: {  	[sflag:s5] =	ssyncadd.s32 $0xFFFFF800  }
0x10b: {  	_ =	swait.ge [sflag:s5], $0x800  }
0x10c: {  	[sflag:s5] =	ssyncset.done $0x0  }
0x10d: {  	[sflag:s5] =	ssyncadd.s32 $0xFFFFF800  }
0x10e: {  	_ =	swait.ge [sflag:s5], $0x800  }
0x10f: {  	[sflag:s5] =	ssyncset.done $0x0  }
0x110: {  	[sflag:s5] =	ssyncadd.s32 $0xFFFFF800  }
0x111: {  	_ =	swait.ge [sflag:s5], $0x800  }
0x112: {  	[sflag:s5] =	ssyncset.done $0x0  }
0x113: {  	[sflag:s5] =	ssyncadd.s32 $0xFFFFF800  }
0x114: {  	_ =	swait.ge [sflag:s5], $0x800  }
0x115: {  	[sflag:s5] =	ssyncset.done $0x0  }
0x116: {  	[sflag:s5] =	ssyncadd.s32 $0xFFFFF800  }
0x117: {  	_ =	swait.ge [sflag:s5], $0x800  }
0x118: {  	[sflag:s5] =	ssyncset.done $0x0  }
0x119: {  	[sflag:s5] =	ssyncadd.s32 $0xFFFFF800  }
0x11a: {  	_ =	swait.ge [sflag:s5], $0x800  }
0x11b: {  	[sflag:s5] =	ssyncset.done $0x0  }
0x11c: {  	[sflag:s5] =	ssyncadd.s32 $0xFFFFF800  }
0x11d: {  	_ =	swait.ge [sflag:s5], $0x800  }
0x11e: {  	[sflag:s5] =	ssyncset.done $0x0  }
0x11f: {  	[sflag:s5] =	ssyncadd.s32 $0xFFFFF800  }
0x120: {  	_ =	swait.ge [sflag:s5], $0x800  }
0x121: {  	[sflag:s5] =	ssyncset.done $0x0  }
0x122: {  	[sflag:s5] =	ssyncadd.s32 $0xFFFFF800  }
0x123: {  	_ =	swait.ge [sflag:s5], $0x800  }
0x124: {  	[sflag:s5] =	ssyncset.done $0x0  }
0x125: {  	s30 =	rddreg [dreg:$0x10];
	[sflag:s5] =	ssyncadd.s32 $0xFFFFF800  }
0x126: {  	[hbm4b:s30+s2] =	stream.linear.scatter [tilespmem:s4], [sflag:$0x2], $0x6800, $0x38;
	[tilespmem:$0x7800] =	vst v63  }
0x127: {  	_ =	swait.ge [sflag:s3], $0x6800  }
0x128: {  	[sflag:s3] =	ssyncset.done $0x0  }
0x129: {  	[sflag:s3] =	ssyncadd.s32 $0xFFFF9800  }
0x12a: {  	_ =	sfence.sel $0x180000  }
0x12b: {  	[bflag:$0x0] =	sbarrier.arrive $0xFFFF  }
0x12c: {  	_ =	strace $0x90000047  }
0x12d: {  	s31 =	stileid.u32;
	[bflag:$0x2] =	sbarrier.arrive $0xFFFF  }
0x12e: {  	p0 =	sne.s32 s31, $0x0;
	s0 =	rddreg [dreg:$0x1]  }
0x12f: {  	s0 =	sadd.s32 @!p0 $0x100000, s0  }
0x130: {  	[sflag:s0] =	ssyncadd.tile.s32 @!p0 $0x1;
	_ =	shalt  }
.Lfunc_end2:
_tile_overlayer_lowered:
.L_overlay_start_2:
0x131: {  	(tag) =	ssettag $0x2  }
0x132: {  	s0 =	rddreg [dreg:$0x0];
	s2 =	stileid.u32  }
0x133: {  	s1 =	rddreg [dreg:$0x1];
	p0 =	sne.s32 s2, $0x0  }
0x134: {  	s3 =	rddreg [dreg:$0x2];
	[bflag:$0x3] =	sbarrier.arrive $0xFFFF;
	s2 =	simm.s32 @!p0 $0x1C02  }
0x135: {  	[timem:s3], [sflag:s2] =	dma.local @!p0 [hbm:s0], s1  }
0x136: {  	s0 =	simm.s32 @!p0 $0x2  }
0x137: {  	_ =	swait.ge @!p0 [sflag:s0], s1  }
0x138: {  	s1 =	ssub.s32 @!p0 $0x0, s1;
	[sflag:s0] =	ssyncset.done @!p0 $0x0  }
0x139: {  	[sflag:s0] =	ssyncadd.s32 @!p0 s1  }
0x13a: {  	[bflag:$0x3] =	sbarrier.arrive $0xFFFF  }
0x13b: {  	_ =	shalt  }

</sc_bundles>
